<compile_context>
chip_gen: v7x
topology: tpu7x:2x2x1
jax: 0.10.2.dev20260603
libtpu: 0.0.44.dev20260713+nightly
codegen_flags: <defaults>
</compile_context>

<pallas_src>
import jax
import jax.numpy as jnp
from jax import lax
from jax.experimental import pallas as pl
from jax.experimental.pallas import tpu as pltpu
from jax.experimental.pallas import tpu_sc as plsc

NC = 2
NS = 16
NW = NC * NS
SEQ = 50
EMB = 64
ROWS = 128
LANES = 16
RBLK = 256


def _proj_body(t_ref, w_ref, b_ref, o_ref):
    p = lax.dot_general(w_ref[...], t_ref[...], (((1,), (0,)), ((), ())),
                        preferred_element_type=jnp.float32)
    p = p + b_ref[...]
    pu = lax.bitcast_convert_type(p.astype(jnp.bfloat16), jnp.uint16)
    pu = pu.astype(jnp.int32)
    word = (pu[1:2, :] << 16) | pu[0:1, :]
    o_ref[...] = word.reshape(RBLK, 128)


def _sc_body(x_hbm, pt_hbm, out_hbm, idx_v, g0, g1, g2, g3,
             acc0, acc1, pt_s, s0, s1, s2, s3):
    cid = lax.axis_index("c")
    tid = lax.axis_index("s")
    wid = cid * NS + tid
    b_per_w = acc0.shape[0]
    base = wid * b_per_w
    nj = b_per_w // ROWS
    bufs = (g0, g1, g2, g3)
    sems = (s0, s1, s2, s3)
    n_rows = pt_s.shape[0]

    sl = n_rows // 8

    chunk = 489 * 128
    tail = n_rows - 15 * chunk

    @pl.when(tid < 15)
    def _():
        pltpu.sync_copy(pt_hbm.at[pl.ds(tid * chunk, chunk)],
                        pt_s.at[pl.ds(tid * chunk, chunk)])

    @pl.when(tid == 15)
    def _():
        pltpu.sync_copy(pt_hbm.at[pl.ds(15 * chunk, tail)],
                        pt_s.at[pl.ds(15 * chunk, tail)])

    pltpu.sync_copy(x_hbm.at[:, pl.ds(base, b_per_w)], idx_v)

    zero = jnp.zeros((LANES,), jnp.float32)
    for g in range(b_per_w // LANES):
        acc0[pl.ds(g * LANES, LANES)] = zero
        acc1[pl.ds(g * LANES, LANES)] = zero

    plsc.subcore_barrier()

    def _gather(s, j, buf, sem):
        return pltpu.make_async_copy(
            pt_s.at[idx_v.at[s, pl.ds(j * ROWS, ROWS)]], buf, sem)

    for j in range(nj):
        _gather(0, j, bufs[j], sems[j]).start()

    himask = jnp.int32(-65536)

    def _step(s, carry):
        for j in range(nj):
            _gather(s, j, bufs[j], sems[j]).wait()
            for g in range(ROWS // LANES):
                off = j * ROWS + g * LANES
                v = bufs[j][pl.ds(off - j * ROWS, LANES)]
                a = lax.bitcast_convert_type(v << 16, jnp.float32)
                b = lax.bitcast_convert_type(v & himask, jnp.float32)
                plsc.addupdate(acc0.at[pl.ds(off, LANES)], a)
                plsc.addupdate(acc1.at[pl.ds(off, LANES)], b)

            @pl.when(s + 1 < SEQ)
            def _():
                _gather(s + 1, j, bufs[j], sems[j]).start()
        return carry

    lax.fori_loop(0, SEQ, _step, 0)

    inv = jnp.float32(1.0 / SEQ)
    for g in range(b_per_w // LANES):
        s_ = pl.ds(g * LANES, LANES)
        acc0[s_] = acc0[s_] * inv
        acc1[s_] = acc1[s_] * inv

    pltpu.sync_copy(acc0, out_hbm.at[0, pl.ds(base, b_per_w)])
    pltpu.sync_copy(acc1, out_hbm.at[1, pl.ds(base, b_per_w)])


def kernel(x, table, W, b):
    seq, batch = x.shape
    vocab = table.shape[0]
    b_per_w = batch // NW
    ptrows = (vocab + 127) // 128
    pt_n = ptrows * 128
    grid = (ptrows + RBLK - 1) // RBLK

    tbl_t = table.T

    pt2d = pl.pallas_call(
        _proj_body,
        grid=(grid,),
        in_specs=[
            pl.BlockSpec((EMB, RBLK * 128), lambda i: (0, i)),
            pl.BlockSpec((2, EMB), lambda i: (0, 0)),
            pl.BlockSpec((2, 1), lambda i: (0, 0)),
        ],
        out_specs=pl.BlockSpec((RBLK, 128), lambda i: (i, 0)),
        out_shape=jax.ShapeDtypeStruct((ptrows, 128), jnp.int32),
    )(tbl_t, W, b.reshape(2, 1))
    pt16 = pt2d.reshape(pt_n)

    sc = pl.kernel(
        _sc_body,
        out_type=jax.ShapeDtypeStruct((2, batch), jnp.float32),
        mesh=plsc.VectorSubcoreMesh(core_axis_name="c", subcore_axis_name="s"),
        compiler_params=pltpu.CompilerParams(use_tc_tiling_on_sc=False),
        scratch_types=[
            pltpu.VMEM((seq, b_per_w), jnp.int32),
            pltpu.VMEM((ROWS,), jnp.int32),
            pltpu.VMEM((ROWS,), jnp.int32),
            pltpu.VMEM((ROWS,), jnp.int32),
            pltpu.VMEM((ROWS,), jnp.int32),
            pltpu.VMEM((b_per_w,), jnp.float32),
            pltpu.VMEM((b_per_w,), jnp.float32),
            pltpu.VMEM_SHARED((pt_n,), jnp.int32),
            pltpu.SemaphoreType.DMA,
            pltpu.SemaphoreType.DMA,
            pltpu.SemaphoreType.DMA,
            pltpu.SemaphoreType.DMA,
        ],
    )
    out2 = sc(x.astype(jnp.int32), pt16)
    return out2.T

# --- scband reference (transcript-rebuilt; emitter-appended) ---
"""Pipeline reference for scband-word-avgmodel-82188494176403 (READ-ONLY COPY).

The authoritative reference and input builder live on the scoring server;
editing this copy changes nothing except your own understanding.
"""

import jax, jax.numpy as jnp
import numpy as np

VOCAB = 1000000
EMB = 64
OUT = 2
PAD_IDX = 0
SEQ = 50
BATCH = 16384


def setup_inputs(seed: int = 0) -> dict:
    key = jax.random.key(seed)
    k1, k2, k3 = jax.random.split(key, 3)
    x = jax.random.randint(k1, (SEQ, BATCH), 0, VOCAB)
    table = jax.random.normal(k2, (VOCAB, EMB), dtype=jnp.float32) * 0.02
    table = table.at[PAD_IDX].set(0.0)  # nn.Embedding padding_idx row is zero
    W = jax.random.normal(k3, (OUT, EMB), dtype=jnp.float32) * 0.02
    b = jnp.zeros((OUT,), dtype=jnp.float32)
    return {"x": x, "table": table, "W": W, "b": b}


def reference(x, table, W, b):
    # embedding lookup: [seq, batch] -> [seq, batch, emb]
    emb = jnp.take(table, x, axis=0)
    # permute(1, 0, 2): [batch, seq, emb]
    emb = jnp.transpose(emb, (1, 0, 2))
    # avg_pool2d over (seq_len, 1) then squeeze(1) == mean over seq axis
    pooled = jnp.mean(emb, axis=1)  # [batch, emb]
    # linear
    out = pooled @ W.T + b  # [batch, out]
    return out

if __name__ == "__main__":
    import jax
    _d = setup_inputs()
    print(jax.jit(kernel)(*tuple(_d.values())))

</pallas_src>

<mosaic_0001>
#map = affine_map<(d0, d1) -> (0, 0)>
#map1 = affine_map<(d0, d1) -> (0)>
module attributes {stable_mosaic.version = 14 : i64} {
  func.func @_sc_body(%arg0: i32, %arg1: i32, %arg2: memref<50x16384xi32, #tpu.memory_space<hbm>>, %arg3: memref<1000064xi32, #tpu.memory_space<hbm>>, %arg4: memref<2x16384xf32, #tpu.memory_space<hbm>>, %arg5: memref<50x512xi32, #tpu.memory_space<vmem>>, %arg6: memref<128xi32, #tpu.memory_space<vmem>>, %arg7: memref<128xi32, #tpu.memory_space<vmem>>, %arg8: memref<128xi32, #tpu.memory_space<vmem>>, %arg9: memref<128xi32, #tpu.memory_space<vmem>>, %arg10: memref<512xf32, #tpu.memory_space<vmem>>, %arg11: memref<512xf32, #tpu.memory_space<vmem>>, %arg12: memref<1000064xi32, #tpu.memory_space<vmem_shared>>, %arg13: memref<!tpu.dma_semaphore, #tpu.memory_space<semaphore_mem>>, %arg14: memref<!tpu.dma_semaphore, #tpu.memory_space<semaphore_mem>>, %arg15: memref<!tpu.dma_semaphore, #tpu.memory_space<semaphore_mem>>, %arg16: memref<!tpu.dma_semaphore, #tpu.memory_space<semaphore_mem>>) attributes {dimension_semantics = [#tpu.dimension_semantics<core_parallel>, #tpu.dimension_semantics<subcore_parallel>], iteration_bounds = array<i64: 2, 16>, scalar_prefetch = 0 : i64, scratch_operands = 12 : i64, tpu.core_type = #tpu.core_type<sc_vector_subcore>, window_params = [{transform_indices = #map}, {transform_indices = #map1}, {transform_indices = #map}]} {
    %mul3A = arith.constant 16 : i32
    %mul3A_0 = arith.muli %arg0, %mul3A : i32
    %add3A = arith.addi %mul3A_0, %arg1 : i32
    %mul3A_1 = arith.constant 512 : i32
    %mul3A_2 = arith.muli %add3A, %mul3A_1 : i32
    %lt3A = arith.constant 15 : i32
    %lt3A_3 = arith.cmpi slt, %arg1, %lt3A : i32
    %convert_element_type3A = arith.extui %lt3A_3 : i1 to i32
    %cond3A = arith.constant 0 : i32
    %cond3A_4 = arith.cmpi ne, %convert_element_type3A, %cond3A : i32
    scf.if %cond3A_4 {
      %mul3A_934 = arith.constant 62592 : i32
      %mul3A_935 = arith.muli %arg1, %mul3A_934 : i32
      %mul3A_936 = arith.constant 62592 : i32
      %mul3A_937 = arith.muli %arg1, %mul3A_936 : i32
      "tpu.region"() ({
        %run_scoped3A_938 = tpu.sem_alloc : memref<!tpu.dma_semaphore, #tpu.memory_space<semaphore_mem>>
        %dma_start3A_939 = tpu.memref_slice %arg12[%mul3A_937] : memref<1000064xi32, #tpu.memory_space<vmem_shared>> -> memref<62592xi32, #tpu.memory_space<vmem_shared>>
        %dma_start3A_940 = tpu.memref_slice %arg3[%mul3A_935] : memref<1000064xi32, #tpu.memory_space<hbm>> -> memref<62592xi32, #tpu.memory_space<hbm>>
        tpu.enqueue_dma source(%dma_start3A_940 : memref<62592xi32, #tpu.memory_space<hbm>>) target(%dma_start3A_939 : memref<62592xi32, #tpu.memory_space<vmem_shared>>) target_semaphore(%run_scoped3A_938 : memref<!tpu.dma_semaphore, #tpu.memory_space<semaphore_mem>>)
        %dma_wait3A = tpu.memref_slice %arg12[%mul3A_937] : memref<1000064xi32, #tpu.memory_space<vmem_shared>> -> memref<62592xi32, #tpu.memory_space<vmem_shared>>
        %dma_wait3A_941 = tpu.memref_slice %arg3[%mul3A_935] : memref<1000064xi32, #tpu.memory_space<hbm>> -> memref<62592xi32, #tpu.memory_space<hbm>>
        tpu.wait_dma2 semaphore(%run_scoped3A_938 : memref<!tpu.dma_semaphore, #tpu.memory_space<semaphore_mem>>) src(%dma_wait3A_941 : memref<62592xi32, #tpu.memory_space<hbm>>) dst(%dma_wait3A : memref<62592xi32, #tpu.memory_space<vmem_shared>>)
        tpu.yield
      }) : () -> ()
    } else {
    }
    %eq3A = arith.constant 15 : i32
    %eq3A_5 = arith.cmpi eq, %arg1, %eq3A : i32
    %convert_element_type3A_6 = arith.extui %eq3A_5 : i1 to i32
    %cond3A_7 = arith.constant 0 : i32
    %cond3A_8 = arith.cmpi ne, %convert_element_type3A_6, %cond3A_7 : i32
    scf.if %cond3A_8 {
      "tpu.region"() ({
        %run_scoped3A_934 = tpu.sem_alloc : memref<!tpu.dma_semaphore, #tpu.memory_space<semaphore_mem>>
        %dma_start3A_935 = arith.constant 938880 : i32
        %dma_start3A_936 = tpu.memref_slice %arg12[%dma_start3A_935] : memref<1000064xi32, #tpu.memory_space<vmem_shared>> -> memref<61184xi32, #tpu.memory_space<vmem_shared>>
        %dma_start3A_937 = arith.constant 938880 : i32
        %dma_start3A_938 = tpu.memref_slice %arg3[%dma_start3A_937] : memref<1000064xi32, #tpu.memory_space<hbm>> -> memref<61184xi32, #tpu.memory_space<hbm>>
        tpu.enqueue_dma source(%dma_start3A_938 : memref<61184xi32, #tpu.memory_space<hbm>>) target(%dma_start3A_936 : memref<61184xi32, #tpu.memory_space<vmem_shared>>) target_semaphore(%run_scoped3A_934 : memref<!tpu.dma_semaphore, #tpu.memory_space<semaphore_mem>>)
        %dma_wait3A = arith.constant 938880 : i32
        %dma_wait3A_939 = tpu.memref_slice %arg12[%dma_wait3A] : memref<1000064xi32, #tpu.memory_space<vmem_shared>> -> memref<61184xi32, #tpu.memory_space<vmem_shared>>
        %dma_wait3A_940 = arith.constant 938880 : i32
        %dma_wait3A_941 = tpu.memref_slice %arg3[%dma_wait3A_940] : memref<1000064xi32, #tpu.memory_space<hbm>> -> memref<61184xi32, #tpu.memory_space<hbm>>
        tpu.wait_dma2 semaphore(%run_scoped3A_934 : memref<!tpu.dma_semaphore, #tpu.memory_space<semaphore_mem>>) src(%dma_wait3A_941 : memref<61184xi32, #tpu.memory_space<hbm>>) dst(%dma_wait3A_939 : memref<61184xi32, #tpu.memory_space<vmem_shared>>)
        tpu.yield
      }) : () -> ()
    } else {
    }
    "tpu.region"() ({
      %run_scoped3A_934 = tpu.sem_alloc : memref<!tpu.dma_semaphore, #tpu.memory_space<semaphore_mem>>
      %dma_start3A_935 = arith.constant 0 : i32
      %dma_start3A_936 = tpu.memref_slice %arg2[%dma_start3A_935, %mul3A_2] : memref<50x16384xi32, #tpu.memory_space<hbm>> -> memref<50x512xi32, #tpu.memory_space<hbm>>
      %dma_start3A_937 = arith.constant 0 : i32
      %dma_start3A_938 = tpu.memref_slice %arg2[%dma_start3A_937, %mul3A_2] : memref<50x16384xi32, #tpu.memory_space<hbm>> -> memref<50x512xi32, #tpu.memory_space<hbm>>
      tpu.enqueue_dma source(%dma_start3A_938 : memref<50x512xi32, #tpu.memory_space<hbm>>) target(%arg5 : memref<50x512xi32, #tpu.memory_space<vmem>>) target_semaphore(%run_scoped3A_934 : memref<!tpu.dma_semaphore, #tpu.memory_space<semaphore_mem>>)
      %dma_wait3A = arith.constant 0 : i32
      %dma_wait3A_939 = tpu.memref_slice %arg2[%dma_wait3A, %mul3A_2] : memref<50x16384xi32, #tpu.memory_space<hbm>> -> memref<50x512xi32, #tpu.memory_space<hbm>>
      %dma_wait3A_940 = arith.constant 0 : i32
      %dma_wait3A_941 = tpu.memref_slice %arg2[%dma_wait3A_940, %mul3A_2] : memref<50x16384xi32, #tpu.memory_space<hbm>> -> memref<50x512xi32, #tpu.memory_space<hbm>>
      tpu.wait_dma2 semaphore(%run_scoped3A_934 : memref<!tpu.dma_semaphore, #tpu.memory_space<semaphore_mem>>) src(%dma_wait3A_941 : memref<50x512xi32, #tpu.memory_space<hbm>>) dst(%arg5 : memref<50x512xi32, #tpu.memory_space<vmem>>)
      tpu.yield
    }) : () -> ()
    %broadcast_in_dim3A = arith.constant 0.000000e+00 : f32
    %broadcast_in_dim3A_9 = vector.broadcast %broadcast_in_dim3A : f32 to vector<16xf32>
    %swap3A = arith.constant 0 : index
    %swap3A_10 = tpu.vector_load %arg10[%swap3A] {strides = array<i32>} : memref<512xf32, #tpu.memory_space<vmem>>, vector<16xf32>,
    %swap3A_11 = vector.shape_cast %swap3A_10 : vector<16xf32> to vector<16xf32>
    %swap3A_12 = vector.shape_cast %broadcast_in_dim3A_9 : vector<16xf32> to vector<16xf32>
    tpu.vector_store %arg10[%swap3A], %swap3A_12 {strides = array<i32>} : memref<512xf32, #tpu.memory_space<vmem>>, vector<16xf32>,
    %swap3A_13 = arith.constant 0 : index
    %swap3A_14 = tpu.vector_load %arg11[%swap3A_13] {strides = array<i32>} : memref<512xf32, #tpu.memory_space<vmem>>, vector<16xf32>,
    %swap3A_15 = vector.shape_cast %swap3A_14 : vector<16xf32> to vector<16xf32>
    %swap3A_16 = vector.shape_cast %broadcast_in_dim3A_9 : vector<16xf32> to vector<16xf32>
    tpu.vector_store %arg11[%swap3A_13], %swap3A_16 {strides = array<i32>} : memref<512xf32, #tpu.memory_space<vmem>>, vector<16xf32>,
    %swap3A_17 = arith.constant 16 : index
    %swap3A_18 = tpu.vector_load %arg10[%swap3A_17] {strides = array<i32>} : memref<512xf32, #tpu.memory_space<vmem>>, vector<16xf32>,
    %swap3A_19 = vector.shape_cast %swap3A_18 : vector<16xf32> to vector<16xf32>
    %swap3A_20 = vector.shape_cast %broadcast_in_dim3A_9 : vector<16xf32> to vector<16xf32>
    tpu.vector_store %arg10[%swap3A_17], %swap3A_20 {strides = array<i32>} : memref<512xf32, #tpu.memory_space<vmem>>, vector<16xf32>,
    %swap3A_21 = arith.constant 16 : index
    %swap3A_22 = tpu.vector_load %arg11[%swap3A_21] {strides = array<i32>} : memref<512xf32, #tpu.memory_space<vmem>>, vector<16xf32>,
    %swap3A_23 = vector.shape_cast %swap3A_22 : vector<16xf32> to vector<16xf32>
    %swap3A_24 = vector.shape_cast %broadcast_in_dim3A_9 : vector<16xf32> to vector<16xf32>
    tpu.vector_store %arg11[%swap3A_21], %swap3A_24 {strides = array<i32>} : memref<512xf32, #tpu.memory_space<vmem>>, vector<16xf32>,
    %swap3A_25 = arith.constant 32 : index
    %swap3A_26 = tpu.vector_load %arg10[%swap3A_25] {strides = array<i32>} : memref<512xf32, #tpu.memory_space<vmem>>, vector<16xf32>,
    %swap3A_27 = vector.shape_cast %swap3A_26 : vector<16xf32> to vector<16xf32>
    %swap3A_28 = vector.shape_cast %broadcast_in_dim3A_9 : vector<16xf32> to vector<16xf32>
    tpu.vector_store %arg10[%swap3A_25], %swap3A_28 {strides = array<i32>} : memref<512xf32, #tpu.memory_space<vmem>>, vector<16xf32>,
    %swap3A_29 = arith.constant 32 : index
    %swap3A_30 = tpu.vector_load %arg11[%swap3A_29] {strides = array<i32>} : memref<512xf32, #tpu.memory_space<vmem>>, vector<16xf32>,
    %swap3A_31 = vector.shape_cast %swap3A_30 : vector<16xf32> to vector<16xf32>
    %swap3A_32 = vector.shape_cast %broadcast_in_dim3A_9 : vector<16xf32> to vector<16xf32>
    tpu.vector_store %arg11[%swap3A_29], %swap3A_32 {strides = array<i32>} : memref<512xf32, #tpu.memory_space<vmem>>, vector<16xf32>,
    %swap3A_33 = arith.constant 48 : index
    %swap3A_34 = tpu.vector_load %arg10[%swap3A_33] {strides = array<i32>} : memref<512xf32, #tpu.memory_space<vmem>>, vector<16xf32>,
    %swap3A_35 = vector.shape_cast %swap3A_34 : vector<16xf32> to vector<16xf32>
    %swap3A_36 = vector.shape_cast %broadcast_in_dim3A_9 : vector<16xf32> to vector<16xf32>
    tpu.vector_store %arg10[%swap3A_33], %swap3A_36 {strides = array<i32>} : memref<512xf32, #tpu.memory_space<vmem>>, vector<16xf32>,
    %swap3A_37 = arith.constant 48 : index
    %swap3A_38 = tpu.vector_load %arg11[%swap3A_37] {strides = array<i32>} : memref<512xf32, #tpu.memory_space<vmem>>, vector<16xf32>,
    %swap3A_39 = vector.shape_cast %swap3A_38 : vector<16xf32> to vector<16xf32>
    %swap3A_40 = vector.shape_cast %broadcast_in_dim3A_9 : vector<16xf32> to vector<16xf32>
    tpu.vector_store %arg11[%swap3A_37], %swap3A_40 {strides = array<i32>} : memref<512xf32, #tpu.memory_space<vmem>>, vector<16xf32>,
    %swap3A_41 = arith.constant 64 : index
    %swap3A_42 = tpu.vector_load %arg10[%swap3A_41] {strides = array<i32>} : memref<512xf32, #tpu.memory_space<vmem>>, vector<16xf32>,
    %swap3A_43 = vector.shape_cast %swap3A_42 : vector<16xf32> to vector<16xf32>
    %swap3A_44 = vector.shape_cast %broadcast_in_dim3A_9 : vector<16xf32> to vector<16xf32>
    tpu.vector_store %arg10[%swap3A_41], %swap3A_44 {strides = array<i32>} : memref<512xf32, #tpu.memory_space<vmem>>, vector<16xf32>,
    %swap3A_45 = arith.constant 64 : index
    %swap3A_46 = tpu.vector_load %arg11[%swap3A_45] {strides = array<i32>} : memref<512xf32, #tpu.memory_space<vmem>>, vector<16xf32>,
    %swap3A_47 = vector.shape_cast %swap3A_46 : vector<16xf32> to vector<16xf32>
    %swap3A_48 = vector.shape_cast %broadcast_in_dim3A_9 : vector<16xf32> to vector<16xf32>
    tpu.vector_store %arg11[%swap3A_45], %swap3A_48 {strides = array<i32>} : memref<512xf32, #tpu.memory_space<vmem>>, vector<16xf32>,
    %swap3A_49 = arith.constant 80 : index
    %swap3A_50 = tpu.vector_load %arg10[%swap3A_49] {strides = array<i32>} : memref<512xf32, #tpu.memory_space<vmem>>, vector<16xf32>,
    %swap3A_51 = vector.shape_cast %swap3A_50 : vector<16xf32> to vector<16xf32>
    %swap3A_52 = vector.shape_cast %broadcast_in_dim3A_9 : vector<16xf32> to vector<16xf32>
    tpu.vector_store %arg10[%swap3A_49], %swap3A_52 {strides = array<i32>} : memref<512xf32, #tpu.memory_space<vmem>>, vector<16xf32>,
    %swap3A_53 = arith.constant 80 : index
    %swap3A_54 = tpu.vector_load %arg11[%swap3A_53] {strides = array<i32>} : memref<512xf32, #tpu.memory_space<vmem>>, vector<16xf32>,
    %swap3A_55 = vector.shape_cast %swap3A_54 : vector<16xf32> to vector<16xf32>
    %swap3A_56 = vector.shape_cast %broadcast_in_dim3A_9 : vector<16xf32> to vector<16xf32>
    tpu.vector_store %arg11[%swap3A_53], %swap3A_56 {strides = array<i32>} : memref<512xf32, #tpu.memory_space<vmem>>, vector<16xf32>,
    %swap3A_57 = arith.constant 96 : index
    %swap3A_58 = tpu.vector_load %arg10[%swap3A_57] {strides = array<i32>} : memref<512xf32, #tpu.memory_space<vmem>>, vector<16xf32>,
    %swap3A_59 = vector.shape_cast %swap3A_58 : vector<16xf32> to vector<16xf32>
    %swap3A_60 = vector.shape_cast %broadcast_in_dim3A_9 : vector<16xf32> to vector<16xf32>
    tpu.vector_store %arg10[%swap3A_57], %swap3A_60 {strides = array<i32>} : memref<512xf32, #tpu.memory_space<vmem>>, vector<16xf32>,
    %swap3A_61 = arith.constant 96 : index
    %swap3A_62 = tpu.vector_load %arg11[%swap3A_61] {strides = array<i32>} : memref<512xf32, #tpu.memory_space<vmem>>, vector<16xf32>,
    %swap3A_63 = vector.shape_cast %swap3A_62 : vector<16xf32> to vector<16xf32>
    %swap3A_64 = vector.shape_cast %broadcast_in_dim3A_9 : vector<16xf32> to vector<16xf32>
    tpu.vector_store %arg11[%swap3A_61], %swap3A_64 {strides = array<i32>} : memref<512xf32, #tpu.memory_space<vmem>>, vector<16xf32>,
    %swap3A_65 = arith.constant 112 : index
    %swap3A_66 = tpu.vector_load %arg10[%swap3A_65] {strides = array<i32>} : memref<512xf32, #tpu.memory_space<vmem>>, vector<16xf32>,
    %swap3A_67 = vector.shape_cast %swap3A_66 : vector<16xf32> to vector<16xf32>
    %swap3A_68 = vector.shape_cast %broadcast_in_dim3A_9 : vector<16xf32> to vector<16xf32>
    tpu.vector_store %arg10[%swap3A_65], %swap3A_68 {strides = array<i32>} : memref<512xf32, #tpu.memory_space<vmem>>, vector<16xf32>,
    %swap3A_69 = arith.constant 112 : index
    %swap3A_70 = tpu.vector_load %arg11[%swap3A_69] {strides = array<i32>} : memref<512xf32, #tpu.memory_space<vmem>>, vector<16xf32>,
    %swap3A_71 = vector.shape_cast %swap3A_70 : vector<16xf32> to vector<16xf32>
    %swap3A_72 = vector.shape_cast %broadcast_in_dim3A_9 : vector<16xf32> to vector<16xf32>
    tpu.vector_store %arg11[%swap3A_69], %swap3A_72 {strides = array<i32>} : memref<512xf32, #tpu.memory_space<vmem>>, vector<16xf32>,
    %swap3A_73 = arith.constant 128 : index
    %swap3A_74 = tpu.vector_load %arg10[%swap3A_73] {strides = array<i32>} : memref<512xf32, #tpu.memory_space<vmem>>, vector<16xf32>,
    %swap3A_75 = vector.shape_cast %swap3A_74 : vector<16xf32> to vector<16xf32>
    %swap3A_76 = vector.shape_cast %broadcast_in_dim3A_9 : vector<16xf32> to vector<16xf32>
    tpu.vector_store %arg10[%swap3A_73], %swap3A_76 {strides = array<i32>} : memref<512xf32, #tpu.memory_space<vmem>>, vector<16xf32>,
    %swap3A_77 = arith.constant 128 : index
    %swap3A_78 = tpu.vector_load %arg11[%swap3A_77] {strides = array<i32>} : memref<512xf32, #tpu.memory_space<vmem>>, vector<16xf32>,
    %swap3A_79 = vector.shape_cast %swap3A_78 : vector<16xf32> to vector<16xf32>
    %swap3A_80 = vector.shape_cast %broadcast_in_dim3A_9 : vector<16xf32> to vector<16xf32>
    tpu.vector_store %arg11[%swap3A_77], %swap3A_80 {strides = array<i32>} : memref<512xf32, #tpu.memory_space<vmem>>, vector<16xf32>,
    %swap3A_81 = arith.constant 144 : index
    %swap3A_82 = tpu.vector_load %arg10[%swap3A_81] {strides = array<i32>} : memref<512xf32, #tpu.memory_space<vmem>>, vector<16xf32>,
    %swap3A_83 = vector.shape_cast %swap3A_82 : vector<16xf32> to vector<16xf32>
    %swap3A_84 = vector.shape_cast %broadcast_in_dim3A_9 : vector<16xf32> to vector<16xf32>
    tpu.vector_store %arg10[%swap3A_81], %swap3A_84 {strides = array<i32>} : memref<512xf32, #tpu.memory_space<vmem>>, vector<16xf32>,
    %swap3A_85 = arith.constant 144 : index
    %swap3A_86 = tpu.vector_load %arg11[%swap3A_85] {strides = array<i32>} : memref<512xf32, #tpu.memory_space<vmem>>, vector<16xf32>,
    %swap3A_87 = vector.shape_cast %swap3A_86 : vector<16xf32> to vector<16xf32>
    %swap3A_88 = vector.shape_cast %broadcast_in_dim3A_9 : vector<16xf32> to vector<16xf32>
    tpu.vector_store %arg11[%swap3A_85], %swap3A_88 {strides = array<i32>} : memref<512xf32, #tpu.memory_space<vmem>>, vector<16xf32>,
    %swap3A_89 = arith.constant 160 : index
    %swap3A_90 = tpu.vector_load %arg10[%swap3A_89] {strides = array<i32>} : memref<512xf32, #tpu.memory_space<vmem>>, vector<16xf32>,
    %swap3A_91 = vector.shape_cast %swap3A_90 : vector<16xf32> to vector<16xf32>
    %swap3A_92 = vector.shape_cast %broadcast_in_dim3A_9 : vector<16xf32> to vector<16xf32>
    tpu.vector_store %arg10[%swap3A_89], %swap3A_92 {strides = array<i32>} : memref<512xf32, #tpu.memory_space<vmem>>, vector<16xf32>,
    %swap3A_93 = arith.constant 160 : index
    %swap3A_94 = tpu.vector_load %arg11[%swap3A_93] {strides = array<i32>} : memref<512xf32, #tpu.memory_space<vmem>>, vector<16xf32>,
    %swap3A_95 = vector.shape_cast %swap3A_94 : vector<16xf32> to vector<16xf32>
    %swap3A_96 = vector.shape_cast %broadcast_in_dim3A_9 : vector<16xf32> to vector<16xf32>
    tpu.vector_store %arg11[%swap3A_93], %swap3A_96 {strides = array<i32>} : memref<512xf32, #tpu.memory_space<vmem>>, vector<16xf32>,
    %swap3A_97 = arith.constant 176 : index
    %swap3A_98 = tpu.vector_load %arg10[%swap3A_97] {strides = array<i32>} : memref<512xf32, #tpu.memory_space<vmem>>, vector<16xf32>,
    %swap3A_99 = vector.shape_cast %swap3A_98 : vector<16xf32> to vector<16xf32>
    %swap3A_100 = vector.shape_cast %broadcast_in_dim3A_9 : vector<16xf32> to vector<16xf32>
    tpu.vector_store %arg10[%swap3A_97], %swap3A_100 {strides = array<i32>} : memref<512xf32, #tpu.memory_space<vmem>>, vector<16xf32>,
    %swap3A_101 = arith.constant 176 : index
    %swap3A_102 = tpu.vector_load %arg11[%swap3A_101] {strides = array<i32>} : memref<512xf32, #tpu.memory_space<vmem>>, vector<16xf32>,
    %swap3A_103 = vector.shape_cast %swap3A_102 : vector<16xf32> to vector<16xf32>
    %swap3A_104 = vector.shape_cast %broadcast_in_dim3A_9 : vector<16xf32> to vector<16xf32>
    tpu.vector_store %arg11[%swap3A_101], %swap3A_104 {strides = array<i32>} : memref<512xf32, #tpu.memory_space<vmem>>, vector<16xf32>,
    %swap3A_105 = arith.constant 192 : index
    %swap3A_106 = tpu.vector_load %arg10[%swap3A_105] {strides = array<i32>} : memref<512xf32, #tpu.memory_space<vmem>>, vector<16xf32>,
    %swap3A_107 = vector.shape_cast %swap3A_106 : vector<16xf32> to vector<16xf32>
    %swap3A_108 = vector.shape_cast %broadcast_in_dim3A_9 : vector<16xf32> to vector<16xf32>
    tpu.vector_store %arg10[%swap3A_105], %swap3A_108 {strides = array<i32>} : memref<512xf32, #tpu.memory_space<vmem>>, vector<16xf32>,
    %swap3A_109 = arith.constant 192 : index
    %swap3A_110 = tpu.vector_load %arg11[%swap3A_109] {strides = array<i32>} : memref<512xf32, #tpu.memory_space<vmem>>, vector<16xf32>,
    %swap3A_111 = vector.shape_cast %swap3A_110 : vector<16xf32> to vector<16xf32>
    %swap3A_112 = vector.shape_cast %broadcast_in_dim3A_9 : vector<16xf32> to vector<16xf32>
    tpu.vector_store %arg11[%swap3A_109], %swap3A_112 {strides = array<i32>} : memref<512xf32, #tpu.memory_space<vmem>>, vector<16xf32>,
    %swap3A_113 = arith.constant 208 : index
    %swap3A_114 = tpu.vector_load %arg10[%swap3A_113] {strides = array<i32>} : memref<512xf32, #tpu.memory_space<vmem>>, vector<16xf32>,
    %swap3A_115 = vector.shape_cast %swap3A_114 : vector<16xf32> to vector<16xf32>
    %swap3A_116 = vector.shape_cast %broadcast_in_dim3A_9 : vector<16xf32> to vector<16xf32>
    tpu.vector_store %arg10[%swap3A_113], %swap3A_116 {strides = array<i32>} : memref<512xf32, #tpu.memory_space<vmem>>, vector<16xf32>,
    %swap3A_117 = arith.constant 208 : index
    %swap3A_118 = tpu.vector_load %arg11[%swap3A_117] {strides = array<i32>} : memref<512xf32, #tpu.memory_space<vmem>>, vector<16xf32>,
    %swap3A_119 = vector.shape_cast %swap3A_118 : vector<16xf32> to vector<16xf32>
    %swap3A_120 = vector.shape_cast %broadcast_in_dim3A_9 : vector<16xf32> to vector<16xf32>
    tpu.vector_store %arg11[%swap3A_117], %swap3A_120 {strides = array<i32>} : memref<512xf32, #tpu.memory_space<vmem>>, vector<16xf32>,
    %swap3A_121 = arith.constant 224 : index
    %swap3A_122 = tpu.vector_load %arg10[%swap3A_121] {strides = array<i32>} : memref<512xf32, #tpu.memory_space<vmem>>, vector<16xf32>,
    %swap3A_123 = vector.shape_cast %swap3A_122 : vector<16xf32> to vector<16xf32>
    %swap3A_124 = vector.shape_cast %broadcast_in_dim3A_9 : vector<16xf32> to vector<16xf32>
    tpu.vector_store %arg10[%swap3A_121], %swap3A_124 {strides = array<i32>} : memref<512xf32, #tpu.memory_space<vmem>>, vector<16xf32>,
    %swap3A_125 = arith.constant 224 : index
    %swap3A_126 = tpu.vector_load %arg11[%swap3A_125] {strides = array<i32>} : memref<512xf32, #tpu.memory_space<vmem>>, vector<16xf32>,
    %swap3A_127 = vector.shape_cast %swap3A_126 : vector<16xf32> to vector<16xf32>
    %swap3A_128 = vector.shape_cast %broadcast_in_dim3A_9 : vector<16xf32> to vector<16xf32>
    tpu.vector_store %arg11[%swap3A_125], %swap3A_128 {strides = array<i32>} : memref<512xf32, #tpu.memory_space<vmem>>, vector<16xf32>,
    %swap3A_129 = arith.constant 240 : index
    %swap3A_130 = tpu.vector_load %arg10[%swap3A_129] {strides = array<i32>} : memref<512xf32, #tpu.memory_space<vmem>>, vector<16xf32>,
    %swap3A_131 = vector.shape_cast %swap3A_130 : vector<16xf32> to vector<16xf32>
    %swap3A_132 = vector.shape_cast %broadcast_in_dim3A_9 : vector<16xf32> to vector<16xf32>
    tpu.vector_store %arg10[%swap3A_129], %swap3A_132 {strides = array<i32>} : memref<512xf32, #tpu.memory_space<vmem>>, vector<16xf32>,
    %swap3A_133 = arith.constant 240 : index
    %swap3A_134 = tpu.vector_load %arg11[%swap3A_133] {strides = array<i32>} : memref<512xf32, #tpu.memory_space<vmem>>, vector<16xf32>,
    %swap3A_135 = vector.shape_cast %swap3A_134 : vector<16xf32> to vector<16xf32>
    %swap3A_136 = vector.shape_cast %broadcast_in_dim3A_9 : vector<16xf32> to vector<16xf32>
    tpu.vector_store %arg11[%swap3A_133], %swap3A_136 {strides = array<i32>} : memref<512xf32, #tpu.memory_space<vmem>>, vector<16xf32>,
    %swap3A_137 = arith.constant 256 : index
    %swap3A_138 = tpu.vector_load %arg10[%swap3A_137] {strides = array<i32>} : memref<512xf32, #tpu.memory_space<vmem>>, vector<16xf32>,
    %swap3A_139 = vector.shape_cast %swap3A_138 : vector<16xf32> to vector<16xf32>
    %swap3A_140 = vector.shape_cast %broadcast_in_dim3A_9 : vector<16xf32> to vector<16xf32>
    tpu.vector_store %arg10[%swap3A_137], %swap3A_140 {strides = array<i32>} : memref<512xf32, #tpu.memory_space<vmem>>, vector<16xf32>,
    %swap3A_141 = arith.constant 256 : index
    %swap3A_142 = tpu.vector_load %arg11[%swap3A_141] {strides = array<i32>} : memref<512xf32, #tpu.memory_space<vmem>>, vector<16xf32>,
    %swap3A_143 = vector.shape_cast %swap3A_142 : vector<16xf32> to vector<16xf32>
    %swap3A_144 = vector.shape_cast %broadcast_in_dim3A_9 : vector<16xf32> to vector<16xf32>
    tpu.vector_store %arg11[%swap3A_141], %swap3A_144 {strides = array<i32>} : memref<512xf32, #tpu.memory_space<vmem>>, vector<16xf32>,
    %swap3A_145 = arith.constant 272 : index
    %swap3A_146 = tpu.vector_load %arg10[%swap3A_145] {strides = array<i32>} : memref<512xf32, #tpu.memory_space<vmem>>, vector<16xf32>,
    %swap3A_147 = vector.shape_cast %swap3A_146 : vector<16xf32> to vector<16xf32>
    %swap3A_148 = vector.shape_cast %broadcast_in_dim3A_9 : vector<16xf32> to vector<16xf32>
    tpu.vector_store %arg10[%swap3A_145], %swap3A_148 {strides = array<i32>} : memref<512xf32, #tpu.memory_space<vmem>>, vector<16xf32>,
    %swap3A_149 = arith.constant 272 : index
    %swap3A_150 = tpu.vector_load %arg11[%swap3A_149] {strides = array<i32>} : memref<512xf32, #tpu.memory_space<vmem>>, vector<16xf32>,
    %swap3A_151 = vector.shape_cast %swap3A_150 : vector<16xf32> to vector<16xf32>
    %swap3A_152 = vector.shape_cast %broadcast_in_dim3A_9 : vector<16xf32> to vector<16xf32>
    tpu.vector_store %arg11[%swap3A_149], %swap3A_152 {strides = array<i32>} : memref<512xf32, #tpu.memory_space<vmem>>, vector<16xf32>,
    %swap3A_153 = arith.constant 288 : index
    %swap3A_154 = tpu.vector_load %arg10[%swap3A_153] {strides = array<i32>} : memref<512xf32, #tpu.memory_space<vmem>>, vector<16xf32>,
    %swap3A_155 = vector.shape_cast %swap3A_154 : vector<16xf32> to vector<16xf32>
    %swap3A_156 = vector.shape_cast %broadcast_in_dim3A_9 : vector<16xf32> to vector<16xf32>
    tpu.vector_store %arg10[%swap3A_153], %swap3A_156 {strides = array<i32>} : memref<512xf32, #tpu.memory_space<vmem>>, vector<16xf32>,
    %swap3A_157 = arith.constant 288 : index
    %swap3A_158 = tpu.vector_load %arg11[%swap3A_157] {strides = array<i32>} : memref<512xf32, #tpu.memory_space<vmem>>, vector<16xf32>,
    %swap3A_159 = vector.shape_cast %swap3A_158 : vector<16xf32> to vector<16xf32>
    %swap3A_160 = vector.shape_cast %broadcast_in_dim3A_9 : vector<16xf32> to vector<16xf32>
    tpu.vector_store %arg11[%swap3A_157], %swap3A_160 {strides = array<i32>} : memref<512xf32, #tpu.memory_space<vmem>>, vector<16xf32>,
    %swap3A_161 = arith.constant 304 : index
    %swap3A_162 = tpu.vector_load %arg10[%swap3A_161] {strides = array<i32>} : memref<512xf32, #tpu.memory_space<vmem>>, vector<16xf32>,
    %swap3A_163 = vector.shape_cast %swap3A_162 : vector<16xf32> to vector<16xf32>
    %swap3A_164 = vector.shape_cast %broadcast_in_dim3A_9 : vector<16xf32> to vector<16xf32>
    tpu.vector_store %arg10[%swap3A_161], %swap3A_164 {strides = array<i32>} : memref<512xf32, #tpu.memory_space<vmem>>, vector<16xf32>,
    %swap3A_165 = arith.constant 304 : index
    %swap3A_166 = tpu.vector_load %arg11[%swap3A_165] {strides = array<i32>} : memref<512xf32, #tpu.memory_space<vmem>>, vector<16xf32>,
    %swap3A_167 = vector.shape_cast %swap3A_166 : vector<16xf32> to vector<16xf32>
    %swap3A_168 = vector.shape_cast %broadcast_in_dim3A_9 : vector<16xf32> to vector<16xf32>
    tpu.vector_store %arg11[%swap3A_165], %swap3A_168 {strides = array<i32>} : memref<512xf32, #tpu.memory_space<vmem>>, vector<16xf32>,
    %swap3A_169 = arith.constant 320 : index
    %swap3A_170 = tpu.vector_load %arg10[%swap3A_169] {strides = array<i32>} : memref<512xf32, #tpu.memory_space<vmem>>, vector<16xf32>,
    %swap3A_171 = vector.shape_cast %swap3A_170 : vector<16xf32> to vector<16xf32>
    %swap3A_172 = vector.shape_cast %broadcast_in_dim3A_9 : vector<16xf32> to vector<16xf32>
    tpu.vector_store %arg10[%swap3A_169], %swap3A_172 {strides = array<i32>} : memref<512xf32, #tpu.memory_space<vmem>>, vector<16xf32>,
    %swap3A_173 = arith.constant 320 : index
    %swap3A_174 = tpu.vector_load %arg11[%swap3A_173] {strides = array<i32>} : memref<512xf32, #tpu.memory_space<vmem>>, vector<16xf32>,
    %swap3A_175 = vector.shape_cast %swap3A_174 : vector<16xf32> to vector<16xf32>
    %swap3A_176 = vector.shape_cast %broadcast_in_dim3A_9 : vector<16xf32> to vector<16xf32>
    tpu.vector_store %arg11[%swap3A_173], %swap3A_176 {strides = array<i32>} : memref<512xf32, #tpu.memory_space<vmem>>, vector<16xf32>,
    %swap3A_177 = arith.constant 336 : index
    %swap3A_178 = tpu.vector_load %arg10[%swap3A_177] {strides = array<i32>} : memref<512xf32, #tpu.memory_space<vmem>>, vector<16xf32>,
    %swap3A_179 = vector.shape_cast %swap3A_178 : vector<16xf32> to vector<16xf32>
    %swap3A_180 = vector.shape_cast %broadcast_in_dim3A_9 : vector<16xf32> to vector<16xf32>
    tpu.vector_store %arg10[%swap3A_177], %swap3A_180 {strides = array<i32>} : memref<512xf32, #tpu.memory_space<vmem>>, vector<16xf32>,
    %swap3A_181 = arith.constant 336 : index
    %swap3A_182 = tpu.vector_load %arg11[%swap3A_181] {strides = array<i32>} : memref<512xf32, #tpu.memory_space<vmem>>, vector<16xf32>,
    %swap3A_183 = vector.shape_cast %swap3A_182 : vector<16xf32> to vector<16xf32>
    %swap3A_184 = vector.shape_cast %broadcast_in_dim3A_9 : vector<16xf32> to vector<16xf32>
    tpu.vector_store %arg11[%swap3A_181], %swap3A_184 {strides = array<i32>} : memref<512xf32, #tpu.memory_space<vmem>>, vector<16xf32>,
    %swap3A_185 = arith.constant 352 : index
    %swap3A_186 = tpu.vector_load %arg10[%swap3A_185] {strides = array<i32>} : memref<512xf32, #tpu.memory_space<vmem>>, vector<16xf32>,
    %swap3A_187 = vector.shape_cast %swap3A_186 : vector<16xf32> to vector<16xf32>
    %swap3A_188 = vector.shape_cast %broadcast_in_dim3A_9 : vector<16xf32> to vector<16xf32>
    tpu.vector_store %arg10[%swap3A_185], %swap3A_188 {strides = array<i32>} : memref<512xf32, #tpu.memory_space<vmem>>, vector<16xf32>,
    %swap3A_189 = arith.constant 352 : index
    %swap3A_190 = tpu.vector_load %arg11[%swap3A_189] {strides = array<i32>} : memref<512xf32, #tpu.memory_space<vmem>>, vector<16xf32>,
    %swap3A_191 = vector.shape_cast %swap3A_190 : vector<16xf32> to vector<16xf32>
    %swap3A_192 = vector.shape_cast %broadcast_in_dim3A_9 : vector<16xf32> to vector<16xf32>
    tpu.vector_store %arg11[%swap3A_189], %swap3A_192 {strides = array<i32>} : memref<512xf32, #tpu.memory_space<vmem>>, vector<16xf32>,
    %swap3A_193 = arith.constant 368 : index
    %swap3A_194 = tpu.vector_load %arg10[%swap3A_193] {strides = array<i32>} : memref<512xf32, #tpu.memory_space<vmem>>, vector<16xf32>,
    %swap3A_195 = vector.shape_cast %swap3A_194 : vector<16xf32> to vector<16xf32>
    %swap3A_196 = vector.shape_cast %broadcast_in_dim3A_9 : vector<16xf32> to vector<16xf32>
    tpu.vector_store %arg10[%swap3A_193], %swap3A_196 {strides = array<i32>} : memref<512xf32, #tpu.memory_space<vmem>>, vector<16xf32>,
    %swap3A_197 = arith.constant 368 : index
    %swap3A_198 = tpu.vector_load %arg11[%swap3A_197] {strides = array<i32>} : memref<512xf32, #tpu.memory_space<vmem>>, vector<16xf32>,
    %swap3A_199 = vector.shape_cast %swap3A_198 : vector<16xf32> to vector<16xf32>
    %swap3A_200 = vector.shape_cast %broadcast_in_dim3A_9 : vector<16xf32> to vector<16xf32>
    tpu.vector_store %arg11[%swap3A_197], %swap3A_200 {strides = array<i32>} : memref<512xf32, #tpu.memory_space<vmem>>, vector<16xf32>,
    %swap3A_201 = arith.constant 384 : index
    %swap3A_202 = tpu.vector_load %arg10[%swap3A_201] {strides = array<i32>} : memref<512xf32, #tpu.memory_space<vmem>>, vector<16xf32>,
    %swap3A_203 = vector.shape_cast %swap3A_202 : vector<16xf32> to vector<16xf32>
    %swap3A_204 = vector.shape_cast %broadcast_in_dim3A_9 : vector<16xf32> to vector<16xf32>
    tpu.vector_store %arg10[%swap3A_201], %swap3A_204 {strides = array<i32>} : memref<512xf32, #tpu.memory_space<vmem>>, vector<16xf32>,
    %swap3A_205 = arith.constant 384 : index
    %swap3A_206 = tpu.vector_load %arg11[%swap3A_205] {strides = array<i32>} : memref<512xf32, #tpu.memory_space<vmem>>, vector<16xf32>,
    %swap3A_207 = vector.shape_cast %swap3A_206 : vector<16xf32> to vector<16xf32>
    %swap3A_208 = vector.shape_cast %broadcast_in_dim3A_9 : vector<16xf32> to vector<16xf32>
    tpu.vector_store %arg11[%swap3A_205], %swap3A_208 {strides = array<i32>} : memref<512xf32, #tpu.memory_space<vmem>>, vector<16xf32>,
    %swap3A_209 = arith.constant 400 : index
    %swap3A_210 = tpu.vector_load %arg10[%swap3A_209] {strides = array<i32>} : memref<512xf32, #tpu.memory_space<vmem>>, vector<16xf32>,
    %swap3A_211 = vector.shape_cast %swap3A_210 : vector<16xf32> to vector<16xf32>
    %swap3A_212 = vector.shape_cast %broadcast_in_dim3A_9 : vector<16xf32> to vector<16xf32>
    tpu.vector_store %arg10[%swap3A_209], %swap3A_212 {strides = array<i32>} : memref<512xf32, #tpu.memory_space<vmem>>, vector<16xf32>,
    %swap3A_213 = arith.constant 400 : index
    %swap3A_214 = tpu.vector_load %arg11[%swap3A_213] {strides = array<i32>} : memref<512xf32, #tpu.memory_space<vmem>>, vector<16xf32>,
    %swap3A_215 = vector.shape_cast %swap3A_214 : vector<16xf32> to vector<16xf32>
    %swap3A_216 = vector.shape_cast %broadcast_in_dim3A_9 : vector<16xf32> to vector<16xf32>
    tpu.vector_store %arg11[%swap3A_213], %swap3A_216 {strides = array<i32>} : memref<512xf32, #tpu.memory_space<vmem>>, vector<16xf32>,
    %swap3A_217 = arith.constant 416 : index
    %swap3A_218 = tpu.vector_load %arg10[%swap3A_217] {strides = array<i32>} : memref<512xf32, #tpu.memory_space<vmem>>, vector<16xf32>,
    %swap3A_219 = vector.shape_cast %swap3A_218 : vector<16xf32> to vector<16xf32>
    %swap3A_220 = vector.shape_cast %broadcast_in_dim3A_9 : vector<16xf32> to vector<16xf32>
    tpu.vector_store %arg10[%swap3A_217], %swap3A_220 {strides = array<i32>} : memref<512xf32, #tpu.memory_space<vmem>>, vector<16xf32>,
    %swap3A_221 = arith.constant 416 : index
    %swap3A_222 = tpu.vector_load %arg11[%swap3A_221] {strides = array<i32>} : memref<512xf32, #tpu.memory_space<vmem>>, vector<16xf32>,
    %swap3A_223 = vector.shape_cast %swap3A_222 : vector<16xf32> to vector<16xf32>
    %swap3A_224 = vector.shape_cast %broadcast_in_dim3A_9 : vector<16xf32> to vector<16xf32>
    tpu.vector_store %arg11[%swap3A_221], %swap3A_224 {strides = array<i32>} : memref<512xf32, #tpu.memory_space<vmem>>, vector<16xf32>,
    %swap3A_225 = arith.constant 432 : index
    %swap3A_226 = tpu.vector_load %arg10[%swap3A_225] {strides = array<i32>} : memref<512xf32, #tpu.memory_space<vmem>>, vector<16xf32>,
    %swap3A_227 = vector.shape_cast %swap3A_226 : vector<16xf32> to vector<16xf32>
    %swap3A_228 = vector.shape_cast %broadcast_in_dim3A_9 : vector<16xf32> to vector<16xf32>
    tpu.vector_store %arg10[%swap3A_225], %swap3A_228 {strides = array<i32>} : memref<512xf32, #tpu.memory_space<vmem>>, vector<16xf32>,
    %swap3A_229 = arith.constant 432 : index
    %swap3A_230 = tpu.vector_load %arg11[%swap3A_229] {strides = array<i32>} : memref<512xf32, #tpu.memory_space<vmem>>, vector<16xf32>,
    %swap3A_231 = vector.shape_cast %swap3A_230 : vector<16xf32> to vector<16xf32>
    %swap3A_232 = vector.shape_cast %broadcast_in_dim3A_9 : vector<16xf32> to vector<16xf32>
    tpu.vector_store %arg11[%swap3A_229], %swap3A_232 {strides = array<i32>} : memref<512xf32, #tpu.memory_space<vmem>>, vector<16xf32>,
    %swap3A_233 = arith.constant 448 : index
    %swap3A_234 = tpu.vector_load %arg10[%swap3A_233] {strides = array<i32>} : memref<512xf32, #tpu.memory_space<vmem>>, vector<16xf32>,
    %swap3A_235 = vector.shape_cast %swap3A_234 : vector<16xf32> to vector<16xf32>
    %swap3A_236 = vector.shape_cast %broadcast_in_dim3A_9 : vector<16xf32> to vector<16xf32>
    tpu.vector_store %arg10[%swap3A_233], %swap3A_236 {strides = array<i32>} : memref<512xf32, #tpu.memory_space<vmem>>, vector<16xf32>,
    %swap3A_237 = arith.constant 448 : index
    %swap3A_238 = tpu.vector_load %arg11[%swap3A_237] {strides = array<i32>} : memref<512xf32, #tpu.memory_space<vmem>>, vector<16xf32>,
    %swap3A_239 = vector.shape_cast %swap3A_238 : vector<16xf32> to vector<16xf32>
    %swap3A_240 = vector.shape_cast %broadcast_in_dim3A_9 : vector<16xf32> to vector<16xf32>
    tpu.vector_store %arg11[%swap3A_237], %swap3A_240 {strides = array<i32>} : memref<512xf32, #tpu.memory_space<vmem>>, vector<16xf32>,
    %swap3A_241 = arith.constant 464 : index
    %swap3A_242 = tpu.vector_load %arg10[%swap3A_241] {strides = array<i32>} : memref<512xf32, #tpu.memory_space<vmem>>, vector<16xf32>,
    %swap3A_243 = vector.shape_cast %swap3A_242 : vector<16xf32> to vector<16xf32>
    %swap3A_244 = vector.shape_cast %broadcast_in_dim3A_9 : vector<16xf32> to vector<16xf32>
    tpu.vector_store %arg10[%swap3A_241], %swap3A_244 {strides = array<i32>} : memref<512xf32, #tpu.memory_space<vmem>>, vector<16xf32>,
    %swap3A_245 = arith.constant 464 : index
    %swap3A_246 = tpu.vector_load %arg11[%swap3A_245] {strides = array<i32>} : memref<512xf32, #tpu.memory_space<vmem>>, vector<16xf32>,
    %swap3A_247 = vector.shape_cast %swap3A_246 : vector<16xf32> to vector<16xf32>
    %swap3A_248 = vector.shape_cast %broadcast_in_dim3A_9 : vector<16xf32> to vector<16xf32>
    tpu.vector_store %arg11[%swap3A_245], %swap3A_248 {strides = array<i32>} : memref<512xf32, #tpu.memory_space<vmem>>, vector<16xf32>,
    %swap3A_249 = arith.constant 480 : index
    %swap3A_250 = tpu.vector_load %arg10[%swap3A_249] {strides = array<i32>} : memref<512xf32, #tpu.memory_space<vmem>>, vector<16xf32>,
    %swap3A_251 = vector.shape_cast %swap3A_250 : vector<16xf32> to vector<16xf32>
    %swap3A_252 = vector.shape_cast %broadcast_in_dim3A_9 : vector<16xf32> to vector<16xf32>
    tpu.vector_store %arg10[%swap3A_249], %swap3A_252 {strides = array<i32>} : memref<512xf32, #tpu.memory_space<vmem>>, vector<16xf32>,
    %swap3A_253 = arith.constant 480 : index
    %swap3A_254 = tpu.vector_load %arg11[%swap3A_253] {strides = array<i32>} : memref<512xf32, #tpu.memory_space<vmem>>, vector<16xf32>,
    %swap3A_255 = vector.shape_cast %swap3A_254 : vector<16xf32> to vector<16xf32>
    %swap3A_256 = vector.shape_cast %broadcast_in_dim3A_9 : vector<16xf32> to vector<16xf32>
    tpu.vector_store %arg11[%swap3A_253], %swap3A_256 {strides = array<i32>} : memref<512xf32, #tpu.memory_space<vmem>>, vector<16xf32>,
    %swap3A_257 = arith.constant 496 : index
    %swap3A_258 = tpu.vector_load %arg10[%swap3A_257] {strides = array<i32>} : memref<512xf32, #tpu.memory_space<vmem>>, vector<16xf32>,
    %swap3A_259 = vector.shape_cast %swap3A_258 : vector<16xf32> to vector<16xf32>
    %swap3A_260 = vector.shape_cast %broadcast_in_dim3A_9 : vector<16xf32> to vector<16xf32>
    tpu.vector_store %arg10[%swap3A_257], %swap3A_260 {strides = array<i32>} : memref<512xf32, #tpu.memory_space<vmem>>, vector<16xf32>,
    %swap3A_261 = arith.constant 496 : index
    %swap3A_262 = tpu.vector_load %arg11[%swap3A_261] {strides = array<i32>} : memref<512xf32, #tpu.memory_space<vmem>>, vector<16xf32>,
    %swap3A_263 = vector.shape_cast %swap3A_262 : vector<16xf32> to vector<16xf32>
    %swap3A_264 = vector.shape_cast %broadcast_in_dim3A_9 : vector<16xf32> to vector<16xf32>
    tpu.vector_store %arg11[%swap3A_261], %swap3A_264 {strides = array<i32>} : memref<512xf32, #tpu.memory_space<vmem>>, vector<16xf32>,
    %barrier3A = arith.constant 0 : index
    tpu.barrier barrier_id(%barrier3A)
    %dma_start3A = arith.constant 0 : i32
    %dma_start3A_265 = arith.constant 0 : i32
    %dma_start3A_266 = tpu.memref_slice %arg5[%dma_start3A, %dma_start3A_265] : memref<50x512xi32, #tpu.memory_space<vmem>> -> memref<1x128xi32, #tpu.memory_space<vmem>>
    %dma_start3A_267 = tpu.memref_squeeze %dma_start3A_266 : memref<1x128xi32, #tpu.memory_space<vmem>> -> memref<128xi32, #tpu.memory_space<vmem>>
    %dma_start3A_268 = arith.constant 0 : i32
    %dma_start3A_269 = tpu.memref_slice %arg12[%dma_start3A_268] : memref<1000064xi32, #tpu.memory_space<vmem_shared>> -> memref<1000064xi32, #tpu.memory_space<vmem_shared>>
    tpu.enqueue_indirect_dma source(%dma_start3A_269 : memref<1000064xi32, #tpu.memory_space<vmem_shared>>) target(%arg6 : memref<128xi32, #tpu.memory_space<vmem>>) offsets(%dma_start3A_267 : memref<128xi32, #tpu.memory_space<vmem>>) semaphore(%arg13 : memref<!tpu.dma_semaphore, #tpu.memory_space<semaphore_mem>>)
    %dma_start3A_270 = arith.constant 0 : i32
    %dma_start3A_271 = arith.constant 128 : i32
    %dma_start3A_272 = tpu.memref_slice %arg5[%dma_start3A_270, %dma_start3A_271] : memref<50x512xi32, #tpu.memory_space<vmem>> -> memref<1x128xi32, #tpu.memory_space<vmem>>
    %dma_start3A_273 = tpu.memref_squeeze %dma_start3A_272 : memref<1x128xi32, #tpu.memory_space<vmem>> -> memref<128xi32, #tpu.memory_space<vmem>>
    %dma_start3A_274 = arith.constant 0 : i32
    %dma_start3A_275 = tpu.memref_slice %arg12[%dma_start3A_274] : memref<1000064xi32, #tpu.memory_space<vmem_shared>> -> memref<1000064xi32, #tpu.memory_space<vmem_shared>>
    tpu.enqueue_indirect_dma source(%dma_start3A_275 : memref<1000064xi32, #tpu.memory_space<vmem_shared>>) target(%arg7 : memref<128xi32, #tpu.memory_space<vmem>>) offsets(%dma_start3A_273 : memref<128xi32, #tpu.memory_space<vmem>>) semaphore(%arg14 : memref<!tpu.dma_semaphore, #tpu.memory_space<semaphore_mem>>)
    %dma_start3A_276 = arith.constant 0 : i32
    %dma_start3A_277 = arith.constant 256 : i32
    %dma_start3A_278 = tpu.memref_slice %arg5[%dma_start3A_276, %dma_start3A_277] : memref<50x512xi32, #tpu.memory_space<vmem>> -> memref<1x128xi32, #tpu.memory_space<vmem>>
    %dma_start3A_279 = tpu.memref_squeeze %dma_start3A_278 : memref<1x128xi32, #tpu.memory_space<vmem>> -> memref<128xi32, #tpu.memory_space<vmem>>
    %dma_start3A_280 = arith.constant 0 : i32
    %dma_start3A_281 = tpu.memref_slice %arg12[%dma_start3A_280] : memref<1000064xi32, #tpu.memory_space<vmem_shared>> -> memref<1000064xi32, #tpu.memory_space<vmem_shared>>
    tpu.enqueue_indirect_dma source(%dma_start3A_281 : memref<1000064xi32, #tpu.memory_space<vmem_shared>>) target(%arg8 : memref<128xi32, #tpu.memory_space<vmem>>) offsets(%dma_start3A_279 : memref<128xi32, #tpu.memory_space<vmem>>) semaphore(%arg15 : memref<!tpu.dma_semaphore, #tpu.memory_space<semaphore_mem>>)
    %dma_start3A_282 = arith.constant 0 : i32
    %dma_start3A_283 = arith.constant 384 : i32
    %dma_start3A_284 = tpu.memref_slice %arg5[%dma_start3A_282, %dma_start3A_283] : memref<50x512xi32, #tpu.memory_space<vmem>> -> memref<1x128xi32, #tpu.memory_space<vmem>>
    %dma_start3A_285 = tpu.memref_squeeze %dma_start3A_284 : memref<1x128xi32, #tpu.memory_space<vmem>> -> memref<128xi32, #tpu.memory_space<vmem>>
    %dma_start3A_286 = arith.constant 0 : i32
    %dma_start3A_287 = tpu.memref_slice %arg12[%dma_start3A_286] : memref<1000064xi32, #tpu.memory_space<vmem_shared>> -> memref<1000064xi32, #tpu.memory_space<vmem_shared>>
    tpu.enqueue_indirect_dma source(%dma_start3A_287 : memref<1000064xi32, #tpu.memory_space<vmem_shared>>) target(%arg9 : memref<128xi32, #tpu.memory_space<vmem>>) offsets(%dma_start3A_285 : memref<128xi32, #tpu.memory_space<vmem>>) semaphore(%arg16 : memref<!tpu.dma_semaphore, #tpu.memory_space<semaphore_mem>>)
    %scan3A = arith.constant 0 : i32
    %scan3A_288 = arith.constant -65536 : i32
    %scan3A_289 = arith.constant 0 : i32
    %scan3A_290 = arith.constant 50 : i32
    %scan3A_291 = arith.addi %scan3A_289, %scan3A_290 : i32
    %scan3A_292 = arith.constant 1 : i32
    scf.for %scan3A_934 = %scan3A_289 to %scan3A_291 step %scan3A_292  : i32 {
      %dma_wait3A = arith.constant 0 : i32
      %dma_wait3A_935 = tpu.memref_slice %arg5[%scan3A_934, %dma_wait3A] : memref<50x512xi32, #tpu.memory_space<vmem>> -> memref<1x128xi32, #tpu.memory_space<vmem>>
      %dma_wait3A_936 = tpu.memref_squeeze %dma_wait3A_935 : memref<1x128xi32, #tpu.memory_space<vmem>> -> memref<128xi32, #tpu.memory_space<vmem>>
      %dma_wait3A_937 = arith.constant 0 : i32
      %dma_wait3A_938 = tpu.memref_slice %arg12[%dma_wait3A_937] : memref<1000064xi32, #tpu.memory_space<vmem_shared>> -> memref<1000064xi32, #tpu.memory_space<vmem_shared>>
      tpu.wait_indirect_dma semaphore(%arg13 : memref<!tpu.dma_semaphore, #tpu.memory_space<semaphore_mem>>) src(%dma_wait3A_938 : memref<1000064xi32, #tpu.memory_space<vmem_shared>>) dst(%arg6 : memref<128xi32, #tpu.memory_space<vmem>>)
      %get3A_939 = arith.constant 0 : index
      %get3A_940 = tpu.vector_load %arg6[%get3A_939] {strides = array<i32>} : memref<128xi32, #tpu.memory_space<vmem>>, vector<16xi32>,
      %get3A_941 = vector.shape_cast %get3A_940 : vector<16xi32> to vector<16xi32>
      %shift_left3A = arith.constant 16 : i32
      %shift_left3A_942 = vector.broadcast %shift_left3A : i32 to vector<16xi32>
      %shift_left3A_943 = arith.shli %get3A_941, %shift_left3A_942 : vector<16xi32>
      %bitcast_convert_type3A = tpu.bitcast %shift_left3A_943 : vector<16xi32> -> vector<16xf32>
      %and3A = vector.broadcast %scan3A_288 : i32 to vector<16xi32>
      %and3A_944 = arith.andi %get3A_941, %and3A : vector<16xi32>
      %bitcast_convert_type3A_945 = tpu.bitcast %and3A_944 : vector<16xi32> -> vector<16xf32>
      %swap3A_946 = arith.constant 0 : index
      %swap3A_947 = tpu.vector_load %arg10[%swap3A_946] {strides = array<i32>} : memref<512xf32, #tpu.memory_space<vmem>>, vector<16xf32>,
      %swap3A_948 = vector.shape_cast %swap3A_947 : vector<16xf32> to vector<16xf32>
      %swap3A_949 = vector.shape_cast %bitcast_convert_type3A : vector<16xf32> to vector<16xf32>
      tpu.vector_store %arg10[%swap3A_946], %swap3A_949 {add = true, strides = array<i32>} : memref<512xf32, #tpu.memory_space<vmem>>, vector<16xf32>,
      %swap3A_950 = arith.constant 0 : index
      %swap3A_951 = tpu.vector_load %arg11[%swap3A_950] {strides = array<i32>} : memref<512xf32, #tpu.memory_space<vmem>>, vector<16xf32>,
      %swap3A_952 = vector.shape_cast %swap3A_951 : vector<16xf32> to vector<16xf32>
      %swap3A_953 = vector.shape_cast %bitcast_convert_type3A_945 : vector<16xf32> to vector<16xf32>
      tpu.vector_store %arg11[%swap3A_950], %swap3A_953 {add = true, strides = array<i32>} : memref<512xf32, #tpu.memory_space<vmem>>, vector<16xf32>,
      %get3A_954 = arith.constant 16 : index
      %get3A_955 = tpu.vector_load %arg6[%get3A_954] {strides = array<i32>} : memref<128xi32, #tpu.memory_space<vmem>>, vector<16xi32>,
      %get3A_956 = vector.shape_cast %get3A_955 : vector<16xi32> to vector<16xi32>
      %shift_left3A_957 = arith.constant 16 : i32
      %shift_left3A_958 = vector.broadcast %shift_left3A_957 : i32 to vector<16xi32>
      %shift_left3A_959 = arith.shli %get3A_956, %shift_left3A_958 : vector<16xi32>
      %bitcast_convert_type3A_960 = tpu.bitcast %shift_left3A_959 : vector<16xi32> -> vector<16xf32>
      %and3A_961 = vector.broadcast %scan3A_288 : i32 to vector<16xi32>
      %and3A_962 = arith.andi %get3A_956, %and3A_961 : vector<16xi32>
      %bitcast_convert_type3A_963 = tpu.bitcast %and3A_962 : vector<16xi32> -> vector<16xf32>
      %swap3A_964 = arith.constant 16 : index
      %swap3A_965 = tpu.vector_load %arg10[%swap3A_964] {strides = array<i32>} : memref<512xf32, #tpu.memory_space<vmem>>, vector<16xf32>,
      %swap3A_966 = vector.shape_cast %swap3A_965 : vector<16xf32> to vector<16xf32>
      %swap3A_967 = vector.shape_cast %bitcast_convert_type3A_960 : vector<16xf32> to vector<16xf32>
      tpu.vector_store %arg10[%swap3A_964], %swap3A_967 {add = true, strides = array<i32>} : memref<512xf32, #tpu.memory_space<vmem>>, vector<16xf32>,
      %swap3A_968 = arith.constant 16 : index
      %swap3A_969 = tpu.vector_load %arg11[%swap3A_968] {strides = array<i32>} : memref<512xf32, #tpu.memory_space<vmem>>, vector<16xf32>,
      %swap3A_970 = vector.shape_cast %swap3A_969 : vector<16xf32> to vector<16xf32>
      %swap3A_971 = vector.shape_cast %bitcast_convert_type3A_963 : vector<16xf32> to vector<16xf32>
      tpu.vector_store %arg11[%swap3A_968], %swap3A_971 {add = true, strides = array<i32>} : memref<512xf32, #tpu.memory_space<vmem>>, vector<16xf32>,
      %get3A_972 = arith.constant 32 : index
      %get3A_973 = tpu.vector_load %arg6[%get3A_972] {strides = array<i32>} : memref<128xi32, #tpu.memory_space<vmem>>, vector<16xi32>,
      %get3A_974 = vector.shape_cast %get3A_973 : vector<16xi32> to vector<16xi32>
      %shift_left3A_975 = arith.constant 16 : i32
      %shift_left3A_976 = vector.broadcast %shift_left3A_975 : i32 to vector<16xi32>
      %shift_left3A_977 = arith.shli %get3A_974, %shift_left3A_976 : vector<16xi32>
      %bitcast_convert_type3A_978 = tpu.bitcast %shift_left3A_977 : vector<16xi32> -> vector<16xf32>
      %and3A_979 = vector.broadcast %scan3A_288 : i32 to vector<16xi32>
      %and3A_980 = arith.andi %get3A_974, %and3A_979 : vector<16xi32>
      %bitcast_convert_type3A_981 = tpu.bitcast %and3A_980 : vector<16xi32> -> vector<16xf32>
      %swap3A_982 = arith.constant 32 : index
      %swap3A_983 = tpu.vector_load %arg10[%swap3A_982] {strides = array<i32>} : memref<512xf32, #tpu.memory_space<vmem>>, vector<16xf32>,
      %swap3A_984 = vector.shape_cast %swap3A_983 : vector<16xf32> to vector<16xf32>
      %swap3A_985 = vector.shape_cast %bitcast_convert_type3A_978 : vector<16xf32> to vector<16xf32>
      tpu.vector_store %arg10[%swap3A_982], %swap3A_985 {add = true, strides = array<i32>} : memref<512xf32, #tpu.memory_space<vmem>>, vector<16xf32>,
      %swap3A_986 = arith.constant 32 : index
      %swap3A_987 = tpu.vector_load %arg11[%swap3A_986] {strides = array<i32>} : memref<512xf32, #tpu.memory_space<vmem>>, vector<16xf32>,
      %swap3A_988 = vector.shape_cast %swap3A_987 : vector<16xf32> to vector<16xf32>
      %swap3A_989 = vector.shape_cast %bitcast_convert_type3A_981 : vector<16xf32> to vector<16xf32>
      tpu.vector_store %arg11[%swap3A_986], %swap3A_989 {add = true, strides = array<i32>} : memref<512xf32, #tpu.memory_space<vmem>>, vector<16xf32>,
      %get3A_990 = arith.constant 48 : index
      %get3A_991 = tpu.vector_load %arg6[%get3A_990] {strides = array<i32>} : memref<128xi32, #tpu.memory_space<vmem>>, vector<16xi32>,
      %get3A_992 = vector.shape_cast %get3A_991 : vector<16xi32> to vector<16xi32>
      %shift_left3A_993 = arith.constant 16 : i32
      %shift_left3A_994 = vector.broadcast %shift_left3A_993 : i32 to vector<16xi32>
      %shift_left3A_995 = arith.shli %get3A_992, %shift_left3A_994 : vector<16xi32>
      %bitcast_convert_type3A_996 = tpu.bitcast %shift_left3A_995 : vector<16xi32> -> vector<16xf32>
      %and3A_997 = vector.broadcast %scan3A_288 : i32 to vector<16xi32>
      %and3A_998 = arith.andi %get3A_992, %and3A_997 : vector<16xi32>
      %bitcast_convert_type3A_999 = tpu.bitcast %and3A_998 : vector<16xi32> -> vector<16xf32>
      %swap3A_1000 = arith.constant 48 : index
      %swap3A_1001 = tpu.vector_load %arg10[%swap3A_1000] {strides = array<i32>} : memref<512xf32, #tpu.memory_space<vmem>>, vector<16xf32>,
      %swap3A_1002 = vector.shape_cast %swap3A_1001 : vector<16xf32> to vector<16xf32>
      %swap3A_1003 = vector.shape_cast %bitcast_convert_type3A_996 : vector<16xf32> to vector<16xf32>
      tpu.vector_store %arg10[%swap3A_1000], %swap3A_1003 {add = true, strides = array<i32>} : memref<512xf32, #tpu.memory_space<vmem>>, vector<16xf32>,
      %swap3A_1004 = arith.constant 48 : index
      %swap3A_1005 = tpu.vector_load %arg11[%swap3A_1004] {strides = array<i32>} : memref<512xf32, #tpu.memory_space<vmem>>, vector<16xf32>,
      %swap3A_1006 = vector.shape_cast %swap3A_1005 : vector<16xf32> to vector<16xf32>
      %swap3A_1007 = vector.shape_cast %bitcast_convert_type3A_999 : vector<16xf32> to vector<16xf32>
      tpu.vector_store %arg11[%swap3A_1004], %swap3A_1007 {add = true, strides = array<i32>} : memref<512xf32, #tpu.memory_space<vmem>>, vector<16xf32>,
      %get3A_1008 = arith.constant 64 : index
      %get3A_1009 = tpu.vector_load %arg6[%get3A_1008] {strides = array<i32>} : memref<128xi32, #tpu.memory_space<vmem>>, vector<16xi32>,
      %get3A_1010 = vector.shape_cast %get3A_1009 : vector<16xi32> to vector<16xi32>
      %shift_left3A_1011 = arith.constant 16 : i32
      %shift_left3A_1012 = vector.broadcast %shift_left3A_1011 : i32 to vector<16xi32>
      %shift_left3A_1013 = arith.shli %get3A_1010, %shift_left3A_1012 : vector<16xi32>
      %bitcast_convert_type3A_1014 = tpu.bitcast %shift_left3A_1013 : vector<16xi32> -> vector<16xf32>
      %and3A_1015 = vector.broadcast %scan3A_288 : i32 to vector<16xi32>
      %and3A_1016 = arith.andi %get3A_1010, %and3A_1015 : vector<16xi32>
      %bitcast_convert_type3A_1017 = tpu.bitcast %and3A_1016 : vector<16xi32> -> vector<16xf32>
      %swap3A_1018 = arith.constant 64 : index
      %swap3A_1019 = tpu.vector_load %arg10[%swap3A_1018] {strides = array<i32>} : memref<512xf32, #tpu.memory_space<vmem>>, vector<16xf32>,
      %swap3A_1020 = vector.shape_cast %swap3A_1019 : vector<16xf32> to vector<16xf32>
      %swap3A_1021 = vector.shape_cast %bitcast_convert_type3A_1014 : vector<16xf32> to vector<16xf32>
      tpu.vector_store %arg10[%swap3A_1018], %swap3A_1021 {add = true, strides = array<i32>} : memref<512xf32, #tpu.memory_space<vmem>>, vector<16xf32>,
      %swap3A_1022 = arith.constant 64 : index
      %swap3A_1023 = tpu.vector_load %arg11[%swap3A_1022] {strides = array<i32>} : memref<512xf32, #tpu.memory_space<vmem>>, vector<16xf32>,
      %swap3A_1024 = vector.shape_cast %swap3A_1023 : vector<16xf32> to vector<16xf32>
      %swap3A_1025 = vector.shape_cast %bitcast_convert_type3A_1017 : vector<16xf32> to vector<16xf32>
      tpu.vector_store %arg11[%swap3A_1022], %swap3A_1025 {add = true, strides = array<i32>} : memref<512xf32, #tpu.memory_space<vmem>>, vector<16xf32>,
      %get3A_1026 = arith.constant 80 : index
      %get3A_1027 = tpu.vector_load %arg6[%get3A_1026] {strides = array<i32>} : memref<128xi32, #tpu.memory_space<vmem>>, vector<16xi32>,
      %get3A_1028 = vector.shape_cast %get3A_1027 : vector<16xi32> to vector<16xi32>
      %shift_left3A_1029 = arith.constant 16 : i32
      %shift_left3A_1030 = vector.broadcast %shift_left3A_1029 : i32 to vector<16xi32>
      %shift_left3A_1031 = arith.shli %get3A_1028, %shift_left3A_1030 : vector<16xi32>
      %bitcast_convert_type3A_1032 = tpu.bitcast %shift_left3A_1031 : vector<16xi32> -> vector<16xf32>
      %and3A_1033 = vector.broadcast %scan3A_288 : i32 to vector<16xi32>
      %and3A_1034 = arith.andi %get3A_1028, %and3A_1033 : vector<16xi32>
      %bitcast_convert_type3A_1035 = tpu.bitcast %and3A_1034 : vector<16xi32> -> vector<16xf32>
      %swap3A_1036 = arith.constant 80 : index
      %swap3A_1037 = tpu.vector_load %arg10[%swap3A_1036] {strides = array<i32>} : memref<512xf32, #tpu.memory_space<vmem>>, vector<16xf32>,
      %swap3A_1038 = vector.shape_cast %swap3A_1037 : vector<16xf32> to vector<16xf32>
      %swap3A_1039 = vector.shape_cast %bitcast_convert_type3A_1032 : vector<16xf32> to vector<16xf32>
      tpu.vector_store %arg10[%swap3A_1036], %swap3A_1039 {add = true, strides = array<i32>} : memref<512xf32, #tpu.memory_space<vmem>>, vector<16xf32>,
      %swap3A_1040 = arith.constant 80 : index
      %swap3A_1041 = tpu.vector_load %arg11[%swap3A_1040] {strides = array<i32>} : memref<512xf32, #tpu.memory_space<vmem>>, vector<16xf32>,
      %swap3A_1042 = vector.shape_cast %swap3A_1041 : vector<16xf32> to vector<16xf32>
      %swap3A_1043 = vector.shape_cast %bitcast_convert_type3A_1035 : vector<16xf32> to vector<16xf32>
      tpu.vector_store %arg11[%swap3A_1040], %swap3A_1043 {add = true, strides = array<i32>} : memref<512xf32, #tpu.memory_space<vmem>>, vector<16xf32>,
      %get3A_1044 = arith.constant 96 : index
      %get3A_1045 = tpu.vector_load %arg6[%get3A_1044] {strides = array<i32>} : memref<128xi32, #tpu.memory_space<vmem>>, vector<16xi32>,
      %get3A_1046 = vector.shape_cast %get3A_1045 : vector<16xi32> to vector<16xi32>
      %shift_left3A_1047 = arith.constant 16 : i32
      %shift_left3A_1048 = vector.broadcast %shift_left3A_1047 : i32 to vector<16xi32>
      %shift_left3A_1049 = arith.shli %get3A_1046, %shift_left3A_1048 : vector<16xi32>
      %bitcast_convert_type3A_1050 = tpu.bitcast %shift_left3A_1049 : vector<16xi32> -> vector<16xf32>
      %and3A_1051 = vector.broadcast %scan3A_288 : i32 to vector<16xi32>
      %and3A_1052 = arith.andi %get3A_1046, %and3A_1051 : vector<16xi32>
      %bitcast_convert_type3A_1053 = tpu.bitcast %and3A_1052 : vector<16xi32> -> vector<16xf32>
      %swap3A_1054 = arith.constant 96 : index
      %swap3A_1055 = tpu.vector_load %arg10[%swap3A_1054] {strides = array<i32>} : memref<512xf32, #tpu.memory_space<vmem>>, vector<16xf32>,
      %swap3A_1056 = vector.shape_cast %swap3A_1055 : vector<16xf32> to vector<16xf32>
      %swap3A_1057 = vector.shape_cast %bitcast_convert_type3A_1050 : vector<16xf32> to vector<16xf32>
      tpu.vector_store %arg10[%swap3A_1054], %swap3A_1057 {add = true, strides = array<i32>} : memref<512xf32, #tpu.memory_space<vmem>>, vector<16xf32>,
      %swap3A_1058 = arith.constant 96 : index
      %swap3A_1059 = tpu.vector_load %arg11[%swap3A_1058] {strides = array<i32>} : memref<512xf32, #tpu.memory_space<vmem>>, vector<16xf32>,
      %swap3A_1060 = vector.shape_cast %swap3A_1059 : vector<16xf32> to vector<16xf32>
      %swap3A_1061 = vector.shape_cast %bitcast_convert_type3A_1053 : vector<16xf32> to vector<16xf32>
      tpu.vector_store %arg11[%swap3A_1058], %swap3A_1061 {add = true, strides = array<i32>} : memref<512xf32, #tpu.memory_space<vmem>>, vector<16xf32>,
      %get3A_1062 = arith.constant 112 : index
      %get3A_1063 = tpu.vector_load %arg6[%get3A_1062] {strides = array<i32>} : memref<128xi32, #tpu.memory_space<vmem>>, vector<16xi32>,
      %get3A_1064 = vector.shape_cast %get3A_1063 : vector<16xi32> to vector<16xi32>
      %shift_left3A_1065 = arith.constant 16 : i32
      %shift_left3A_1066 = vector.broadcast %shift_left3A_1065 : i32 to vector<16xi32>
      %shift_left3A_1067 = arith.shli %get3A_1064, %shift_left3A_1066 : vector<16xi32>
      %bitcast_convert_type3A_1068 = tpu.bitcast %shift_left3A_1067 : vector<16xi32> -> vector<16xf32>
      %and3A_1069 = vector.broadcast %scan3A_288 : i32 to vector<16xi32>
      %and3A_1070 = arith.andi %get3A_1064, %and3A_1069 : vector<16xi32>
      %bitcast_convert_type3A_1071 = tpu.bitcast %and3A_1070 : vector<16xi32> -> vector<16xf32>
      %swap3A_1072 = arith.constant 112 : index
      %swap3A_1073 = tpu.vector_load %arg10[%swap3A_1072] {strides = array<i32>} : memref<512xf32, #tpu.memory_space<vmem>>, vector<16xf32>,
      %swap3A_1074 = vector.shape_cast %swap3A_1073 : vector<16xf32> to vector<16xf32>
      %swap3A_1075 = vector.shape_cast %bitcast_convert_type3A_1068 : vector<16xf32> to vector<16xf32>
      tpu.vector_store %arg10[%swap3A_1072], %swap3A_1075 {add = true, strides = array<i32>} : memref<512xf32, #tpu.memory_space<vmem>>, vector<16xf32>,
      %swap3A_1076 = arith.constant 112 : index
      %swap3A_1077 = tpu.vector_load %arg11[%swap3A_1076] {strides = array<i32>} : memref<512xf32, #tpu.memory_space<vmem>>, vector<16xf32>,
      %swap3A_1078 = vector.shape_cast %swap3A_1077 : vector<16xf32> to vector<16xf32>
      %swap3A_1079 = vector.shape_cast %bitcast_convert_type3A_1071 : vector<16xf32> to vector<16xf32>
      tpu.vector_store %arg11[%swap3A_1076], %swap3A_1079 {add = true, strides = array<i32>} : memref<512xf32, #tpu.memory_space<vmem>>, vector<16xf32>,
      %add3A_1080 = arith.constant 1 : i32
      %add3A_1081 = arith.addi %scan3A_934, %add3A_1080 : i32
      %lt3A_1082 = arith.constant 50 : i32
      %lt3A_1083 = arith.cmpi slt, %add3A_1081, %lt3A_1082 : i32
      %convert_element_type3A_1084 = arith.extui %lt3A_1083 : i1 to i32
      %cond3A_1085 = arith.constant 0 : i32
      %cond3A_1086 = arith.cmpi ne, %convert_element_type3A_1084, %cond3A_1085 : i32
      scf.if %cond3A_1086 {
        %add3A_1555 = arith.constant 1 : i32
        %add3A_1556 = arith.addi %scan3A_934, %add3A_1555 : i32
        %dma_start3A_1557 = arith.constant 0 : i32
        %dma_start3A_1558 = tpu.memref_slice %arg5[%add3A_1556, %dma_start3A_1557] : memref<50x512xi32, #tpu.memory_space<vmem>> -> memref<1x128xi32, #tpu.memory_space<vmem>>
        %dma_start3A_1559 = tpu.memref_squeeze %dma_start3A_1558 : memref<1x128xi32, #tpu.memory_space<vmem>> -> memref<128xi32, #tpu.memory_space<vmem>>
        %dma_start3A_1560 = arith.constant 0 : i32
        %dma_start3A_1561 = tpu.memref_slice %arg12[%dma_start3A_1560] : memref<1000064xi32, #tpu.memory_space<vmem_shared>> -> memref<1000064xi32, #tpu.memory_space<vmem_shared>>
        tpu.enqueue_indirect_dma source(%dma_start3A_1561 : memref<1000064xi32, #tpu.memory_space<vmem_shared>>) target(%arg6 : memref<128xi32, #tpu.memory_space<vmem>>) offsets(%dma_start3A_1559 : memref<128xi32, #tpu.memory_space<vmem>>) semaphore(%arg13 : memref<!tpu.dma_semaphore, #tpu.memory_space<semaphore_mem>>)
      } else {
      }
      %dma_wait3A_1087 = arith.constant 128 : i32
      %dma_wait3A_1088 = tpu.memref_slice %arg5[%scan3A_934, %dma_wait3A_1087] : memref<50x512xi32, #tpu.memory_space<vmem>> -> memref<1x128xi32, #tpu.memory_space<vmem>>
      %dma_wait3A_1089 = tpu.memref_squeeze %dma_wait3A_1088 : memref<1x128xi32, #tpu.memory_space<vmem>> -> memref<128xi32, #tpu.memory_space<vmem>>
      %dma_wait3A_1090 = arith.constant 0 : i32
      %dma_wait3A_1091 = tpu.memref_slice %arg12[%dma_wait3A_1090] : memref<1000064xi32, #tpu.memory_space<vmem_shared>> -> memref<1000064xi32, #tpu.memory_space<vmem_shared>>
      tpu.wait_indirect_dma semaphore(%arg14 : memref<!tpu.dma_semaphore, #tpu.memory_space<semaphore_mem>>) src(%dma_wait3A_1091 : memref<1000064xi32, #tpu.memory_space<vmem_shared>>) dst(%arg7 : memref<128xi32, #tpu.memory_space<vmem>>)
      %get3A_1092 = arith.constant 0 : index
      %get3A_1093 = tpu.vector_load %arg7[%get3A_1092] {strides = array<i32>} : memref<128xi32, #tpu.memory_space<vmem>>, vector<16xi32>,
      %get3A_1094 = vector.shape_cast %get3A_1093 : vector<16xi32> to vector<16xi32>
      %shift_left3A_1095 = arith.constant 16 : i32
      %shift_left3A_1096 = vector.broadcast %shift_left3A_1095 : i32 to vector<16xi32>
      %shift_left3A_1097 = arith.shli %get3A_1094, %shift_left3A_1096 : vector<16xi32>
      %bitcast_convert_type3A_1098 = tpu.bitcast %shift_left3A_1097 : vector<16xi32> -> vector<16xf32>
      %and3A_1099 = vector.broadcast %scan3A_288 : i32 to vector<16xi32>
      %and3A_1100 = arith.andi %get3A_1094, %and3A_1099 : vector<16xi32>
      %bitcast_convert_type3A_1101 = tpu.bitcast %and3A_1100 : vector<16xi32> -> vector<16xf32>
      %swap3A_1102 = arith.constant 128 : index
      %swap3A_1103 = tpu.vector_load %arg10[%swap3A_1102] {strides = array<i32>} : memref<512xf32, #tpu.memory_space<vmem>>, vector<16xf32>,
      %swap3A_1104 = vector.shape_cast %swap3A_1103 : vector<16xf32> to vector<16xf32>
      %swap3A_1105 = vector.shape_cast %bitcast_convert_type3A_1098 : vector<16xf32> to vector<16xf32>
      tpu.vector_store %arg10[%swap3A_1102], %swap3A_1105 {add = true, strides = array<i32>} : memref<512xf32, #tpu.memory_space<vmem>>, vector<16xf32>,
      %swap3A_1106 = arith.constant 128 : index
      %swap3A_1107 = tpu.vector_load %arg11[%swap3A_1106] {strides = array<i32>} : memref<512xf32, #tpu.memory_space<vmem>>, vector<16xf32>,
      %swap3A_1108 = vector.shape_cast %swap3A_1107 : vector<16xf32> to vector<16xf32>
      %swap3A_1109 = vector.shape_cast %bitcast_convert_type3A_1101 : vector<16xf32> to vector<16xf32>
      tpu.vector_store %arg11[%swap3A_1106], %swap3A_1109 {add = true, strides = array<i32>} : memref<512xf32, #tpu.memory_space<vmem>>, vector<16xf32>,
      %get3A_1110 = arith.constant 16 : index
      %get3A_1111 = tpu.vector_load %arg7[%get3A_1110] {strides = array<i32>} : memref<128xi32, #tpu.memory_space<vmem>>, vector<16xi32>,
      %get3A_1112 = vector.shape_cast %get3A_1111 : vector<16xi32> to vector<16xi32>
      %shift_left3A_1113 = arith.constant 16 : i32
      %shift_left3A_1114 = vector.broadcast %shift_left3A_1113 : i32 to vector<16xi32>
      %shift_left3A_1115 = arith.shli %get3A_1112, %shift_left3A_1114 : vector<16xi32>
      %bitcast_convert_type3A_1116 = tpu.bitcast %shift_left3A_1115 : vector<16xi32> -> vector<16xf32>
      %and3A_1117 = vector.broadcast %scan3A_288 : i32 to vector<16xi32>
      %and3A_1118 = arith.andi %get3A_1112, %and3A_1117 : vector<16xi32>
      %bitcast_convert_type3A_1119 = tpu.bitcast %and3A_1118 : vector<16xi32> -> vector<16xf32>
      %swap3A_1120 = arith.constant 144 : index
      %swap3A_1121 = tpu.vector_load %arg10[%swap3A_1120] {strides = array<i32>} : memref<512xf32, #tpu.memory_space<vmem>>, vector<16xf32>,
      %swap3A_1122 = vector.shape_cast %swap3A_1121 : vector<16xf32> to vector<16xf32>
      %swap3A_1123 = vector.shape_cast %bitcast_convert_type3A_1116 : vector<16xf32> to vector<16xf32>
      tpu.vector_store %arg10[%swap3A_1120], %swap3A_1123 {add = true, strides = array<i32>} : memref<512xf32, #tpu.memory_space<vmem>>, vector<16xf32>,
      %swap3A_1124 = arith.constant 144 : index
      %swap3A_1125 = tpu.vector_load %arg11[%swap3A_1124] {strides = array<i32>} : memref<512xf32, #tpu.memory_space<vmem>>, vector<16xf32>,
      %swap3A_1126 = vector.shape_cast %swap3A_1125 : vector<16xf32> to vector<16xf32>
      %swap3A_1127 = vector.shape_cast %bitcast_convert_type3A_1119 : vector<16xf32> to vector<16xf32>
      tpu.vector_store %arg11[%swap3A_1124], %swap3A_1127 {add = true, strides = array<i32>} : memref<512xf32, #tpu.memory_space<vmem>>, vector<16xf32>,
      %get3A_1128 = arith.constant 32 : index
      %get3A_1129 = tpu.vector_load %arg7[%get3A_1128] {strides = array<i32>} : memref<128xi32, #tpu.memory_space<vmem>>, vector<16xi32>,
      %get3A_1130 = vector.shape_cast %get3A_1129 : vector<16xi32> to vector<16xi32>
      %shift_left3A_1131 = arith.constant 16 : i32
      %shift_left3A_1132 = vector.broadcast %shift_left3A_1131 : i32 to vector<16xi32>
      %shift_left3A_1133 = arith.shli %get3A_1130, %shift_left3A_1132 : vector<16xi32>
      %bitcast_convert_type3A_1134 = tpu.bitcast %shift_left3A_1133 : vector<16xi32> -> vector<16xf32>
      %and3A_1135 = vector.broadcast %scan3A_288 : i32 to vector<16xi32>
      %and3A_1136 = arith.andi %get3A_1130, %and3A_1135 : vector<16xi32>
      %bitcast_convert_type3A_1137 = tpu.bitcast %and3A_1136 : vector<16xi32> -> vector<16xf32>
      %swap3A_1138 = arith.constant 160 : index
      %swap3A_1139 = tpu.vector_load %arg10[%swap3A_1138] {strides = array<i32>} : memref<512xf32, #tpu.memory_space<vmem>>, vector<16xf32>,
      %swap3A_1140 = vector.shape_cast %swap3A_1139 : vector<16xf32> to vector<16xf32>
      %swap3A_1141 = vector.shape_cast %bitcast_convert_type3A_1134 : vector<16xf32> to vector<16xf32>
      tpu.vector_store %arg10[%swap3A_1138], %swap3A_1141 {add = true, strides = array<i32>} : memref<512xf32, #tpu.memory_space<vmem>>, vector<16xf32>,
      %swap3A_1142 = arith.constant 160 : index
      %swap3A_1143 = tpu.vector_load %arg11[%swap3A_1142] {strides = array<i32>} : memref<512xf32, #tpu.memory_space<vmem>>, vector<16xf32>,
      %swap3A_1144 = vector.shape_cast %swap3A_1143 : vector<16xf32> to vector<16xf32>
      %swap3A_1145 = vector.shape_cast %bitcast_convert_type3A_1137 : vector<16xf32> to vector<16xf32>
      tpu.vector_store %arg11[%swap3A_1142], %swap3A_1145 {add = true, strides = array<i32>} : memref<512xf32, #tpu.memory_space<vmem>>, vector<16xf32>,
      %get3A_1146 = arith.constant 48 : index
      %get3A_1147 = tpu.vector_load %arg7[%get3A_1146] {strides = array<i32>} : memref<128xi32, #tpu.memory_space<vmem>>, vector<16xi32>,
      %get3A_1148 = vector.shape_cast %get3A_1147 : vector<16xi32> to vector<16xi32>
      %shift_left3A_1149 = arith.constant 16 : i32
      %shift_left3A_1150 = vector.broadcast %shift_left3A_1149 : i32 to vector<16xi32>
      %shift_left3A_1151 = arith.shli %get3A_1148, %shift_left3A_1150 : vector<16xi32>
      %bitcast_convert_type3A_1152 = tpu.bitcast %shift_left3A_1151 : vector<16xi32> -> vector<16xf32>
      %and3A_1153 = vector.broadcast %scan3A_288 : i32 to vector<16xi32>
      %and3A_1154 = arith.andi %get3A_1148, %and3A_1153 : vector<16xi32>
      %bitcast_convert_type3A_1155 = tpu.bitcast %and3A_1154 : vector<16xi32> -> vector<16xf32>
      %swap3A_1156 = arith.constant 176 : index
      %swap3A_1157 = tpu.vector_load %arg10[%swap3A_1156] {strides = array<i32>} : memref<512xf32, #tpu.memory_space<vmem>>, vector<16xf32>,
      %swap3A_1158 = vector.shape_cast %swap3A_1157 : vector<16xf32> to vector<16xf32>
      %swap3A_1159 = vector.shape_cast %bitcast_convert_type3A_1152 : vector<16xf32> to vector<16xf32>
      tpu.vector_store %arg10[%swap3A_1156], %swap3A_1159 {add = true, strides = array<i32>} : memref<512xf32, #tpu.memory_space<vmem>>, vector<16xf32>,
      %swap3A_1160 = arith.constant 176 : index
      %swap3A_1161 = tpu.vector_load %arg11[%swap3A_1160] {strides = array<i32>} : memref<512xf32, #tpu.memory_space<vmem>>, vector<16xf32>,
      %swap3A_1162 = vector.shape_cast %swap3A_1161 : vector<16xf32> to vector<16xf32>
      %swap3A_1163 = vector.shape_cast %bitcast_convert_type3A_1155 : vector<16xf32> to vector<16xf32>
      tpu.vector_store %arg11[%swap3A_1160], %swap3A_1163 {add = true, strides = array<i32>} : memref<512xf32, #tpu.memory_space<vmem>>, vector<16xf32>,
      %get3A_1164 = arith.constant 64 : index
      %get3A_1165 = tpu.vector_load %arg7[%get3A_1164] {strides = array<i32>} : memref<128xi32, #tpu.memory_space<vmem>>, vector<16xi32>,
      %get3A_1166 = vector.shape_cast %get3A_1165 : vector<16xi32> to vector<16xi32>
      %shift_left3A_1167 = arith.constant 16 : i32
      %shift_left3A_1168 = vector.broadcast %shift_left3A_1167 : i32 to vector<16xi32>
      %shift_left3A_1169 = arith.shli %get3A_1166, %shift_left3A_1168 : vector<16xi32>
      %bitcast_convert_type3A_1170 = tpu.bitcast %shift_left3A_1169 : vector<16xi32> -> vector<16xf32>
      %and3A_1171 = vector.broadcast %scan3A_288 : i32 to vector<16xi32>
      %and3A_1172 = arith.andi %get3A_1166, %and3A_1171 : vector<16xi32>
      %bitcast_convert_type3A_1173 = tpu.bitcast %and3A_1172 : vector<16xi32> -> vector<16xf32>
      %swap3A_1174 = arith.constant 192 : index
      %swap3A_1175 = tpu.vector_load %arg10[%swap3A_1174] {strides = array<i32>} : memref<512xf32, #tpu.memory_space<vmem>>, vector<16xf32>,
      %swap3A_1176 = vector.shape_cast %swap3A_1175 : vector<16xf32> to vector<16xf32>
      %swap3A_1177 = vector.shape_cast %bitcast_convert_type3A_1170 : vector<16xf32> to vector<16xf32>
      tpu.vector_store %arg10[%swap3A_1174], %swap3A_1177 {add = true, strides = array<i32>} : memref<512xf32, #tpu.memory_space<vmem>>, vector<16xf32>,
      %swap3A_1178 = arith.constant 192 : index
      %swap3A_1179 = tpu.vector_load %arg11[%swap3A_1178] {strides = array<i32>} : memref<512xf32, #tpu.memory_space<vmem>>, vector<16xf32>,
      %swap3A_1180 = vector.shape_cast %swap3A_1179 : vector<16xf32> to vector<16xf32>
      %swap3A_1181 = vector.shape_cast %bitcast_convert_type3A_1173 : vector<16xf32> to vector<16xf32>
      tpu.vector_store %arg11[%swap3A_1178], %swap3A_1181 {add = true, strides = array<i32>} : memref<512xf32, #tpu.memory_space<vmem>>, vector<16xf32>,
      %get3A_1182 = arith.constant 80 : index
      %get3A_1183 = tpu.vector_load %arg7[%get3A_1182] {strides = array<i32>} : memref<128xi32, #tpu.memory_space<vmem>>, vector<16xi32>,
      %get3A_1184 = vector.shape_cast %get3A_1183 : vector<16xi32> to vector<16xi32>
      %shift_left3A_1185 = arith.constant 16 : i32
      %shift_left3A_1186 = vector.broadcast %shift_left3A_1185 : i32 to vector<16xi32>
      %shift_left3A_1187 = arith.shli %get3A_1184, %shift_left3A_1186 : vector<16xi32>
      %bitcast_convert_type3A_1188 = tpu.bitcast %shift_left3A_1187 : vector<16xi32> -> vector<16xf32>
      %and3A_1189 = vector.broadcast %scan3A_288 : i32 to vector<16xi32>
      %and3A_1190 = arith.andi %get3A_1184, %and3A_1189 : vector<16xi32>
      %bitcast_convert_type3A_1191 = tpu.bitcast %and3A_1190 : vector<16xi32> -> vector<16xf32>
      %swap3A_1192 = arith.constant 208 : index
      %swap3A_1193 = tpu.vector_load %arg10[%swap3A_1192] {strides = array<i32>} : memref<512xf32, #tpu.memory_space<vmem>>, vector<16xf32>,
      %swap3A_1194 = vector.shape_cast %swap3A_1193 : vector<16xf32> to vector<16xf32>
      %swap3A_1195 = vector.shape_cast %bitcast_convert_type3A_1188 : vector<16xf32> to vector<16xf32>
      tpu.vector_store %arg10[%swap3A_1192], %swap3A_1195 {add = true, strides = array<i32>} : memref<512xf32, #tpu.memory_space<vmem>>, vector<16xf32>,
      %swap3A_1196 = arith.constant 208 : index
      %swap3A_1197 = tpu.vector_load %arg11[%swap3A_1196] {strides = array<i32>} : memref<512xf32, #tpu.memory_space<vmem>>, vector<16xf32>,
      %swap3A_1198 = vector.shape_cast %swap3A_1197 : vector<16xf32> to vector<16xf32>
      %swap3A_1199 = vector.shape_cast %bitcast_convert_type3A_1191 : vector<16xf32> to vector<16xf32>
      tpu.vector_store %arg11[%swap3A_1196], %swap3A_1199 {add = true, strides = array<i32>} : memref<512xf32, #tpu.memory_space<vmem>>, vector<16xf32>,
      %get3A_1200 = arith.constant 96 : index
      %get3A_1201 = tpu.vector_load %arg7[%get3A_1200] {strides = array<i32>} : memref<128xi32, #tpu.memory_space<vmem>>, vector<16xi32>,
      %get3A_1202 = vector.shape_cast %get3A_1201 : vector<16xi32> to vector<16xi32>
      %shift_left3A_1203 = arith.constant 16 : i32
      %shift_left3A_1204 = vector.broadcast %shift_left3A_1203 : i32 to vector<16xi32>
      %shift_left3A_1205 = arith.shli %get3A_1202, %shift_left3A_1204 : vector<16xi32>
      %bitcast_convert_type3A_1206 = tpu.bitcast %shift_left3A_1205 : vector<16xi32> -> vector<16xf32>
      %and3A_1207 = vector.broadcast %scan3A_288 : i32 to vector<16xi32>
      %and3A_1208 = arith.andi %get3A_1202, %and3A_1207 : vector<16xi32>
      %bitcast_convert_type3A_1209 = tpu.bitcast %and3A_1208 : vector<16xi32> -> vector<16xf32>
      %swap3A_1210 = arith.constant 224 : index
      %swap3A_1211 = tpu.vector_load %arg10[%swap3A_1210] {strides = array<i32>} : memref<512xf32, #tpu.memory_space<vmem>>, vector<16xf32>,
      %swap3A_1212 = vector.shape_cast %swap3A_1211 : vector<16xf32> to vector<16xf32>
      %swap3A_1213 = vector.shape_cast %bitcast_convert_type3A_1206 : vector<16xf32> to vector<16xf32>
      tpu.vector_store %arg10[%swap3A_1210], %swap3A_1213 {add = true, strides = array<i32>} : memref<512xf32, #tpu.memory_space<vmem>>, vector<16xf32>,
      %swap3A_1214 = arith.constant 224 : index
      %swap3A_1215 = tpu.vector_load %arg11[%swap3A_1214] {strides = array<i32>} : memref<512xf32, #tpu.memory_space<vmem>>, vector<16xf32>,
      %swap3A_1216 = vector.shape_cast %swap3A_1215 : vector<16xf32> to vector<16xf32>
      %swap3A_1217 = vector.shape_cast %bitcast_convert_type3A_1209 : vector<16xf32> to vector<16xf32>
      tpu.vector_store %arg11[%swap3A_1214], %swap3A_1217 {add = true, strides = array<i32>} : memref<512xf32, #tpu.memory_space<vmem>>, vector<16xf32>,
      %get3A_1218 = arith.constant 112 : index
      %get3A_1219 = tpu.vector_load %arg7[%get3A_1218] {strides = array<i32>} : memref<128xi32, #tpu.memory_space<vmem>>, vector<16xi32>,
      %get3A_1220 = vector.shape_cast %get3A_1219 : vector<16xi32> to vector<16xi32>
      %shift_left3A_1221 = arith.constant 16 : i32
      %shift_left3A_1222 = vector.broadcast %shift_left3A_1221 : i32 to vector<16xi32>
      %shift_left3A_1223 = arith.shli %get3A_1220, %shift_left3A_1222 : vector<16xi32>
      %bitcast_convert_type3A_1224 = tpu.bitcast %shift_left3A_1223 : vector<16xi32> -> vector<16xf32>
      %and3A_1225 = vector.broadcast %scan3A_288 : i32 to vector<16xi32>
      %and3A_1226 = arith.andi %get3A_1220, %and3A_1225 : vector<16xi32>
      %bitcast_convert_type3A_1227 = tpu.bitcast %and3A_1226 : vector<16xi32> -> vector<16xf32>
      %swap3A_1228 = arith.constant 240 : index
      %swap3A_1229 = tpu.vector_load %arg10[%swap3A_1228] {strides = array<i32>} : memref<512xf32, #tpu.memory_space<vmem>>, vector<16xf32>,
      %swap3A_1230 = vector.shape_cast %swap3A_1229 : vector<16xf32> to vector<16xf32>
      %swap3A_1231 = vector.shape_cast %bitcast_convert_type3A_1224 : vector<16xf32> to vector<16xf32>
      tpu.vector_store %arg10[%swap3A_1228], %swap3A_1231 {add = true, strides = array<i32>} : memref<512xf32, #tpu.memory_space<vmem>>, vector<16xf32>,
      %swap3A_1232 = arith.constant 240 : index
      %swap3A_1233 = tpu.vector_load %arg11[%swap3A_1232] {strides = array<i32>} : memref<512xf32, #tpu.memory_space<vmem>>, vector<16xf32>,
      %swap3A_1234 = vector.shape_cast %swap3A_1233 : vector<16xf32> to vector<16xf32>
      %swap3A_1235 = vector.shape_cast %bitcast_convert_type3A_1227 : vector<16xf32> to vector<16xf32>
      tpu.vector_store %arg11[%swap3A_1232], %swap3A_1235 {add = true, strides = array<i32>} : memref<512xf32, #tpu.memory_space<vmem>>, vector<16xf32>,
      %add3A_1236 = arith.constant 1 : i32
      %add3A_1237 = arith.addi %scan3A_934, %add3A_1236 : i32
      %lt3A_1238 = arith.constant 50 : i32
      %lt3A_1239 = arith.cmpi slt, %add3A_1237, %lt3A_1238 : i32
      %convert_element_type3A_1240 = arith.extui %lt3A_1239 : i1 to i32
      %cond3A_1241 = arith.constant 0 : i32
      %cond3A_1242 = arith.cmpi ne, %convert_element_type3A_1240, %cond3A_1241 : i32
      scf.if %cond3A_1242 {
        %add3A_1555 = arith.constant 1 : i32
        %add3A_1556 = arith.addi %scan3A_934, %add3A_1555 : i32
        %dma_start3A_1557 = arith.constant 128 : i32
        %dma_start3A_1558 = tpu.memref_slice %arg5[%add3A_1556, %dma_start3A_1557] : memref<50x512xi32, #tpu.memory_space<vmem>> -> memref<1x128xi32, #tpu.memory_space<vmem>>
        %dma_start3A_1559 = tpu.memref_squeeze %dma_start3A_1558 : memref<1x128xi32, #tpu.memory_space<vmem>> -> memref<128xi32, #tpu.memory_space<vmem>>
        %dma_start3A_1560 = arith.constant 0 : i32
        %dma_start3A_1561 = tpu.memref_slice %arg12[%dma_start3A_1560] : memref<1000064xi32, #tpu.memory_space<vmem_shared>> -> memref<1000064xi32, #tpu.memory_space<vmem_shared>>
        tpu.enqueue_indirect_dma source(%dma_start3A_1561 : memref<1000064xi32, #tpu.memory_space<vmem_shared>>) target(%arg7 : memref<128xi32, #tpu.memory_space<vmem>>) offsets(%dma_start3A_1559 : memref<128xi32, #tpu.memory_space<vmem>>) semaphore(%arg14 : memref<!tpu.dma_semaphore, #tpu.memory_space<semaphore_mem>>)
      } else {
      }
      %dma_wait3A_1243 = arith.constant 256 : i32
      %dma_wait3A_1244 = tpu.memref_slice %arg5[%scan3A_934, %dma_wait3A_1243] : memref<50x512xi32, #tpu.memory_space<vmem>> -> memref<1x128xi32, #tpu.memory_space<vmem>>
      %dma_wait3A_1245 = tpu.memref_squeeze %dma_wait3A_1244 : memref<1x128xi32, #tpu.memory_space<vmem>> -> memref<128xi32, #tpu.memory_space<vmem>>
      %dma_wait3A_1246 = arith.constant 0 : i32
      %dma_wait3A_1247 = tpu.memref_slice %arg12[%dma_wait3A_1246] : memref<1000064xi32, #tpu.memory_space<vmem_shared>> -> memref<1000064xi32, #tpu.memory_space<vmem_shared>>
      tpu.wait_indirect_dma semaphore(%arg15 : memref<!tpu.dma_semaphore, #tpu.memory_space<semaphore_mem>>) src(%dma_wait3A_1247 : memref<1000064xi32, #tpu.memory_space<vmem_shared>>) dst(%arg8 : memref<128xi32, #tpu.memory_space<vmem>>)
      %get3A_1248 = arith.constant 0 : index
      %get3A_1249 = tpu.vector_load %arg8[%get3A_1248] {strides = array<i32>} : memref<128xi32, #tpu.memory_space<vmem>>, vector<16xi32>,
      %get3A_1250 = vector.shape_cast %get3A_1249 : vector<16xi32> to vector<16xi32>
      %shift_left3A_1251 = arith.constant 16 : i32
      %shift_left3A_1252 = vector.broadcast %shift_left3A_1251 : i32 to vector<16xi32>
      %shift_left3A_1253 = arith.shli %get3A_1250, %shift_left3A_1252 : vector<16xi32>
      %bitcast_convert_type3A_1254 = tpu.bitcast %shift_left3A_1253 : vector<16xi32> -> vector<16xf32>
      %and3A_1255 = vector.broadcast %scan3A_288 : i32 to vector<16xi32>
      %and3A_1256 = arith.andi %get3A_1250, %and3A_1255 : vector<16xi32>
      %bitcast_convert_type3A_1257 = tpu.bitcast %and3A_1256 : vector<16xi32> -> vector<16xf32>
      %swap3A_1258 = arith.constant 256 : index
      %swap3A_1259 = tpu.vector_load %arg10[%swap3A_1258] {strides = array<i32>} : memref<512xf32, #tpu.memory_space<vmem>>, vector<16xf32>,
      %swap3A_1260 = vector.shape_cast %swap3A_1259 : vector<16xf32> to vector<16xf32>
      %swap3A_1261 = vector.shape_cast %bitcast_convert_type3A_1254 : vector<16xf32> to vector<16xf32>
      tpu.vector_store %arg10[%swap3A_1258], %swap3A_1261 {add = true, strides = array<i32>} : memref<512xf32, #tpu.memory_space<vmem>>, vector<16xf32>,
      %swap3A_1262 = arith.constant 256 : index
      %swap3A_1263 = tpu.vector_load %arg11[%swap3A_1262] {strides = array<i32>} : memref<512xf32, #tpu.memory_space<vmem>>, vector<16xf32>,
      %swap3A_1264 = vector.shape_cast %swap3A_1263 : vector<16xf32> to vector<16xf32>
      %swap3A_1265 = vector.shape_cast %bitcast_convert_type3A_1257 : vector<16xf32> to vector<16xf32>
      tpu.vector_store %arg11[%swap3A_1262], %swap3A_1265 {add = true, strides = array<i32>} : memref<512xf32, #tpu.memory_space<vmem>>, vector<16xf32>,
      %get3A_1266 = arith.constant 16 : index
      %get3A_1267 = tpu.vector_load %arg8[%get3A_1266] {strides = array<i32>} : memref<128xi32, #tpu.memory_space<vmem>>, vector<16xi32>,
      %get3A_1268 = vector.shape_cast %get3A_1267 : vector<16xi32> to vector<16xi32>
      %shift_left3A_1269 = arith.constant 16 : i32
      %shift_left3A_1270 = vector.broadcast %shift_left3A_1269 : i32 to vector<16xi32>
      %shift_left3A_1271 = arith.shli %get3A_1268, %shift_left3A_1270 : vector<16xi32>
      %bitcast_convert_type3A_1272 = tpu.bitcast %shift_left3A_1271 : vector<16xi32> -> vector<16xf32>
      %and3A_1273 = vector.broadcast %scan3A_288 : i32 to vector<16xi32>
      %and3A_1274 = arith.andi %get3A_1268, %and3A_1273 : vector<16xi32>
      %bitcast_convert_type3A_1275 = tpu.bitcast %and3A_1274 : vector<16xi32> -> vector<16xf32>
      %swap3A_1276 = arith.constant 272 : index
      %swap3A_1277 = tpu.vector_load %arg10[%swap3A_1276] {strides = array<i32>} : memref<512xf32, #tpu.memory_space<vmem>>, vector<16xf32>,
      %swap3A_1278 = vector.shape_cast %swap3A_1277 : vector<16xf32> to vector<16xf32>
      %swap3A_1279 = vector.shape_cast %bitcast_convert_type3A_1272 : vector<16xf32> to vector<16xf32>
      tpu.vector_store %arg10[%swap3A_1276], %swap3A_1279 {add = true, strides = array<i32>} : memref<512xf32, #tpu.memory_space<vmem>>, vector<16xf32>,
      %swap3A_1280 = arith.constant 272 : index
      %swap3A_1281 = tpu.vector_load %arg11[%swap3A_1280] {strides = array<i32>} : memref<512xf32, #tpu.memory_space<vmem>>, vector<16xf32>,
      %swap3A_1282 = vector.shape_cast %swap3A_1281 : vector<16xf32> to vector<16xf32>
      %swap3A_1283 = vector.shape_cast %bitcast_convert_type3A_1275 : vector<16xf32> to vector<16xf32>
      tpu.vector_store %arg11[%swap3A_1280], %swap3A_1283 {add = true, strides = array<i32>} : memref<512xf32, #tpu.memory_space<vmem>>, vector<16xf32>,
      %get3A_1284 = arith.constant 32 : index
      %get3A_1285 = tpu.vector_load %arg8[%get3A_1284] {strides = array<i32>} : memref<128xi32, #tpu.memory_space<vmem>>, vector<16xi32>,
      %get3A_1286 = vector.shape_cast %get3A_1285 : vector<16xi32> to vector<16xi32>
      %shift_left3A_1287 = arith.constant 16 : i32
      %shift_left3A_1288 = vector.broadcast %shift_left3A_1287 : i32 to vector<16xi32>
      %shift_left3A_1289 = arith.shli %get3A_1286, %shift_left3A_1288 : vector<16xi32>
      %bitcast_convert_type3A_1290 = tpu.bitcast %shift_left3A_1289 : vector<16xi32> -> vector<16xf32>
      %and3A_1291 = vector.broadcast %scan3A_288 : i32 to vector<16xi32>
      %and3A_1292 = arith.andi %get3A_1286, %and3A_1291 : vector<16xi32>
      %bitcast_convert_type3A_1293 = tpu.bitcast %and3A_1292 : vector<16xi32> -> vector<16xf32>
      %swap3A_1294 = arith.constant 288 : index
      %swap3A_1295 = tpu.vector_load %arg10[%swap3A_1294] {strides = array<i32>} : memref<512xf32, #tpu.memory_space<vmem>>, vector<16xf32>,
      %swap3A_1296 = vector.shape_cast %swap3A_1295 : vector<16xf32> to vector<16xf32>
      %swap3A_1297 = vector.shape_cast %bitcast_convert_type3A_1290 : vector<16xf32> to vector<16xf32>
      tpu.vector_store %arg10[%swap3A_1294], %swap3A_1297 {add = true, strides = array<i32>} : memref<512xf32, #tpu.memory_space<vmem>>, vector<16xf32>,
      %swap3A_1298 = arith.constant 288 : index
      %swap3A_1299 = tpu.vector_load %arg11[%swap3A_1298] {strides = array<i32>} : memref<512xf32, #tpu.memory_space<vmem>>, vector<16xf32>,
      %swap3A_1300 = vector.shape_cast %swap3A_1299 : vector<16xf32> to vector<16xf32>
      %swap3A_1301 = vector.shape_cast %bitcast_convert_type3A_1293 : vector<16xf32> to vector<16xf32>
      tpu.vector_store %arg11[%swap3A_1298], %swap3A_1301 {add = true, strides = array<i32>} : memref<512xf32, #tpu.memory_space<vmem>>, vector<16xf32>,
      %get3A_1302 = arith.constant 48 : index
      %get3A_1303 = tpu.vector_load %arg8[%get3A_1302] {strides = array<i32>} : memref<128xi32, #tpu.memory_space<vmem>>, vector<16xi32>,
      %get3A_1304 = vector.shape_cast %get3A_1303 : vector<16xi32> to vector<16xi32>
      %shift_left3A_1305 = arith.constant 16 : i32
      %shift_left3A_1306 = vector.broadcast %shift_left3A_1305 : i32 to vector<16xi32>
      %shift_left3A_1307 = arith.shli %get3A_1304, %shift_left3A_1306 : vector<16xi32>
      %bitcast_convert_type3A_1308 = tpu.bitcast %shift_left3A_1307 : vector<16xi32> -> vector<16xf32>
      %and3A_1309 = vector.broadcast %scan3A_288 : i32 to vector<16xi32>
      %and3A_1310 = arith.andi %get3A_1304, %and3A_1309 : vector<16xi32>
      %bitcast_convert_type3A_1311 = tpu.bitcast %and3A_1310 : vector<16xi32> -> vector<16xf32>
      %swap3A_1312 = arith.constant 304 : index
      %swap3A_1313 = tpu.vector_load %arg10[%swap3A_1312] {strides = array<i32>} : memref<512xf32, #tpu.memory_space<vmem>>, vector<16xf32>,
      %swap3A_1314 = vector.shape_cast %swap3A_1313 : vector<16xf32> to vector<16xf32>
      %swap3A_1315 = vector.shape_cast %bitcast_convert_type3A_1308 : vector<16xf32> to vector<16xf32>
      tpu.vector_store %arg10[%swap3A_1312], %swap3A_1315 {add = true, strides = array<i32>} : memref<512xf32, #tpu.memory_space<vmem>>, vector<16xf32>,
      %swap3A_1316 = arith.constant 304 : index
      %swap3A_1317 = tpu.vector_load %arg11[%swap3A_1316] {strides = array<i32>} : memref<512xf32, #tpu.memory_space<vmem>>, vector<16xf32>,
      %swap3A_1318 = vector.shape_cast %swap3A_1317 : vector<16xf32> to vector<16xf32>
      %swap3A_1319 = vector.shape_cast %bitcast_convert_type3A_1311 : vector<16xf32> to vector<16xf32>
      tpu.vector_store %arg11[%swap3A_1316], %swap3A_1319 {add = true, strides = array<i32>} : memref<512xf32, #tpu.memory_space<vmem>>, vector<16xf32>,
      %get3A_1320 = arith.constant 64 : index
      %get3A_1321 = tpu.vector_load %arg8[%get3A_1320] {strides = array<i32>} : memref<128xi32, #tpu.memory_space<vmem>>, vector<16xi32>,
      %get3A_1322 = vector.shape_cast %get3A_1321 : vector<16xi32> to vector<16xi32>
      %shift_left3A_1323 = arith.constant 16 : i32
      %shift_left3A_1324 = vector.broadcast %shift_left3A_1323 : i32 to vector<16xi32>
      %shift_left3A_1325 = arith.shli %get3A_1322, %shift_left3A_1324 : vector<16xi32>
      %bitcast_convert_type3A_1326 = tpu.bitcast %shift_left3A_1325 : vector<16xi32> -> vector<16xf32>
      %and3A_1327 = vector.broadcast %scan3A_288 : i32 to vector<16xi32>
      %and3A_1328 = arith.andi %get3A_1322, %and3A_1327 : vector<16xi32>
      %bitcast_convert_type3A_1329 = tpu.bitcast %and3A_1328 : vector<16xi32> -> vector<16xf32>
      %swap3A_1330 = arith.constant 320 : index
      %swap3A_1331 = tpu.vector_load %arg10[%swap3A_1330] {strides = array<i32>} : memref<512xf32, #tpu.memory_space<vmem>>, vector<16xf32>,
      %swap3A_1332 = vector.shape_cast %swap3A_1331 : vector<16xf32> to vector<16xf32>
      %swap3A_1333 = vector.shape_cast %bitcast_convert_type3A_1326 : vector<16xf32> to vector<16xf32>
      tpu.vector_store %arg10[%swap3A_1330], %swap3A_1333 {add = true, strides = array<i32>} : memref<512xf32, #tpu.memory_space<vmem>>, vector<16xf32>,
      %swap3A_1334 = arith.constant 320 : index
      %swap3A_1335 = tpu.vector_load %arg11[%swap3A_1334] {strides = array<i32>} : memref<512xf32, #tpu.memory_space<vmem>>, vector<16xf32>,
      %swap3A_1336 = vector.shape_cast %swap3A_1335 : vector<16xf32> to vector<16xf32>
      %swap3A_1337 = vector.shape_cast %bitcast_convert_type3A_1329 : vector<16xf32> to vector<16xf32>
      tpu.vector_store %arg11[%swap3A_1334], %swap3A_1337 {add = true, strides = array<i32>} : memref<512xf32, #tpu.memory_space<vmem>>, vector<16xf32>,
      %get3A_1338 = arith.constant 80 : index
      %get3A_1339 = tpu.vector_load %arg8[%get3A_1338] {strides = array<i32>} : memref<128xi32, #tpu.memory_space<vmem>>, vector<16xi32>,
      %get3A_1340 = vector.shape_cast %get3A_1339 : vector<16xi32> to vector<16xi32>
      %shift_left3A_1341 = arith.constant 16 : i32
      %shift_left3A_1342 = vector.broadcast %shift_left3A_1341 : i32 to vector<16xi32>
      %shift_left3A_1343 = arith.shli %get3A_1340, %shift_left3A_1342 : vector<16xi32>
      %bitcast_convert_type3A_1344 = tpu.bitcast %shift_left3A_1343 : vector<16xi32> -> vector<16xf32>
      %and3A_1345 = vector.broadcast %scan3A_288 : i32 to vector<16xi32>
      %and3A_1346 = arith.andi %get3A_1340, %and3A_1345 : vector<16xi32>
      %bitcast_convert_type3A_1347 = tpu.bitcast %and3A_1346 : vector<16xi32> -> vector<16xf32>
      %swap3A_1348 = arith.constant 336 : index
      %swap3A_1349 = tpu.vector_load %arg10[%swap3A_1348] {strides = array<i32>} : memref<512xf32, #tpu.memory_space<vmem>>, vector<16xf32>,
      %swap3A_1350 = vector.shape_cast %swap3A_1349 : vector<16xf32> to vector<16xf32>
      %swap3A_1351 = vector.shape_cast %bitcast_convert_type3A_1344 : vector<16xf32> to vector<16xf32>
      tpu.vector_store %arg10[%swap3A_1348], %swap3A_1351 {add = true, strides = array<i32>} : memref<512xf32, #tpu.memory_space<vmem>>, vector<16xf32>,
      %swap3A_1352 = arith.constant 336 : index
      %swap3A_1353 = tpu.vector_load %arg11[%swap3A_1352] {strides = array<i32>} : memref<512xf32, #tpu.memory_space<vmem>>, vector<16xf32>,
      %swap3A_1354 = vector.shape_cast %swap3A_1353 : vector<16xf32> to vector<16xf32>
      %swap3A_1355 = vector.shape_cast %bitcast_convert_type3A_1347 : vector<16xf32> to vector<16xf32>
      tpu.vector_store %arg11[%swap3A_1352], %swap3A_1355 {add = true, strides = array<i32>} : memref<512xf32, #tpu.memory_space<vmem>>, vector<16xf32>,
      %get3A_1356 = arith.constant 96 : index
      %get3A_1357 = tpu.vector_load %arg8[%get3A_1356] {strides = array<i32>} : memref<128xi32, #tpu.memory_space<vmem>>, vector<16xi32>,
      %get3A_1358 = vector.shape_cast %get3A_1357 : vector<16xi32> to vector<16xi32>
      %shift_left3A_1359 = arith.constant 16 : i32
      %shift_left3A_1360 = vector.broadcast %shift_left3A_1359 : i32 to vector<16xi32>
      %shift_left3A_1361 = arith.shli %get3A_1358, %shift_left3A_1360 : vector<16xi32>
      %bitcast_convert_type3A_1362 = tpu.bitcast %shift_left3A_1361 : vector<16xi32> -> vector<16xf32>
      %and3A_1363 = vector.broadcast %scan3A_288 : i32 to vector<16xi32>
      %and3A_1364 = arith.andi %get3A_1358, %and3A_1363 : vector<16xi32>
      %bitcast_convert_type3A_1365 = tpu.bitcast %and3A_1364 : vector<16xi32> -> vector<16xf32>
      %swap3A_1366 = arith.constant 352 : index
      %swap3A_1367 = tpu.vector_load %arg10[%swap3A_1366] {strides = array<i32>} : memref<512xf32, #tpu.memory_space<vmem>>, vector<16xf32>,
      %swap3A_1368 = vector.shape_cast %swap3A_1367 : vector<16xf32> to vector<16xf32>
      %swap3A_1369 = vector.shape_cast %bitcast_convert_type3A_1362 : vector<16xf32> to vector<16xf32>
      tpu.vector_store %arg10[%swap3A_1366], %swap3A_1369 {add = true, strides = array<i32>} : memref<512xf32, #tpu.memory_space<vmem>>, vector<16xf32>,
      %swap3A_1370 = arith.constant 352 : index
      %swap3A_1371 = tpu.vector_load %arg11[%swap3A_1370] {strides = array<i32>} : memref<512xf32, #tpu.memory_space<vmem>>, vector<16xf32>,
      %swap3A_1372 = vector.shape_cast %swap3A_1371 : vector<16xf32> to vector<16xf32>
      %swap3A_1373 = vector.shape_cast %bitcast_convert_type3A_1365 : vector<16xf32> to vector<16xf32>
      tpu.vector_store %arg11[%swap3A_1370], %swap3A_1373 {add = true, strides = array<i32>} : memref<512xf32, #tpu.memory_space<vmem>>, vector<16xf32>,
      %get3A_1374 = arith.constant 112 : index
      %get3A_1375 = tpu.vector_load %arg8[%get3A_1374] {strides = array<i32>} : memref<128xi32, #tpu.memory_space<vmem>>, vector<16xi32>,
      %get3A_1376 = vector.shape_cast %get3A_1375 : vector<16xi32> to vector<16xi32>
      %shift_left3A_1377 = arith.constant 16 : i32
      %shift_left3A_1378 = vector.broadcast %shift_left3A_1377 : i32 to vector<16xi32>
      %shift_left3A_1379 = arith.shli %get3A_1376, %shift_left3A_1378 : vector<16xi32>
      %bitcast_convert_type3A_1380 = tpu.bitcast %shift_left3A_1379 : vector<16xi32> -> vector<16xf32>
      %and3A_1381 = vector.broadcast %scan3A_288 : i32 to vector<16xi32>
      %and3A_1382 = arith.andi %get3A_1376, %and3A_1381 : vector<16xi32>
      %bitcast_convert_type3A_1383 = tpu.bitcast %and3A_1382 : vector<16xi32> -> vector<16xf32>
      %swap3A_1384 = arith.constant 368 : index
      %swap3A_1385 = tpu.vector_load %arg10[%swap3A_1384] {strides = array<i32>} : memref<512xf32, #tpu.memory_space<vmem>>, vector<16xf32>,
      %swap3A_1386 = vector.shape_cast %swap3A_1385 : vector<16xf32> to vector<16xf32>
      %swap3A_1387 = vector.shape_cast %bitcast_convert_type3A_1380 : vector<16xf32> to vector<16xf32>
      tpu.vector_store %arg10[%swap3A_1384], %swap3A_1387 {add = true, strides = array<i32>} : memref<512xf32, #tpu.memory_space<vmem>>, vector<16xf32>,
      %swap3A_1388 = arith.constant 368 : index
      %swap3A_1389 = tpu.vector_load %arg11[%swap3A_1388] {strides = array<i32>} : memref<512xf32, #tpu.memory_space<vmem>>, vector<16xf32>,
      %swap3A_1390 = vector.shape_cast %swap3A_1389 : vector<16xf32> to vector<16xf32>
      %swap3A_1391 = vector.shape_cast %bitcast_convert_type3A_1383 : vector<16xf32> to vector<16xf32>
      tpu.vector_store %arg11[%swap3A_1388], %swap3A_1391 {add = true, strides = array<i32>} : memref<512xf32, #tpu.memory_space<vmem>>, vector<16xf32>,
      %add3A_1392 = arith.constant 1 : i32
      %add3A_1393 = arith.addi %scan3A_934, %add3A_1392 : i32
      %lt3A_1394 = arith.constant 50 : i32
      %lt3A_1395 = arith.cmpi slt, %add3A_1393, %lt3A_1394 : i32
      %convert_element_type3A_1396 = arith.extui %lt3A_1395 : i1 to i32
      %cond3A_1397 = arith.constant 0 : i32
      %cond3A_1398 = arith.cmpi ne, %convert_element_type3A_1396, %cond3A_1397 : i32
      scf.if %cond3A_1398 {
        %add3A_1555 = arith.constant 1 : i32
        %add3A_1556 = arith.addi %scan3A_934, %add3A_1555 : i32
        %dma_start3A_1557 = arith.constant 256 : i32
        %dma_start3A_1558 = tpu.memref_slice %arg5[%add3A_1556, %dma_start3A_1557] : memref<50x512xi32, #tpu.memory_space<vmem>> -> memref<1x128xi32, #tpu.memory_space<vmem>>
        %dma_start3A_1559 = tpu.memref_squeeze %dma_start3A_1558 : memref<1x128xi32, #tpu.memory_space<vmem>> -> memref<128xi32, #tpu.memory_space<vmem>>
        %dma_start3A_1560 = arith.constant 0 : i32
        %dma_start3A_1561 = tpu.memref_slice %arg12[%dma_start3A_1560] : memref<1000064xi32, #tpu.memory_space<vmem_shared>> -> memref<1000064xi32, #tpu.memory_space<vmem_shared>>
        tpu.enqueue_indirect_dma source(%dma_start3A_1561 : memref<1000064xi32, #tpu.memory_space<vmem_shared>>) target(%arg8 : memref<128xi32, #tpu.memory_space<vmem>>) offsets(%dma_start3A_1559 : memref<128xi32, #tpu.memory_space<vmem>>) semaphore(%arg15 : memref<!tpu.dma_semaphore, #tpu.memory_space<semaphore_mem>>)
      } else {
      }
      %dma_wait3A_1399 = arith.constant 384 : i32
      %dma_wait3A_1400 = tpu.memref_slice %arg5[%scan3A_934, %dma_wait3A_1399] : memref<50x512xi32, #tpu.memory_space<vmem>> -> memref<1x128xi32, #tpu.memory_space<vmem>>
      %dma_wait3A_1401 = tpu.memref_squeeze %dma_wait3A_1400 : memref<1x128xi32, #tpu.memory_space<vmem>> -> memref<128xi32, #tpu.memory_space<vmem>>
      %dma_wait3A_1402 = arith.constant 0 : i32
      %dma_wait3A_1403 = tpu.memref_slice %arg12[%dma_wait3A_1402] : memref<1000064xi32, #tpu.memory_space<vmem_shared>> -> memref<1000064xi32, #tpu.memory_space<vmem_shared>>
      tpu.wait_indirect_dma semaphore(%arg16 : memref<!tpu.dma_semaphore, #tpu.memory_space<semaphore_mem>>) src(%dma_wait3A_1403 : memref<1000064xi32, #tpu.memory_space<vmem_shared>>) dst(%arg9 : memref<128xi32, #tpu.memory_space<vmem>>)
      %get3A_1404 = arith.constant 0 : index
      %get3A_1405 = tpu.vector_load %arg9[%get3A_1404] {strides = array<i32>} : memref<128xi32, #tpu.memory_space<vmem>>, vector<16xi32>,
      %get3A_1406 = vector.shape_cast %get3A_1405 : vector<16xi32> to vector<16xi32>
      %shift_left3A_1407 = arith.constant 16 : i32
      %shift_left3A_1408 = vector.broadcast %shift_left3A_1407 : i32 to vector<16xi32>
      %shift_left3A_1409 = arith.shli %get3A_1406, %shift_left3A_1408 : vector<16xi32>
      %bitcast_convert_type3A_1410 = tpu.bitcast %shift_left3A_1409 : vector<16xi32> -> vector<16xf32>
      %and3A_1411 = vector.broadcast %scan3A_288 : i32 to vector<16xi32>
      %and3A_1412 = arith.andi %get3A_1406, %and3A_1411 : vector<16xi32>
      %bitcast_convert_type3A_1413 = tpu.bitcast %and3A_1412 : vector<16xi32> -> vector<16xf32>
      %swap3A_1414 = arith.constant 384 : index
      %swap3A_1415 = tpu.vector_load %arg10[%swap3A_1414] {strides = array<i32>} : memref<512xf32, #tpu.memory_space<vmem>>, vector<16xf32>,
      %swap3A_1416 = vector.shape_cast %swap3A_1415 : vector<16xf32> to vector<16xf32>
      %swap3A_1417 = vector.shape_cast %bitcast_convert_type3A_1410 : vector<16xf32> to vector<16xf32>
      tpu.vector_store %arg10[%swap3A_1414], %swap3A_1417 {add = true, strides = array<i32>} : memref<512xf32, #tpu.memory_space<vmem>>, vector<16xf32>,
      %swap3A_1418 = arith.constant 384 : index
      %swap3A_1419 = tpu.vector_load %arg11[%swap3A_1418] {strides = array<i32>} : memref<512xf32, #tpu.memory_space<vmem>>, vector<16xf32>,
      %swap3A_1420 = vector.shape_cast %swap3A_1419 : vector<16xf32> to vector<16xf32>
      %swap3A_1421 = vector.shape_cast %bitcast_convert_type3A_1413 : vector<16xf32> to vector<16xf32>
      tpu.vector_store %arg11[%swap3A_1418], %swap3A_1421 {add = true, strides = array<i32>} : memref<512xf32, #tpu.memory_space<vmem>>, vector<16xf32>,
      %get3A_1422 = arith.constant 16 : index
      %get3A_1423 = tpu.vector_load %arg9[%get3A_1422] {strides = array<i32>} : memref<128xi32, #tpu.memory_space<vmem>>, vector<16xi32>,
      %get3A_1424 = vector.shape_cast %get3A_1423 : vector<16xi32> to vector<16xi32>
      %shift_left3A_1425 = arith.constant 16 : i32
      %shift_left3A_1426 = vector.broadcast %shift_left3A_1425 : i32 to vector<16xi32>
      %shift_left3A_1427 = arith.shli %get3A_1424, %shift_left3A_1426 : vector<16xi32>
      %bitcast_convert_type3A_1428 = tpu.bitcast %shift_left3A_1427 : vector<16xi32> -> vector<16xf32>
      %and3A_1429 = vector.broadcast %scan3A_288 : i32 to vector<16xi32>
      %and3A_1430 = arith.andi %get3A_1424, %and3A_1429 : vector<16xi32>
      %bitcast_convert_type3A_1431 = tpu.bitcast %and3A_1430 : vector<16xi32> -> vector<16xf32>
      %swap3A_1432 = arith.constant 400 : index
      %swap3A_1433 = tpu.vector_load %arg10[%swap3A_1432] {strides = array<i32>} : memref<512xf32, #tpu.memory_space<vmem>>, vector<16xf32>,
      %swap3A_1434 = vector.shape_cast %swap3A_1433 : vector<16xf32> to vector<16xf32>
      %swap3A_1435 = vector.shape_cast %bitcast_convert_type3A_1428 : vector<16xf32> to vector<16xf32>
      tpu.vector_store %arg10[%swap3A_1432], %swap3A_1435 {add = true, strides = array<i32>} : memref<512xf32, #tpu.memory_space<vmem>>, vector<16xf32>,
      %swap3A_1436 = arith.constant 400 : index
      %swap3A_1437 = tpu.vector_load %arg11[%swap3A_1436] {strides = array<i32>} : memref<512xf32, #tpu.memory_space<vmem>>, vector<16xf32>,
      %swap3A_1438 = vector.shape_cast %swap3A_1437 : vector<16xf32> to vector<16xf32>
      %swap3A_1439 = vector.shape_cast %bitcast_convert_type3A_1431 : vector<16xf32> to vector<16xf32>
      tpu.vector_store %arg11[%swap3A_1436], %swap3A_1439 {add = true, strides = array<i32>} : memref<512xf32, #tpu.memory_space<vmem>>, vector<16xf32>,
      %get3A_1440 = arith.constant 32 : index
      %get3A_1441 = tpu.vector_load %arg9[%get3A_1440] {strides = array<i32>} : memref<128xi32, #tpu.memory_space<vmem>>, vector<16xi32>,
      %get3A_1442 = vector.shape_cast %get3A_1441 : vector<16xi32> to vector<16xi32>
      %shift_left3A_1443 = arith.constant 16 : i32
      %shift_left3A_1444 = vector.broadcast %shift_left3A_1443 : i32 to vector<16xi32>
      %shift_left3A_1445 = arith.shli %get3A_1442, %shift_left3A_1444 : vector<16xi32>
      %bitcast_convert_type3A_1446 = tpu.bitcast %shift_left3A_1445 : vector<16xi32> -> vector<16xf32>
      %and3A_1447 = vector.broadcast %scan3A_288 : i32 to vector<16xi32>
      %and3A_1448 = arith.andi %get3A_1442, %and3A_1447 : vector<16xi32>
      %bitcast_convert_type3A_1449 = tpu.bitcast %and3A_1448 : vector<16xi32> -> vector<16xf32>
      %swap3A_1450 = arith.constant 416 : index
      %swap3A_1451 = tpu.vector_load %arg10[%swap3A_1450] {strides = array<i32>} : memref<512xf32, #tpu.memory_space<vmem>>, vector<16xf32>,
      %swap3A_1452 = vector.shape_cast %swap3A_1451 : vector<16xf32> to vector<16xf32>
      %swap3A_1453 = vector.shape_cast %bitcast_convert_type3A_1446 : vector<16xf32> to vector<16xf32>
      tpu.vector_store %arg10[%swap3A_1450], %swap3A_1453 {add = true, strides = array<i32>} : memref<512xf32, #tpu.memory_space<vmem>>, vector<16xf32>,
      %swap3A_1454 = arith.constant 416 : index
      %swap3A_1455 = tpu.vector_load %arg11[%swap3A_1454] {strides = array<i32>} : memref<512xf32, #tpu.memory_space<vmem>>, vector<16xf32>,
      %swap3A_1456 = vector.shape_cast %swap3A_1455 : vector<16xf32> to vector<16xf32>
      %swap3A_1457 = vector.shape_cast %bitcast_convert_type3A_1449 : vector<16xf32> to vector<16xf32>
      tpu.vector_store %arg11[%swap3A_1454], %swap3A_1457 {add = true, strides = array<i32>} : memref<512xf32, #tpu.memory_space<vmem>>, vector<16xf32>,
      %get3A_1458 = arith.constant 48 : index
      %get3A_1459 = tpu.vector_load %arg9[%get3A_1458] {strides = array<i32>} : memref<128xi32, #tpu.memory_space<vmem>>, vector<16xi32>,
      %get3A_1460 = vector.shape_cast %get3A_1459 : vector<16xi32> to vector<16xi32>
      %shift_left3A_1461 = arith.constant 16 : i32
      %shift_left3A_1462 = vector.broadcast %shift_left3A_1461 : i32 to vector<16xi32>
      %shift_left3A_1463 = arith.shli %get3A_1460, %shift_left3A_1462 : vector<16xi32>
      %bitcast_convert_type3A_1464 = tpu.bitcast %shift_left3A_1463 : vector<16xi32> -> vector<16xf32>
      %and3A_1465 = vector.broadcast %scan3A_288 : i32 to vector<16xi32>
      %and3A_1466 = arith.andi %get3A_1460, %and3A_1465 : vector<16xi32>
      %bitcast_convert_type3A_1467 = tpu.bitcast %and3A_1466 : vector<16xi32> -> vector<16xf32>
      %swap3A_1468 = arith.constant 432 : index
      %swap3A_1469 = tpu.vector_load %arg10[%swap3A_1468] {strides = array<i32>} : memref<512xf32, #tpu.memory_space<vmem>>, vector<16xf32>,
      %swap3A_1470 = vector.shape_cast %swap3A_1469 : vector<16xf32> to vector<16xf32>
      %swap3A_1471 = vector.shape_cast %bitcast_convert_type3A_1464 : vector<16xf32> to vector<16xf32>
      tpu.vector_store %arg10[%swap3A_1468], %swap3A_1471 {add = true, strides = array<i32>} : memref<512xf32, #tpu.memory_space<vmem>>, vector<16xf32>,
      %swap3A_1472 = arith.constant 432 : index
      %swap3A_1473 = tpu.vector_load %arg11[%swap3A_1472] {strides = array<i32>} : memref<512xf32, #tpu.memory_space<vmem>>, vector<16xf32>,
      %swap3A_1474 = vector.shape_cast %swap3A_1473 : vector<16xf32> to vector<16xf32>
      %swap3A_1475 = vector.shape_cast %bitcast_convert_type3A_1467 : vector<16xf32> to vector<16xf32>
      tpu.vector_store %arg11[%swap3A_1472], %swap3A_1475 {add = true, strides = array<i32>} : memref<512xf32, #tpu.memory_space<vmem>>, vector<16xf32>,
      %get3A_1476 = arith.constant 64 : index
      %get3A_1477 = tpu.vector_load %arg9[%get3A_1476] {strides = array<i32>} : memref<128xi32, #tpu.memory_space<vmem>>, vector<16xi32>,
      %get3A_1478 = vector.shape_cast %get3A_1477 : vector<16xi32> to vector<16xi32>
      %shift_left3A_1479 = arith.constant 16 : i32
      %shift_left3A_1480 = vector.broadcast %shift_left3A_1479 : i32 to vector<16xi32>
      %shift_left3A_1481 = arith.shli %get3A_1478, %shift_left3A_1480 : vector<16xi32>
      %bitcast_convert_type3A_1482 = tpu.bitcast %shift_left3A_1481 : vector<16xi32> -> vector<16xf32>
      %and3A_1483 = vector.broadcast %scan3A_288 : i32 to vector<16xi32>
      %and3A_1484 = arith.andi %get3A_1478, %and3A_1483 : vector<16xi32>
      %bitcast_convert_type3A_1485 = tpu.bitcast %and3A_1484 : vector<16xi32> -> vector<16xf32>
      %swap3A_1486 = arith.constant 448 : index
      %swap3A_1487 = tpu.vector_load %arg10[%swap3A_1486] {strides = array<i32>} : memref<512xf32, #tpu.memory_space<vmem>>, vector<16xf32>,
      %swap3A_1488 = vector.shape_cast %swap3A_1487 : vector<16xf32> to vector<16xf32>
      %swap3A_1489 = vector.shape_cast %bitcast_convert_type3A_1482 : vector<16xf32> to vector<16xf32>
      tpu.vector_store %arg10[%swap3A_1486], %swap3A_1489 {add = true, strides = array<i32>} : memref<512xf32, #tpu.memory_space<vmem>>, vector<16xf32>,
      %swap3A_1490 = arith.constant 448 : index
      %swap3A_1491 = tpu.vector_load %arg11[%swap3A_1490] {strides = array<i32>} : memref<512xf32, #tpu.memory_space<vmem>>, vector<16xf32>,
      %swap3A_1492 = vector.shape_cast %swap3A_1491 : vector<16xf32> to vector<16xf32>
      %swap3A_1493 = vector.shape_cast %bitcast_convert_type3A_1485 : vector<16xf32> to vector<16xf32>
      tpu.vector_store %arg11[%swap3A_1490], %swap3A_1493 {add = true, strides = array<i32>} : memref<512xf32, #tpu.memory_space<vmem>>, vector<16xf32>,
      %get3A_1494 = arith.constant 80 : index
      %get3A_1495 = tpu.vector_load %arg9[%get3A_1494] {strides = array<i32>} : memref<128xi32, #tpu.memory_space<vmem>>, vector<16xi32>,
      %get3A_1496 = vector.shape_cast %get3A_1495 : vector<16xi32> to vector<16xi32>
      %shift_left3A_1497 = arith.constant 16 : i32
      %shift_left3A_1498 = vector.broadcast %shift_left3A_1497 : i32 to vector<16xi32>
      %shift_left3A_1499 = arith.shli %get3A_1496, %shift_left3A_1498 : vector<16xi32>
      %bitcast_convert_type3A_1500 = tpu.bitcast %shift_left3A_1499 : vector<16xi32> -> vector<16xf32>
      %and3A_1501 = vector.broadcast %scan3A_288 : i32 to vector<16xi32>
      %and3A_1502 = arith.andi %get3A_1496, %and3A_1501 : vector<16xi32>
      %bitcast_convert_type3A_1503 = tpu.bitcast %and3A_1502 : vector<16xi32> -> vector<16xf32>
      %swap3A_1504 = arith.constant 464 : index
      %swap3A_1505 = tpu.vector_load %arg10[%swap3A_1504] {strides = array<i32>} : memref<512xf32, #tpu.memory_space<vmem>>, vector<16xf32>,
      %swap3A_1506 = vector.shape_cast %swap3A_1505 : vector<16xf32> to vector<16xf32>
      %swap3A_1507 = vector.shape_cast %bitcast_convert_type3A_1500 : vector<16xf32> to vector<16xf32>
      tpu.vector_store %arg10[%swap3A_1504], %swap3A_1507 {add = true, strides = array<i32>} : memref<512xf32, #tpu.memory_space<vmem>>, vector<16xf32>,
      %swap3A_1508 = arith.constant 464 : index
      %swap3A_1509 = tpu.vector_load %arg11[%swap3A_1508] {strides = array<i32>} : memref<512xf32, #tpu.memory_space<vmem>>, vector<16xf32>,
      %swap3A_1510 = vector.shape_cast %swap3A_1509 : vector<16xf32> to vector<16xf32>
      %swap3A_1511 = vector.shape_cast %bitcast_convert_type3A_1503 : vector<16xf32> to vector<16xf32>
      tpu.vector_store %arg11[%swap3A_1508], %swap3A_1511 {add = true, strides = array<i32>} : memref<512xf32, #tpu.memory_space<vmem>>, vector<16xf32>,
      %get3A_1512 = arith.constant 96 : index
      %get3A_1513 = tpu.vector_load %arg9[%get3A_1512] {strides = array<i32>} : memref<128xi32, #tpu.memory_space<vmem>>, vector<16xi32>,
      %get3A_1514 = vector.shape_cast %get3A_1513 : vector<16xi32> to vector<16xi32>
      %shift_left3A_1515 = arith.constant 16 : i32
      %shift_left3A_1516 = vector.broadcast %shift_left3A_1515 : i32 to vector<16xi32>
      %shift_left3A_1517 = arith.shli %get3A_1514, %shift_left3A_1516 : vector<16xi32>
      %bitcast_convert_type3A_1518 = tpu.bitcast %shift_left3A_1517 : vector<16xi32> -> vector<16xf32>
      %and3A_1519 = vector.broadcast %scan3A_288 : i32 to vector<16xi32>
      %and3A_1520 = arith.andi %get3A_1514, %and3A_1519 : vector<16xi32>
      %bitcast_convert_type3A_1521 = tpu.bitcast %and3A_1520 : vector<16xi32> -> vector<16xf32>
      %swap3A_1522 = arith.constant 480 : index
      %swap3A_1523 = tpu.vector_load %arg10[%swap3A_1522] {strides = array<i32>} : memref<512xf32, #tpu.memory_space<vmem>>, vector<16xf32>,
      %swap3A_1524 = vector.shape_cast %swap3A_1523 : vector<16xf32> to vector<16xf32>
      %swap3A_1525 = vector.shape_cast %bitcast_convert_type3A_1518 : vector<16xf32> to vector<16xf32>
      tpu.vector_store %arg10[%swap3A_1522], %swap3A_1525 {add = true, strides = array<i32>} : memref<512xf32, #tpu.memory_space<vmem>>, vector<16xf32>,
      %swap3A_1526 = arith.constant 480 : index
      %swap3A_1527 = tpu.vector_load %arg11[%swap3A_1526] {strides = array<i32>} : memref<512xf32, #tpu.memory_space<vmem>>, vector<16xf32>,
      %swap3A_1528 = vector.shape_cast %swap3A_1527 : vector<16xf32> to vector<16xf32>
      %swap3A_1529 = vector.shape_cast %bitcast_convert_type3A_1521 : vector<16xf32> to vector<16xf32>
      tpu.vector_store %arg11[%swap3A_1526], %swap3A_1529 {add = true, strides = array<i32>} : memref<512xf32, #tpu.memory_space<vmem>>, vector<16xf32>,
      %get3A_1530 = arith.constant 112 : index
      %get3A_1531 = tpu.vector_load %arg9[%get3A_1530] {strides = array<i32>} : memref<128xi32, #tpu.memory_space<vmem>>, vector<16xi32>,
      %get3A_1532 = vector.shape_cast %get3A_1531 : vector<16xi32> to vector<16xi32>
      %shift_left3A_1533 = arith.constant 16 : i32
      %shift_left3A_1534 = vector.broadcast %shift_left3A_1533 : i32 to vector<16xi32>
      %shift_left3A_1535 = arith.shli %get3A_1532, %shift_left3A_1534 : vector<16xi32>
      %bitcast_convert_type3A_1536 = tpu.bitcast %shift_left3A_1535 : vector<16xi32> -> vector<16xf32>
      %and3A_1537 = vector.broadcast %scan3A_288 : i32 to vector<16xi32>
      %and3A_1538 = arith.andi %get3A_1532, %and3A_1537 : vector<16xi32>
      %bitcast_convert_type3A_1539 = tpu.bitcast %and3A_1538 : vector<16xi32> -> vector<16xf32>
      %swap3A_1540 = arith.constant 496 : index
      %swap3A_1541 = tpu.vector_load %arg10[%swap3A_1540] {strides = array<i32>} : memref<512xf32, #tpu.memory_space<vmem>>, vector<16xf32>,
      %swap3A_1542 = vector.shape_cast %swap3A_1541 : vector<16xf32> to vector<16xf32>
      %swap3A_1543 = vector.shape_cast %bitcast_convert_type3A_1536 : vector<16xf32> to vector<16xf32>
      tpu.vector_store %arg10[%swap3A_1540], %swap3A_1543 {add = true, strides = array<i32>} : memref<512xf32, #tpu.memory_space<vmem>>, vector<16xf32>,
      %swap3A_1544 = arith.constant 496 : index
      %swap3A_1545 = tpu.vector_load %arg11[%swap3A_1544] {strides = array<i32>} : memref<512xf32, #tpu.memory_space<vmem>>, vector<16xf32>,
      %swap3A_1546 = vector.shape_cast %swap3A_1545 : vector<16xf32> to vector<16xf32>
      %swap3A_1547 = vector.shape_cast %bitcast_convert_type3A_1539 : vector<16xf32> to vector<16xf32>
      tpu.vector_store %arg11[%swap3A_1544], %swap3A_1547 {add = true, strides = array<i32>} : memref<512xf32, #tpu.memory_space<vmem>>, vector<16xf32>,
      %add3A_1548 = arith.constant 1 : i32
      %add3A_1549 = arith.addi %scan3A_934, %add3A_1548 : i32
      %lt3A_1550 = arith.constant 50 : i32
      %lt3A_1551 = arith.cmpi slt, %add3A_1549, %lt3A_1550 : i32
      %convert_element_type3A_1552 = arith.extui %lt3A_1551 : i1 to i32
      %cond3A_1553 = arith.constant 0 : i32
      %cond3A_1554 = arith.cmpi ne, %convert_element_type3A_1552, %cond3A_1553 : i32
      scf.if %cond3A_1554 {
        %add3A_1555 = arith.constant 1 : i32
        %add3A_1556 = arith.addi %scan3A_934, %add3A_1555 : i32
        %dma_start3A_1557 = arith.constant 384 : i32
        %dma_start3A_1558 = tpu.memref_slice %arg5[%add3A_1556, %dma_start3A_1557] : memref<50x512xi32, #tpu.memory_space<vmem>> -> memref<1x128xi32, #tpu.memory_space<vmem>>
        %dma_start3A_1559 = tpu.memref_squeeze %dma_start3A_1558 : memref<1x128xi32, #tpu.memory_space<vmem>> -> memref<128xi32, #tpu.memory_space<vmem>>
        %dma_start3A_1560 = arith.constant 0 : i32
        %dma_start3A_1561 = tpu.memref_slice %arg12[%dma_start3A_1560] : memref<1000064xi32, #tpu.memory_space<vmem_shared>> -> memref<1000064xi32, #tpu.memory_space<vmem_shared>>
        tpu.enqueue_indirect_dma source(%dma_start3A_1561 : memref<1000064xi32, #tpu.memory_space<vmem_shared>>) target(%arg9 : memref<128xi32, #tpu.memory_space<vmem>>) offsets(%dma_start3A_1559 : memref<128xi32, #tpu.memory_space<vmem>>) semaphore(%arg16 : memref<!tpu.dma_semaphore, #tpu.memory_space<semaphore_mem>>)
      } else {
      }
    }
    %scan3A_293 = arith.constant 50 : i32
    %get3A = arith.constant 0 : index
    %get3A_294 = tpu.vector_load %arg10[%get3A] {strides = array<i32>} : memref<512xf32, #tpu.memory_space<vmem>>, vector<16xf32>,
    %get3A_295 = vector.shape_cast %get3A_294 : vector<16xf32> to vector<16xf32>
    %mul3A_296 = arith.constant 2.000000e-02 : f32
    %mul3A_297 = vector.broadcast %mul3A_296 : f32 to vector<16xf32>
    %mul3A_298 = arith.mulf %get3A_295, %mul3A_297 : vector<16xf32>
    %swap3A_299 = arith.constant 0 : index
    %swap3A_300 = tpu.vector_load %arg10[%swap3A_299] {strides = array<i32>} : memref<512xf32, #tpu.memory_space<vmem>>, vector<16xf32>,
    %swap3A_301 = vector.shape_cast %swap3A_300 : vector<16xf32> to vector<16xf32>
    %swap3A_302 = vector.shape_cast %mul3A_298 : vector<16xf32> to vector<16xf32>
    tpu.vector_store %arg10[%swap3A_299], %swap3A_302 {strides = array<i32>} : memref<512xf32, #tpu.memory_space<vmem>>, vector<16xf32>,
    %get3A_303 = arith.constant 0 : index
    %get3A_304 = tpu.vector_load %arg11[%get3A_303] {strides = array<i32>} : memref<512xf32, #tpu.memory_space<vmem>>, vector<16xf32>,
    %get3A_305 = vector.shape_cast %get3A_304 : vector<16xf32> to vector<16xf32>
    %mul3A_306 = arith.constant 2.000000e-02 : f32
    %mul3A_307 = vector.broadcast %mul3A_306 : f32 to vector<16xf32>
    %mul3A_308 = arith.mulf %get3A_305, %mul3A_307 : vector<16xf32>
    %swap3A_309 = arith.constant 0 : index
    %swap3A_310 = tpu.vector_load %arg11[%swap3A_309] {strides = array<i32>} : memref<512xf32, #tpu.memory_space<vmem>>, vector<16xf32>,
    %swap3A_311 = vector.shape_cast %swap3A_310 : vector<16xf32> to vector<16xf32>
    %swap3A_312 = vector.shape_cast %mul3A_308 : vector<16xf32> to vector<16xf32>
    tpu.vector_store %arg11[%swap3A_309], %swap3A_312 {strides = array<i32>} : memref<512xf32, #tpu.memory_space<vmem>>, vector<16xf32>,
    %get3A_313 = arith.constant 16 : index
    %get3A_314 = tpu.vector_load %arg10[%get3A_313] {strides = array<i32>} : memref<512xf32, #tpu.memory_space<vmem>>, vector<16xf32>,
    %get3A_315 = vector.shape_cast %get3A_314 : vector<16xf32> to vector<16xf32>
    %mul3A_316 = arith.constant 2.000000e-02 : f32
    %mul3A_317 = vector.broadcast %mul3A_316 : f32 to vector<16xf32>
    %mul3A_318 = arith.mulf %get3A_315, %mul3A_317 : vector<16xf32>
    %swap3A_319 = arith.constant 16 : index
    %swap3A_320 = tpu.vector_load %arg10[%swap3A_319] {strides = array<i32>} : memref<512xf32, #tpu.memory_space<vmem>>, vector<16xf32>,
    %swap3A_321 = vector.shape_cast %swap3A_320 : vector<16xf32> to vector<16xf32>
    %swap3A_322 = vector.shape_cast %mul3A_318 : vector<16xf32> to vector<16xf32>
    tpu.vector_store %arg10[%swap3A_319], %swap3A_322 {strides = array<i32>} : memref<512xf32, #tpu.memory_space<vmem>>, vector<16xf32>,
    %get3A_323 = arith.constant 16 : index
    %get3A_324 = tpu.vector_load %arg11[%get3A_323] {strides = array<i32>} : memref<512xf32, #tpu.memory_space<vmem>>, vector<16xf32>,
    %get3A_325 = vector.shape_cast %get3A_324 : vector<16xf32> to vector<16xf32>
    %mul3A_326 = arith.constant 2.000000e-02 : f32
    %mul3A_327 = vector.broadcast %mul3A_326 : f32 to vector<16xf32>
    %mul3A_328 = arith.mulf %get3A_325, %mul3A_327 : vector<16xf32>
    %swap3A_329 = arith.constant 16 : index
    %swap3A_330 = tpu.vector_load %arg11[%swap3A_329] {strides = array<i32>} : memref<512xf32, #tpu.memory_space<vmem>>, vector<16xf32>,
    %swap3A_331 = vector.shape_cast %swap3A_330 : vector<16xf32> to vector<16xf32>
    %swap3A_332 = vector.shape_cast %mul3A_328 : vector<16xf32> to vector<16xf32>
    tpu.vector_store %arg11[%swap3A_329], %swap3A_332 {strides = array<i32>} : memref<512xf32, #tpu.memory_space<vmem>>, vector<16xf32>,
    %get3A_333 = arith.constant 32 : index
    %get3A_334 = tpu.vector_load %arg10[%get3A_333] {strides = array<i32>} : memref<512xf32, #tpu.memory_space<vmem>>, vector<16xf32>,
    %get3A_335 = vector.shape_cast %get3A_334 : vector<16xf32> to vector<16xf32>
    %mul3A_336 = arith.constant 2.000000e-02 : f32
    %mul3A_337 = vector.broadcast %mul3A_336 : f32 to vector<16xf32>
    %mul3A_338 = arith.mulf %get3A_335, %mul3A_337 : vector<16xf32>
    %swap3A_339 = arith.constant 32 : index
    %swap3A_340 = tpu.vector_load %arg10[%swap3A_339] {strides = array<i32>} : memref<512xf32, #tpu.memory_space<vmem>>, vector<16xf32>,
    %swap3A_341 = vector.shape_cast %swap3A_340 : vector<16xf32> to vector<16xf32>
    %swap3A_342 = vector.shape_cast %mul3A_338 : vector<16xf32> to vector<16xf32>
    tpu.vector_store %arg10[%swap3A_339], %swap3A_342 {strides = array<i32>} : memref<512xf32, #tpu.memory_space<vmem>>, vector<16xf32>,
    %get3A_343 = arith.constant 32 : index
    %get3A_344 = tpu.vector_load %arg11[%get3A_343] {strides = array<i32>} : memref<512xf32, #tpu.memory_space<vmem>>, vector<16xf32>,
    %get3A_345 = vector.shape_cast %get3A_344 : vector<16xf32> to vector<16xf32>
    %mul3A_346 = arith.constant 2.000000e-02 : f32
    %mul3A_347 = vector.broadcast %mul3A_346 : f32 to vector<16xf32>
    %mul3A_348 = arith.mulf %get3A_345, %mul3A_347 : vector<16xf32>
    %swap3A_349 = arith.constant 32 : index
    %swap3A_350 = tpu.vector_load %arg11[%swap3A_349] {strides = array<i32>} : memref<512xf32, #tpu.memory_space<vmem>>, vector<16xf32>,
    %swap3A_351 = vector.shape_cast %swap3A_350 : vector<16xf32> to vector<16xf32>
    %swap3A_352 = vector.shape_cast %mul3A_348 : vector<16xf32> to vector<16xf32>
    tpu.vector_store %arg11[%swap3A_349], %swap3A_352 {strides = array<i32>} : memref<512xf32, #tpu.memory_space<vmem>>, vector<16xf32>,
    %get3A_353 = arith.constant 48 : index
    %get3A_354 = tpu.vector_load %arg10[%get3A_353] {strides = array<i32>} : memref<512xf32, #tpu.memory_space<vmem>>, vector<16xf32>,
    %get3A_355 = vector.shape_cast %get3A_354 : vector<16xf32> to vector<16xf32>
    %mul3A_356 = arith.constant 2.000000e-02 : f32
    %mul3A_357 = vector.broadcast %mul3A_356 : f32 to vector<16xf32>
    %mul3A_358 = arith.mulf %get3A_355, %mul3A_357 : vector<16xf32>
    %swap3A_359 = arith.constant 48 : index
    %swap3A_360 = tpu.vector_load %arg10[%swap3A_359] {strides = array<i32>} : memref<512xf32, #tpu.memory_space<vmem>>, vector<16xf32>,
    %swap3A_361 = vector.shape_cast %swap3A_360 : vector<16xf32> to vector<16xf32>
    %swap3A_362 = vector.shape_cast %mul3A_358 : vector<16xf32> to vector<16xf32>
    tpu.vector_store %arg10[%swap3A_359], %swap3A_362 {strides = array<i32>} : memref<512xf32, #tpu.memory_space<vmem>>, vector<16xf32>,
    %get3A_363 = arith.constant 48 : index
    %get3A_364 = tpu.vector_load %arg11[%get3A_363] {strides = array<i32>} : memref<512xf32, #tpu.memory_space<vmem>>, vector<16xf32>,
    %get3A_365 = vector.shape_cast %get3A_364 : vector<16xf32> to vector<16xf32>
    %mul3A_366 = arith.constant 2.000000e-02 : f32
    %mul3A_367 = vector.broadcast %mul3A_366 : f32 to vector<16xf32>
    %mul3A_368 = arith.mulf %get3A_365, %mul3A_367 : vector<16xf32>
    %swap3A_369 = arith.constant 48 : index
    %swap3A_370 = tpu.vector_load %arg11[%swap3A_369] {strides = array<i32>} : memref<512xf32, #tpu.memory_space<vmem>>, vector<16xf32>,
    %swap3A_371 = vector.shape_cast %swap3A_370 : vector<16xf32> to vector<16xf32>
    %swap3A_372 = vector.shape_cast %mul3A_368 : vector<16xf32> to vector<16xf32>
    tpu.vector_store %arg11[%swap3A_369], %swap3A_372 {strides = array<i32>} : memref<512xf32, #tpu.memory_space<vmem>>, vector<16xf32>,
    %get3A_373 = arith.constant 64 : index
    %get3A_374 = tpu.vector_load %arg10[%get3A_373] {strides = array<i32>} : memref<512xf32, #tpu.memory_space<vmem>>, vector<16xf32>,
    %get3A_375 = vector.shape_cast %get3A_374 : vector<16xf32> to vector<16xf32>
    %mul3A_376 = arith.constant 2.000000e-02 : f32
    %mul3A_377 = vector.broadcast %mul3A_376 : f32 to vector<16xf32>
    %mul3A_378 = arith.mulf %get3A_375, %mul3A_377 : vector<16xf32>
    %swap3A_379 = arith.constant 64 : index
    %swap3A_380 = tpu.vector_load %arg10[%swap3A_379] {strides = array<i32>} : memref<512xf32, #tpu.memory_space<vmem>>, vector<16xf32>,
    %swap3A_381 = vector.shape_cast %swap3A_380 : vector<16xf32> to vector<16xf32>
    %swap3A_382 = vector.shape_cast %mul3A_378 : vector<16xf32> to vector<16xf32>
    tpu.vector_store %arg10[%swap3A_379], %swap3A_382 {strides = array<i32>} : memref<512xf32, #tpu.memory_space<vmem>>, vector<16xf32>,
    %get3A_383 = arith.constant 64 : index
    %get3A_384 = tpu.vector_load %arg11[%get3A_383] {strides = array<i32>} : memref<512xf32, #tpu.memory_space<vmem>>, vector<16xf32>,
    %get3A_385 = vector.shape_cast %get3A_384 : vector<16xf32> to vector<16xf32>
    %mul3A_386 = arith.constant 2.000000e-02 : f32
    %mul3A_387 = vector.broadcast %mul3A_386 : f32 to vector<16xf32>
    %mul3A_388 = arith.mulf %get3A_385, %mul3A_387 : vector<16xf32>
    %swap3A_389 = arith.constant 64 : index
    %swap3A_390 = tpu.vector_load %arg11[%swap3A_389] {strides = array<i32>} : memref<512xf32, #tpu.memory_space<vmem>>, vector<16xf32>,
    %swap3A_391 = vector.shape_cast %swap3A_390 : vector<16xf32> to vector<16xf32>
    %swap3A_392 = vector.shape_cast %mul3A_388 : vector<16xf32> to vector<16xf32>
    tpu.vector_store %arg11[%swap3A_389], %swap3A_392 {strides = array<i32>} : memref<512xf32, #tpu.memory_space<vmem>>, vector<16xf32>,
    %get3A_393 = arith.constant 80 : index
    %get3A_394 = tpu.vector_load %arg10[%get3A_393] {strides = array<i32>} : memref<512xf32, #tpu.memory_space<vmem>>, vector<16xf32>,
    %get3A_395 = vector.shape_cast %get3A_394 : vector<16xf32> to vector<16xf32>
    %mul3A_396 = arith.constant 2.000000e-02 : f32
    %mul3A_397 = vector.broadcast %mul3A_396 : f32 to vector<16xf32>
    %mul3A_398 = arith.mulf %get3A_395, %mul3A_397 : vector<16xf32>
    %swap3A_399 = arith.constant 80 : index
    %swap3A_400 = tpu.vector_load %arg10[%swap3A_399] {strides = array<i32>} : memref<512xf32, #tpu.memory_space<vmem>>, vector<16xf32>,
    %swap3A_401 = vector.shape_cast %swap3A_400 : vector<16xf32> to vector<16xf32>
    %swap3A_402 = vector.shape_cast %mul3A_398 : vector<16xf32> to vector<16xf32>
    tpu.vector_store %arg10[%swap3A_399], %swap3A_402 {strides = array<i32>} : memref<512xf32, #tpu.memory_space<vmem>>, vector<16xf32>,
    %get3A_403 = arith.constant 80 : index
    %get3A_404 = tpu.vector_load %arg11[%get3A_403] {strides = array<i32>} : memref<512xf32, #tpu.memory_space<vmem>>, vector<16xf32>,
    %get3A_405 = vector.shape_cast %get3A_404 : vector<16xf32> to vector<16xf32>
    %mul3A_406 = arith.constant 2.000000e-02 : f32
    %mul3A_407 = vector.broadcast %mul3A_406 : f32 to vector<16xf32>
    %mul3A_408 = arith.mulf %get3A_405, %mul3A_407 : vector<16xf32>
    %swap3A_409 = arith.constant 80 : index
    %swap3A_410 = tpu.vector_load %arg11[%swap3A_409] {strides = array<i32>} : memref<512xf32, #tpu.memory_space<vmem>>, vector<16xf32>,
    %swap3A_411 = vector.shape_cast %swap3A_410 : vector<16xf32> to vector<16xf32>
    %swap3A_412 = vector.shape_cast %mul3A_408 : vector<16xf32> to vector<16xf32>
    tpu.vector_store %arg11[%swap3A_409], %swap3A_412 {strides = array<i32>} : memref<512xf32, #tpu.memory_space<vmem>>, vector<16xf32>,
    %get3A_413 = arith.constant 96 : index
    %get3A_414 = tpu.vector_load %arg10[%get3A_413] {strides = array<i32>} : memref<512xf32, #tpu.memory_space<vmem>>, vector<16xf32>,
    %get3A_415 = vector.shape_cast %get3A_414 : vector<16xf32> to vector<16xf32>
    %mul3A_416 = arith.constant 2.000000e-02 : f32
    %mul3A_417 = vector.broadcast %mul3A_416 : f32 to vector<16xf32>
    %mul3A_418 = arith.mulf %get3A_415, %mul3A_417 : vector<16xf32>
    %swap3A_419 = arith.constant 96 : index
    %swap3A_420 = tpu.vector_load %arg10[%swap3A_419] {strides = array<i32>} : memref<512xf32, #tpu.memory_space<vmem>>, vector<16xf32>,
    %swap3A_421 = vector.shape_cast %swap3A_420 : vector<16xf32> to vector<16xf32>
    %swap3A_422 = vector.shape_cast %mul3A_418 : vector<16xf32> to vector<16xf32>
    tpu.vector_store %arg10[%swap3A_419], %swap3A_422 {strides = array<i32>} : memref<512xf32, #tpu.memory_space<vmem>>, vector<16xf32>,
    %get3A_423 = arith.constant 96 : index
    %get3A_424 = tpu.vector_load %arg11[%get3A_423] {strides = array<i32>} : memref<512xf32, #tpu.memory_space<vmem>>, vector<16xf32>,
    %get3A_425 = vector.shape_cast %get3A_424 : vector<16xf32> to vector<16xf32>
    %mul3A_426 = arith.constant 2.000000e-02 : f32
    %mul3A_427 = vector.broadcast %mul3A_426 : f32 to vector<16xf32>
    %mul3A_428 = arith.mulf %get3A_425, %mul3A_427 : vector<16xf32>
    %swap3A_429 = arith.constant 96 : index
    %swap3A_430 = tpu.vector_load %arg11[%swap3A_429] {strides = array<i32>} : memref<512xf32, #tpu.memory_space<vmem>>, vector<16xf32>,
    %swap3A_431 = vector.shape_cast %swap3A_430 : vector<16xf32> to vector<16xf32>
    %swap3A_432 = vector.shape_cast %mul3A_428 : vector<16xf32> to vector<16xf32>
    tpu.vector_store %arg11[%swap3A_429], %swap3A_432 {strides = array<i32>} : memref<512xf32, #tpu.memory_space<vmem>>, vector<16xf32>,
    %get3A_433 = arith.constant 112 : index
    %get3A_434 = tpu.vector_load %arg10[%get3A_433] {strides = array<i32>} : memref<512xf32, #tpu.memory_space<vmem>>, vector<16xf32>,
    %get3A_435 = vector.shape_cast %get3A_434 : vector<16xf32> to vector<16xf32>
    %mul3A_436 = arith.constant 2.000000e-02 : f32
    %mul3A_437 = vector.broadcast %mul3A_436 : f32 to vector<16xf32>
    %mul3A_438 = arith.mulf %get3A_435, %mul3A_437 : vector<16xf32>
    %swap3A_439 = arith.constant 112 : index
    %swap3A_440 = tpu.vector_load %arg10[%swap3A_439] {strides = array<i32>} : memref<512xf32, #tpu.memory_space<vmem>>, vector<16xf32>,
    %swap3A_441 = vector.shape_cast %swap3A_440 : vector<16xf32> to vector<16xf32>
    %swap3A_442 = vector.shape_cast %mul3A_438 : vector<16xf32> to vector<16xf32>
    tpu.vector_store %arg10[%swap3A_439], %swap3A_442 {strides = array<i32>} : memref<512xf32, #tpu.memory_space<vmem>>, vector<16xf32>,
    %get3A_443 = arith.constant 112 : index
    %get3A_444 = tpu.vector_load %arg11[%get3A_443] {strides = array<i32>} : memref<512xf32, #tpu.memory_space<vmem>>, vector<16xf32>,
    %get3A_445 = vector.shape_cast %get3A_444 : vector<16xf32> to vector<16xf32>
    %mul3A_446 = arith.constant 2.000000e-02 : f32
    %mul3A_447 = vector.broadcast %mul3A_446 : f32 to vector<16xf32>
    %mul3A_448 = arith.mulf %get3A_445, %mul3A_447 : vector<16xf32>
    %swap3A_449 = arith.constant 112 : index
    %swap3A_450 = tpu.vector_load %arg11[%swap3A_449] {strides = array<i32>} : memref<512xf32, #tpu.memory_space<vmem>>, vector<16xf32>,
    %swap3A_451 = vector.shape_cast %swap3A_450 : vector<16xf32> to vector<16xf32>
    %swap3A_452 = vector.shape_cast %mul3A_448 : vector<16xf32> to vector<16xf32>
    tpu.vector_store %arg11[%swap3A_449], %swap3A_452 {strides = array<i32>} : memref<512xf32, #tpu.memory_space<vmem>>, vector<16xf32>,
    %get3A_453 = arith.constant 128 : index
    %get3A_454 = tpu.vector_load %arg10[%get3A_453] {strides = array<i32>} : memref<512xf32, #tpu.memory_space<vmem>>, vector<16xf32>,
    %get3A_455 = vector.shape_cast %get3A_454 : vector<16xf32> to vector<16xf32>
    %mul3A_456 = arith.constant 2.000000e-02 : f32
    %mul3A_457 = vector.broadcast %mul3A_456 : f32 to vector<16xf32>
    %mul3A_458 = arith.mulf %get3A_455, %mul3A_457 : vector<16xf32>
    %swap3A_459 = arith.constant 128 : index
    %swap3A_460 = tpu.vector_load %arg10[%swap3A_459] {strides = array<i32>} : memref<512xf32, #tpu.memory_space<vmem>>, vector<16xf32>,
    %swap3A_461 = vector.shape_cast %swap3A_460 : vector<16xf32> to vector<16xf32>
    %swap3A_462 = vector.shape_cast %mul3A_458 : vector<16xf32> to vector<16xf32>
    tpu.vector_store %arg10[%swap3A_459], %swap3A_462 {strides = array<i32>} : memref<512xf32, #tpu.memory_space<vmem>>, vector<16xf32>,
    %get3A_463 = arith.constant 128 : index
    %get3A_464 = tpu.vector_load %arg11[%get3A_463] {strides = array<i32>} : memref<512xf32, #tpu.memory_space<vmem>>, vector<16xf32>,
    %get3A_465 = vector.shape_cast %get3A_464 : vector<16xf32> to vector<16xf32>
    %mul3A_466 = arith.constant 2.000000e-02 : f32
    %mul3A_467 = vector.broadcast %mul3A_466 : f32 to vector<16xf32>
    %mul3A_468 = arith.mulf %get3A_465, %mul3A_467 : vector<16xf32>
    %swap3A_469 = arith.constant 128 : index
    %swap3A_470 = tpu.vector_load %arg11[%swap3A_469] {strides = array<i32>} : memref<512xf32, #tpu.memory_space<vmem>>, vector<16xf32>,
    %swap3A_471 = vector.shape_cast %swap3A_470 : vector<16xf32> to vector<16xf32>
    %swap3A_472 = vector.shape_cast %mul3A_468 : vector<16xf32> to vector<16xf32>
    tpu.vector_store %arg11[%swap3A_469], %swap3A_472 {strides = array<i32>} : memref<512xf32, #tpu.memory_space<vmem>>, vector<16xf32>,
    %get3A_473 = arith.constant 144 : index
    %get3A_474 = tpu.vector_load %arg10[%get3A_473] {strides = array<i32>} : memref<512xf32, #tpu.memory_space<vmem>>, vector<16xf32>,
    %get3A_475 = vector.shape_cast %get3A_474 : vector<16xf32> to vector<16xf32>
    %mul3A_476 = arith.constant 2.000000e-02 : f32
    %mul3A_477 = vector.broadcast %mul3A_476 : f32 to vector<16xf32>
    %mul3A_478 = arith.mulf %get3A_475, %mul3A_477 : vector<16xf32>
    %swap3A_479 = arith.constant 144 : index
    %swap3A_480 = tpu.vector_load %arg10[%swap3A_479] {strides = array<i32>} : memref<512xf32, #tpu.memory_space<vmem>>, vector<16xf32>,
    %swap3A_481 = vector.shape_cast %swap3A_480 : vector<16xf32> to vector<16xf32>
    %swap3A_482 = vector.shape_cast %mul3A_478 : vector<16xf32> to vector<16xf32>
    tpu.vector_store %arg10[%swap3A_479], %swap3A_482 {strides = array<i32>} : memref<512xf32, #tpu.memory_space<vmem>>, vector<16xf32>,
    %get3A_483 = arith.constant 144 : index
    %get3A_484 = tpu.vector_load %arg11[%get3A_483] {strides = array<i32>} : memref<512xf32, #tpu.memory_space<vmem>>, vector<16xf32>,
    %get3A_485 = vector.shape_cast %get3A_484 : vector<16xf32> to vector<16xf32>
    %mul3A_486 = arith.constant 2.000000e-02 : f32
    %mul3A_487 = vector.broadcast %mul3A_486 : f32 to vector<16xf32>
    %mul3A_488 = arith.mulf %get3A_485, %mul3A_487 : vector<16xf32>
    %swap3A_489 = arith.constant 144 : index
    %swap3A_490 = tpu.vector_load %arg11[%swap3A_489] {strides = array<i32>} : memref<512xf32, #tpu.memory_space<vmem>>, vector<16xf32>,
    %swap3A_491 = vector.shape_cast %swap3A_490 : vector<16xf32> to vector<16xf32>
    %swap3A_492 = vector.shape_cast %mul3A_488 : vector<16xf32> to vector<16xf32>
    tpu.vector_store %arg11[%swap3A_489], %swap3A_492 {strides = array<i32>} : memref<512xf32, #tpu.memory_space<vmem>>, vector<16xf32>,
    %get3A_493 = arith.constant 160 : index
    %get3A_494 = tpu.vector_load %arg10[%get3A_493] {strides = array<i32>} : memref<512xf32, #tpu.memory_space<vmem>>, vector<16xf32>,
    %get3A_495 = vector.shape_cast %get3A_494 : vector<16xf32> to vector<16xf32>
    %mul3A_496 = arith.constant 2.000000e-02 : f32
    %mul3A_497 = vector.broadcast %mul3A_496 : f32 to vector<16xf32>
    %mul3A_498 = arith.mulf %get3A_495, %mul3A_497 : vector<16xf32>
    %swap3A_499 = arith.constant 160 : index
    %swap3A_500 = tpu.vector_load %arg10[%swap3A_499] {strides = array<i32>} : memref<512xf32, #tpu.memory_space<vmem>>, vector<16xf32>,
    %swap3A_501 = vector.shape_cast %swap3A_500 : vector<16xf32> to vector<16xf32>
    %swap3A_502 = vector.shape_cast %mul3A_498 : vector<16xf32> to vector<16xf32>
    tpu.vector_store %arg10[%swap3A_499], %swap3A_502 {strides = array<i32>} : memref<512xf32, #tpu.memory_space<vmem>>, vector<16xf32>,
    %get3A_503 = arith.constant 160 : index
    %get3A_504 = tpu.vector_load %arg11[%get3A_503] {strides = array<i32>} : memref<512xf32, #tpu.memory_space<vmem>>, vector<16xf32>,
    %get3A_505 = vector.shape_cast %get3A_504 : vector<16xf32> to vector<16xf32>
    %mul3A_506 = arith.constant 2.000000e-02 : f32
    %mul3A_507 = vector.broadcast %mul3A_506 : f32 to vector<16xf32>
    %mul3A_508 = arith.mulf %get3A_505, %mul3A_507 : vector<16xf32>
    %swap3A_509 = arith.constant 160 : index
    %swap3A_510 = tpu.vector_load %arg11[%swap3A_509] {strides = array<i32>} : memref<512xf32, #tpu.memory_space<vmem>>, vector<16xf32>,
    %swap3A_511 = vector.shape_cast %swap3A_510 : vector<16xf32> to vector<16xf32>
    %swap3A_512 = vector.shape_cast %mul3A_508 : vector<16xf32> to vector<16xf32>
    tpu.vector_store %arg11[%swap3A_509], %swap3A_512 {strides = array<i32>} : memref<512xf32, #tpu.memory_space<vmem>>, vector<16xf32>,
    %get3A_513 = arith.constant 176 : index
    %get3A_514 = tpu.vector_load %arg10[%get3A_513] {strides = array<i32>} : memref<512xf32, #tpu.memory_space<vmem>>, vector<16xf32>,
    %get3A_515 = vector.shape_cast %get3A_514 : vector<16xf32> to vector<16xf32>
    %mul3A_516 = arith.constant 2.000000e-02 : f32
    %mul3A_517 = vector.broadcast %mul3A_516 : f32 to vector<16xf32>
    %mul3A_518 = arith.mulf %get3A_515, %mul3A_517 : vector<16xf32>
    %swap3A_519 = arith.constant 176 : index
    %swap3A_520 = tpu.vector_load %arg10[%swap3A_519] {strides = array<i32>} : memref<512xf32, #tpu.memory_space<vmem>>, vector<16xf32>,
    %swap3A_521 = vector.shape_cast %swap3A_520 : vector<16xf32> to vector<16xf32>
    %swap3A_522 = vector.shape_cast %mul3A_518 : vector<16xf32> to vector<16xf32>
    tpu.vector_store %arg10[%swap3A_519], %swap3A_522 {strides = array<i32>} : memref<512xf32, #tpu.memory_space<vmem>>, vector<16xf32>,
    %get3A_523 = arith.constant 176 : index
    %get3A_524 = tpu.vector_load %arg11[%get3A_523] {strides = array<i32>} : memref<512xf32, #tpu.memory_space<vmem>>, vector<16xf32>,
    %get3A_525 = vector.shape_cast %get3A_524 : vector<16xf32> to vector<16xf32>
    %mul3A_526 = arith.constant 2.000000e-02 : f32
    %mul3A_527 = vector.broadcast %mul3A_526 : f32 to vector<16xf32>
    %mul3A_528 = arith.mulf %get3A_525, %mul3A_527 : vector<16xf32>
    %swap3A_529 = arith.constant 176 : index
    %swap3A_530 = tpu.vector_load %arg11[%swap3A_529] {strides = array<i32>} : memref<512xf32, #tpu.memory_space<vmem>>, vector<16xf32>,
    %swap3A_531 = vector.shape_cast %swap3A_530 : vector<16xf32> to vector<16xf32>
    %swap3A_532 = vector.shape_cast %mul3A_528 : vector<16xf32> to vector<16xf32>
    tpu.vector_store %arg11[%swap3A_529], %swap3A_532 {strides = array<i32>} : memref<512xf32, #tpu.memory_space<vmem>>, vector<16xf32>,
    %get3A_533 = arith.constant 192 : index
    %get3A_534 = tpu.vector_load %arg10[%get3A_533] {strides = array<i32>} : memref<512xf32, #tpu.memory_space<vmem>>, vector<16xf32>,
    %get3A_535 = vector.shape_cast %get3A_534 : vector<16xf32> to vector<16xf32>
    %mul3A_536 = arith.constant 2.000000e-02 : f32
    %mul3A_537 = vector.broadcast %mul3A_536 : f32 to vector<16xf32>
    %mul3A_538 = arith.mulf %get3A_535, %mul3A_537 : vector<16xf32>
    %swap3A_539 = arith.constant 192 : index
    %swap3A_540 = tpu.vector_load %arg10[%swap3A_539] {strides = array<i32>} : memref<512xf32, #tpu.memory_space<vmem>>, vector<16xf32>,
    %swap3A_541 = vector.shape_cast %swap3A_540 : vector<16xf32> to vector<16xf32>
    %swap3A_542 = vector.shape_cast %mul3A_538 : vector<16xf32> to vector<16xf32>
    tpu.vector_store %arg10[%swap3A_539], %swap3A_542 {strides = array<i32>} : memref<512xf32, #tpu.memory_space<vmem>>, vector<16xf32>,
    %get3A_543 = arith.constant 192 : index
    %get3A_544 = tpu.vector_load %arg11[%get3A_543] {strides = array<i32>} : memref<512xf32, #tpu.memory_space<vmem>>, vector<16xf32>,
    %get3A_545 = vector.shape_cast %get3A_544 : vector<16xf32> to vector<16xf32>
    %mul3A_546 = arith.constant 2.000000e-02 : f32
    %mul3A_547 = vector.broadcast %mul3A_546 : f32 to vector<16xf32>
    %mul3A_548 = arith.mulf %get3A_545, %mul3A_547 : vector<16xf32>
    %swap3A_549 = arith.constant 192 : index
    %swap3A_550 = tpu.vector_load %arg11[%swap3A_549] {strides = array<i32>} : memref<512xf32, #tpu.memory_space<vmem>>, vector<16xf32>,
    %swap3A_551 = vector.shape_cast %swap3A_550 : vector<16xf32> to vector<16xf32>
    %swap3A_552 = vector.shape_cast %mul3A_548 : vector<16xf32> to vector<16xf32>
    tpu.vector_store %arg11[%swap3A_549], %swap3A_552 {strides = array<i32>} : memref<512xf32, #tpu.memory_space<vmem>>, vector<16xf32>,
    %get3A_553 = arith.constant 208 : index
    %get3A_554 = tpu.vector_load %arg10[%get3A_553] {strides = array<i32>} : memref<512xf32, #tpu.memory_space<vmem>>, vector<16xf32>,
    %get3A_555 = vector.shape_cast %get3A_554 : vector<16xf32> to vector<16xf32>
    %mul3A_556 = arith.constant 2.000000e-02 : f32
    %mul3A_557 = vector.broadcast %mul3A_556 : f32 to vector<16xf32>
    %mul3A_558 = arith.mulf %get3A_555, %mul3A_557 : vector<16xf32>
    %swap3A_559 = arith.constant 208 : index
    %swap3A_560 = tpu.vector_load %arg10[%swap3A_559] {strides = array<i32>} : memref<512xf32, #tpu.memory_space<vmem>>, vector<16xf32>,
    %swap3A_561 = vector.shape_cast %swap3A_560 : vector<16xf32> to vector<16xf32>
    %swap3A_562 = vector.shape_cast %mul3A_558 : vector<16xf32> to vector<16xf32>
    tpu.vector_store %arg10[%swap3A_559], %swap3A_562 {strides = array<i32>} : memref<512xf32, #tpu.memory_space<vmem>>, vector<16xf32>,
    %get3A_563 = arith.constant 208 : index
    %get3A_564 = tpu.vector_load %arg11[%get3A_563] {strides = array<i32>} : memref<512xf32, #tpu.memory_space<vmem>>, vector<16xf32>,
    %get3A_565 = vector.shape_cast %get3A_564 : vector<16xf32> to vector<16xf32>
    %mul3A_566 = arith.constant 2.000000e-02 : f32
    %mul3A_567 = vector.broadcast %mul3A_566 : f32 to vector<16xf32>
    %mul3A_568 = arith.mulf %get3A_565, %mul3A_567 : vector<16xf32>
    %swap3A_569 = arith.constant 208 : index
    %swap3A_570 = tpu.vector_load %arg11[%swap3A_569] {strides = array<i32>} : memref<512xf32, #tpu.memory_space<vmem>>, vector<16xf32>,
    %swap3A_571 = vector.shape_cast %swap3A_570 : vector<16xf32> to vector<16xf32>
    %swap3A_572 = vector.shape_cast %mul3A_568 : vector<16xf32> to vector<16xf32>
    tpu.vector_store %arg11[%swap3A_569], %swap3A_572 {strides = array<i32>} : memref<512xf32, #tpu.memory_space<vmem>>, vector<16xf32>,
    %get3A_573 = arith.constant 224 : index
    %get3A_574 = tpu.vector_load %arg10[%get3A_573] {strides = array<i32>} : memref<512xf32, #tpu.memory_space<vmem>>, vector<16xf32>,
    %get3A_575 = vector.shape_cast %get3A_574 : vector<16xf32> to vector<16xf32>
    %mul3A_576 = arith.constant 2.000000e-02 : f32
    %mul3A_577 = vector.broadcast %mul3A_576 : f32 to vector<16xf32>
    %mul3A_578 = arith.mulf %get3A_575, %mul3A_577 : vector<16xf32>
    %swap3A_579 = arith.constant 224 : index
    %swap3A_580 = tpu.vector_load %arg10[%swap3A_579] {strides = array<i32>} : memref<512xf32, #tpu.memory_space<vmem>>, vector<16xf32>,
    %swap3A_581 = vector.shape_cast %swap3A_580 : vector<16xf32> to vector<16xf32>
    %swap3A_582 = vector.shape_cast %mul3A_578 : vector<16xf32> to vector<16xf32>
    tpu.vector_store %arg10[%swap3A_579], %swap3A_582 {strides = array<i32>} : memref<512xf32, #tpu.memory_space<vmem>>, vector<16xf32>,
    %get3A_583 = arith.constant 224 : index
    %get3A_584 = tpu.vector_load %arg11[%get3A_583] {strides = array<i32>} : memref<512xf32, #tpu.memory_space<vmem>>, vector<16xf32>,
    %get3A_585 = vector.shape_cast %get3A_584 : vector<16xf32> to vector<16xf32>
    %mul3A_586 = arith.constant 2.000000e-02 : f32
    %mul3A_587 = vector.broadcast %mul3A_586 : f32 to vector<16xf32>
    %mul3A_588 = arith.mulf %get3A_585, %mul3A_587 : vector<16xf32>
    %swap3A_589 = arith.constant 224 : index
    %swap3A_590 = tpu.vector_load %arg11[%swap3A_589] {strides = array<i32>} : memref<512xf32, #tpu.memory_space<vmem>>, vector<16xf32>,
    %swap3A_591 = vector.shape_cast %swap3A_590 : vector<16xf32> to vector<16xf32>
    %swap3A_592 = vector.shape_cast %mul3A_588 : vector<16xf32> to vector<16xf32>
    tpu.vector_store %arg11[%swap3A_589], %swap3A_592 {strides = array<i32>} : memref<512xf32, #tpu.memory_space<vmem>>, vector<16xf32>,
    %get3A_593 = arith.constant 240 : index
    %get3A_594 = tpu.vector_load %arg10[%get3A_593] {strides = array<i32>} : memref<512xf32, #tpu.memory_space<vmem>>, vector<16xf32>,
    %get3A_595 = vector.shape_cast %get3A_594 : vector<16xf32> to vector<16xf32>
    %mul3A_596 = arith.constant 2.000000e-02 : f32
    %mul3A_597 = vector.broadcast %mul3A_596 : f32 to vector<16xf32>
    %mul3A_598 = arith.mulf %get3A_595, %mul3A_597 : vector<16xf32>
    %swap3A_599 = arith.constant 240 : index
    %swap3A_600 = tpu.vector_load %arg10[%swap3A_599] {strides = array<i32>} : memref<512xf32, #tpu.memory_space<vmem>>, vector<16xf32>,
    %swap3A_601 = vector.shape_cast %swap3A_600 : vector<16xf32> to vector<16xf32>
    %swap3A_602 = vector.shape_cast %mul3A_598 : vector<16xf32> to vector<16xf32>
    tpu.vector_store %arg10[%swap3A_599], %swap3A_602 {strides = array<i32>} : memref<512xf32, #tpu.memory_space<vmem>>, vector<16xf32>,
    %get3A_603 = arith.constant 240 : index
    %get3A_604 = tpu.vector_load %arg11[%get3A_603] {strides = array<i32>} : memref<512xf32, #tpu.memory_space<vmem>>, vector<16xf32>,
    %get3A_605 = vector.shape_cast %get3A_604 : vector<16xf32> to vector<16xf32>
    %mul3A_606 = arith.constant 2.000000e-02 : f32
    %mul3A_607 = vector.broadcast %mul3A_606 : f32 to vector<16xf32>
    %mul3A_608 = arith.mulf %get3A_605, %mul3A_607 : vector<16xf32>
    %swap3A_609 = arith.constant 240 : index
    %swap3A_610 = tpu.vector_load %arg11[%swap3A_609] {strides = array<i32>} : memref<512xf32, #tpu.memory_space<vmem>>, vector<16xf32>,
    %swap3A_611 = vector.shape_cast %swap3A_610 : vector<16xf32> to vector<16xf32>
    %swap3A_612 = vector.shape_cast %mul3A_608 : vector<16xf32> to vector<16xf32>
    tpu.vector_store %arg11[%swap3A_609], %swap3A_612 {strides = array<i32>} : memref<512xf32, #tpu.memory_space<vmem>>, vector<16xf32>,
    %get3A_613 = arith.constant 256 : index
    %get3A_614 = tpu.vector_load %arg10[%get3A_613] {strides = array<i32>} : memref<512xf32, #tpu.memory_space<vmem>>, vector<16xf32>,
    %get3A_615 = vector.shape_cast %get3A_614 : vector<16xf32> to vector<16xf32>
    %mul3A_616 = arith.constant 2.000000e-02 : f32
    %mul3A_617 = vector.broadcast %mul3A_616 : f32 to vector<16xf32>
    %mul3A_618 = arith.mulf %get3A_615, %mul3A_617 : vector<16xf32>
    %swap3A_619 = arith.constant 256 : index
    %swap3A_620 = tpu.vector_load %arg10[%swap3A_619] {strides = array<i32>} : memref<512xf32, #tpu.memory_space<vmem>>, vector<16xf32>,
    %swap3A_621 = vector.shape_cast %swap3A_620 : vector<16xf32> to vector<16xf32>
    %swap3A_622 = vector.shape_cast %mul3A_618 : vector<16xf32> to vector<16xf32>
    tpu.vector_store %arg10[%swap3A_619], %swap3A_622 {strides = array<i32>} : memref<512xf32, #tpu.memory_space<vmem>>, vector<16xf32>,
    %get3A_623 = arith.constant 256 : index
    %get3A_624 = tpu.vector_load %arg11[%get3A_623] {strides = array<i32>} : memref<512xf32, #tpu.memory_space<vmem>>, vector<16xf32>,
    %get3A_625 = vector.shape_cast %get3A_624 : vector<16xf32> to vector<16xf32>
    %mul3A_626 = arith.constant 2.000000e-02 : f32
    %mul3A_627 = vector.broadcast %mul3A_626 : f32 to vector<16xf32>
    %mul3A_628 = arith.mulf %get3A_625, %mul3A_627 : vector<16xf32>
    %swap3A_629 = arith.constant 256 : index
    %swap3A_630 = tpu.vector_load %arg11[%swap3A_629] {strides = array<i32>} : memref<512xf32, #tpu.memory_space<vmem>>, vector<16xf32>,
    %swap3A_631 = vector.shape_cast %swap3A_630 : vector<16xf32> to vector<16xf32>
    %swap3A_632 = vector.shape_cast %mul3A_628 : vector<16xf32> to vector<16xf32>
    tpu.vector_store %arg11[%swap3A_629], %swap3A_632 {strides = array<i32>} : memref<512xf32, #tpu.memory_space<vmem>>, vector<16xf32>,
    %get3A_633 = arith.constant 272 : index
    %get3A_634 = tpu.vector_load %arg10[%get3A_633] {strides = array<i32>} : memref<512xf32, #tpu.memory_space<vmem>>, vector<16xf32>,
    %get3A_635 = vector.shape_cast %get3A_634 : vector<16xf32> to vector<16xf32>
    %mul3A_636 = arith.constant 2.000000e-02 : f32
    %mul3A_637 = vector.broadcast %mul3A_636 : f32 to vector<16xf32>
    %mul3A_638 = arith.mulf %get3A_635, %mul3A_637 : vector<16xf32>
    %swap3A_639 = arith.constant 272 : index
    %swap3A_640 = tpu.vector_load %arg10[%swap3A_639] {strides = array<i32>} : memref<512xf32, #tpu.memory_space<vmem>>, vector<16xf32>,
    %swap3A_641 = vector.shape_cast %swap3A_640 : vector<16xf32> to vector<16xf32>
    %swap3A_642 = vector.shape_cast %mul3A_638 : vector<16xf32> to vector<16xf32>
    tpu.vector_store %arg10[%swap3A_639], %swap3A_642 {strides = array<i32>} : memref<512xf32, #tpu.memory_space<vmem>>, vector<16xf32>,
    %get3A_643 = arith.constant 272 : index
    %get3A_644 = tpu.vector_load %arg11[%get3A_643] {strides = array<i32>} : memref<512xf32, #tpu.memory_space<vmem>>, vector<16xf32>,
    %get3A_645 = vector.shape_cast %get3A_644 : vector<16xf32> to vector<16xf32>
    %mul3A_646 = arith.constant 2.000000e-02 : f32
    %mul3A_647 = vector.broadcast %mul3A_646 : f32 to vector<16xf32>
    %mul3A_648 = arith.mulf %get3A_645, %mul3A_647 : vector<16xf32>
    %swap3A_649 = arith.constant 272 : index
    %swap3A_650 = tpu.vector_load %arg11[%swap3A_649] {strides = array<i32>} : memref<512xf32, #tpu.memory_space<vmem>>, vector<16xf32>,
    %swap3A_651 = vector.shape_cast %swap3A_650 : vector<16xf32> to vector<16xf32>
    %swap3A_652 = vector.shape_cast %mul3A_648 : vector<16xf32> to vector<16xf32>
    tpu.vector_store %arg11[%swap3A_649], %swap3A_652 {strides = array<i32>} : memref<512xf32, #tpu.memory_space<vmem>>, vector<16xf32>,
    %get3A_653 = arith.constant 288 : index
    %get3A_654 = tpu.vector_load %arg10[%get3A_653] {strides = array<i32>} : memref<512xf32, #tpu.memory_space<vmem>>, vector<16xf32>,
    %get3A_655 = vector.shape_cast %get3A_654 : vector<16xf32> to vector<16xf32>
    %mul3A_656 = arith.constant 2.000000e-02 : f32
    %mul3A_657 = vector.broadcast %mul3A_656 : f32 to vector<16xf32>
    %mul3A_658 = arith.mulf %get3A_655, %mul3A_657 : vector<16xf32>
    %swap3A_659 = arith.constant 288 : index
    %swap3A_660 = tpu.vector_load %arg10[%swap3A_659] {strides = array<i32>} : memref<512xf32, #tpu.memory_space<vmem>>, vector<16xf32>,
    %swap3A_661 = vector.shape_cast %swap3A_660 : vector<16xf32> to vector<16xf32>
    %swap3A_662 = vector.shape_cast %mul3A_658 : vector<16xf32> to vector<16xf32>
    tpu.vector_store %arg10[%swap3A_659], %swap3A_662 {strides = array<i32>} : memref<512xf32, #tpu.memory_space<vmem>>, vector<16xf32>,
    %get3A_663 = arith.constant 288 : index
    %get3A_664 = tpu.vector_load %arg11[%get3A_663] {strides = array<i32>} : memref<512xf32, #tpu.memory_space<vmem>>, vector<16xf32>,
    %get3A_665 = vector.shape_cast %get3A_664 : vector<16xf32> to vector<16xf32>
    %mul3A_666 = arith.constant 2.000000e-02 : f32
    %mul3A_667 = vector.broadcast %mul3A_666 : f32 to vector<16xf32>
    %mul3A_668 = arith.mulf %get3A_665, %mul3A_667 : vector<16xf32>
    %swap3A_669 = arith.constant 288 : index
    %swap3A_670 = tpu.vector_load %arg11[%swap3A_669] {strides = array<i32>} : memref<512xf32, #tpu.memory_space<vmem>>, vector<16xf32>,
    %swap3A_671 = vector.shape_cast %swap3A_670 : vector<16xf32> to vector<16xf32>
    %swap3A_672 = vector.shape_cast %mul3A_668 : vector<16xf32> to vector<16xf32>
    tpu.vector_store %arg11[%swap3A_669], %swap3A_672 {strides = array<i32>} : memref<512xf32, #tpu.memory_space<vmem>>, vector<16xf32>,
    %get3A_673 = arith.constant 304 : index
    %get3A_674 = tpu.vector_load %arg10[%get3A_673] {strides = array<i32>} : memref<512xf32, #tpu.memory_space<vmem>>, vector<16xf32>,
    %get3A_675 = vector.shape_cast %get3A_674 : vector<16xf32> to vector<16xf32>
    %mul3A_676 = arith.constant 2.000000e-02 : f32
    %mul3A_677 = vector.broadcast %mul3A_676 : f32 to vector<16xf32>
    %mul3A_678 = arith.mulf %get3A_675, %mul3A_677 : vector<16xf32>
    %swap3A_679 = arith.constant 304 : index
    %swap3A_680 = tpu.vector_load %arg10[%swap3A_679] {strides = array<i32>} : memref<512xf32, #tpu.memory_space<vmem>>, vector<16xf32>,
    %swap3A_681 = vector.shape_cast %swap3A_680 : vector<16xf32> to vector<16xf32>
    %swap3A_682 = vector.shape_cast %mul3A_678 : vector<16xf32> to vector<16xf32>
    tpu.vector_store %arg10[%swap3A_679], %swap3A_682 {strides = array<i32>} : memref<512xf32, #tpu.memory_space<vmem>>, vector<16xf32>,
    %get3A_683 = arith.constant 304 : index
    %get3A_684 = tpu.vector_load %arg11[%get3A_683] {strides = array<i32>} : memref<512xf32, #tpu.memory_space<vmem>>, vector<16xf32>,
    %get3A_685 = vector.shape_cast %get3A_684 : vector<16xf32> to vector<16xf32>
    %mul3A_686 = arith.constant 2.000000e-02 : f32
    %mul3A_687 = vector.broadcast %mul3A_686 : f32 to vector<16xf32>
    %mul3A_688 = arith.mulf %get3A_685, %mul3A_687 : vector<16xf32>
    %swap3A_689 = arith.constant 304 : index
    %swap3A_690 = tpu.vector_load %arg11[%swap3A_689] {strides = array<i32>} : memref<512xf32, #tpu.memory_space<vmem>>, vector<16xf32>,
    %swap3A_691 = vector.shape_cast %swap3A_690 : vector<16xf32> to vector<16xf32>
    %swap3A_692 = vector.shape_cast %mul3A_688 : vector<16xf32> to vector<16xf32>
    tpu.vector_store %arg11[%swap3A_689], %swap3A_692 {strides = array<i32>} : memref<512xf32, #tpu.memory_space<vmem>>, vector<16xf32>,
    %get3A_693 = arith.constant 320 : index
    %get3A_694 = tpu.vector_load %arg10[%get3A_693] {strides = array<i32>} : memref<512xf32, #tpu.memory_space<vmem>>, vector<16xf32>,
    %get3A_695 = vector.shape_cast %get3A_694 : vector<16xf32> to vector<16xf32>
    %mul3A_696 = arith.constant 2.000000e-02 : f32
    %mul3A_697 = vector.broadcast %mul3A_696 : f32 to vector<16xf32>
    %mul3A_698 = arith.mulf %get3A_695, %mul3A_697 : vector<16xf32>
    %swap3A_699 = arith.constant 320 : index
    %swap3A_700 = tpu.vector_load %arg10[%swap3A_699] {strides = array<i32>} : memref<512xf32, #tpu.memory_space<vmem>>, vector<16xf32>,
    %swap3A_701 = vector.shape_cast %swap3A_700 : vector<16xf32> to vector<16xf32>
    %swap3A_702 = vector.shape_cast %mul3A_698 : vector<16xf32> to vector<16xf32>
    tpu.vector_store %arg10[%swap3A_699], %swap3A_702 {strides = array<i32>} : memref<512xf32, #tpu.memory_space<vmem>>, vector<16xf32>,
    %get3A_703 = arith.constant 320 : index
    %get3A_704 = tpu.vector_load %arg11[%get3A_703] {strides = array<i32>} : memref<512xf32, #tpu.memory_space<vmem>>, vector<16xf32>,
    %get3A_705 = vector.shape_cast %get3A_704 : vector<16xf32> to vector<16xf32>
    %mul3A_706 = arith.constant 2.000000e-02 : f32
    %mul3A_707 = vector.broadcast %mul3A_706 : f32 to vector<16xf32>
    %mul3A_708 = arith.mulf %get3A_705, %mul3A_707 : vector<16xf32>
    %swap3A_709 = arith.constant 320 : index
    %swap3A_710 = tpu.vector_load %arg11[%swap3A_709] {strides = array<i32>} : memref<512xf32, #tpu.memory_space<vmem>>, vector<16xf32>,
    %swap3A_711 = vector.shape_cast %swap3A_710 : vector<16xf32> to vector<16xf32>
    %swap3A_712 = vector.shape_cast %mul3A_708 : vector<16xf32> to vector<16xf32>
    tpu.vector_store %arg11[%swap3A_709], %swap3A_712 {strides = array<i32>} : memref<512xf32, #tpu.memory_space<vmem>>, vector<16xf32>,
    %get3A_713 = arith.constant 336 : index
    %get3A_714 = tpu.vector_load %arg10[%get3A_713] {strides = array<i32>} : memref<512xf32, #tpu.memory_space<vmem>>, vector<16xf32>,
    %get3A_715 = vector.shape_cast %get3A_714 : vector<16xf32> to vector<16xf32>
    %mul3A_716 = arith.constant 2.000000e-02 : f32
    %mul3A_717 = vector.broadcast %mul3A_716 : f32 to vector<16xf32>
    %mul3A_718 = arith.mulf %get3A_715, %mul3A_717 : vector<16xf32>
    %swap3A_719 = arith.constant 336 : index
    %swap3A_720 = tpu.vector_load %arg10[%swap3A_719] {strides = array<i32>} : memref<512xf32, #tpu.memory_space<vmem>>, vector<16xf32>,
    %swap3A_721 = vector.shape_cast %swap3A_720 : vector<16xf32> to vector<16xf32>
    %swap3A_722 = vector.shape_cast %mul3A_718 : vector<16xf32> to vector<16xf32>
    tpu.vector_store %arg10[%swap3A_719], %swap3A_722 {strides = array<i32>} : memref<512xf32, #tpu.memory_space<vmem>>, vector<16xf32>,
    %get3A_723 = arith.constant 336 : index
    %get3A_724 = tpu.vector_load %arg11[%get3A_723] {strides = array<i32>} : memref<512xf32, #tpu.memory_space<vmem>>, vector<16xf32>,
    %get3A_725 = vector.shape_cast %get3A_724 : vector<16xf32> to vector<16xf32>
    %mul3A_726 = arith.constant 2.000000e-02 : f32
    %mul3A_727 = vector.broadcast %mul3A_726 : f32 to vector<16xf32>
    %mul3A_728 = arith.mulf %get3A_725, %mul3A_727 : vector<16xf32>
    %swap3A_729 = arith.constant 336 : index
    %swap3A_730 = tpu.vector_load %arg11[%swap3A_729] {strides = array<i32>} : memref<512xf32, #tpu.memory_space<vmem>>, vector<16xf32>,
    %swap3A_731 = vector.shape_cast %swap3A_730 : vector<16xf32> to vector<16xf32>
    %swap3A_732 = vector.shape_cast %mul3A_728 : vector<16xf32> to vector<16xf32>
    tpu.vector_store %arg11[%swap3A_729], %swap3A_732 {strides = array<i32>} : memref<512xf32, #tpu.memory_space<vmem>>, vector<16xf32>,
    %get3A_733 = arith.constant 352 : index
    %get3A_734 = tpu.vector_load %arg10[%get3A_733] {strides = array<i32>} : memref<512xf32, #tpu.memory_space<vmem>>, vector<16xf32>,
    %get3A_735 = vector.shape_cast %get3A_734 : vector<16xf32> to vector<16xf32>
    %mul3A_736 = arith.constant 2.000000e-02 : f32
    %mul3A_737 = vector.broadcast %mul3A_736 : f32 to vector<16xf32>
    %mul3A_738 = arith.mulf %get3A_735, %mul3A_737 : vector<16xf32>
    %swap3A_739 = arith.constant 352 : index
    %swap3A_740 = tpu.vector_load %arg10[%swap3A_739] {strides = array<i32>} : memref<512xf32, #tpu.memory_space<vmem>>, vector<16xf32>,
    %swap3A_741 = vector.shape_cast %swap3A_740 : vector<16xf32> to vector<16xf32>
    %swap3A_742 = vector.shape_cast %mul3A_738 : vector<16xf32> to vector<16xf32>
    tpu.vector_store %arg10[%swap3A_739], %swap3A_742 {strides = array<i32>} : memref<512xf32, #tpu.memory_space<vmem>>, vector<16xf32>,
    %get3A_743 = arith.constant 352 : index
    %get3A_744 = tpu.vector_load %arg11[%get3A_743] {strides = array<i32>} : memref<512xf32, #tpu.memory_space<vmem>>, vector<16xf32>,
    %get3A_745 = vector.shape_cast %get3A_744 : vector<16xf32> to vector<16xf32>
    %mul3A_746 = arith.constant 2.000000e-02 : f32
    %mul3A_747 = vector.broadcast %mul3A_746 : f32 to vector<16xf32>
    %mul3A_748 = arith.mulf %get3A_745, %mul3A_747 : vector<16xf32>
    %swap3A_749 = arith.constant 352 : index
    %swap3A_750 = tpu.vector_load %arg11[%swap3A_749] {strides = array<i32>} : memref<512xf32, #tpu.memory_space<vmem>>, vector<16xf32>,
    %swap3A_751 = vector.shape_cast %swap3A_750 : vector<16xf32> to vector<16xf32>
    %swap3A_752 = vector.shape_cast %mul3A_748 : vector<16xf32> to vector<16xf32>
    tpu.vector_store %arg11[%swap3A_749], %swap3A_752 {strides = array<i32>} : memref<512xf32, #tpu.memory_space<vmem>>, vector<16xf32>,
    %get3A_753 = arith.constant 368 : index
    %get3A_754 = tpu.vector_load %arg10[%get3A_753] {strides = array<i32>} : memref<512xf32, #tpu.memory_space<vmem>>, vector<16xf32>,
    %get3A_755 = vector.shape_cast %get3A_754 : vector<16xf32> to vector<16xf32>
    %mul3A_756 = arith.constant 2.000000e-02 : f32
    %mul3A_757 = vector.broadcast %mul3A_756 : f32 to vector<16xf32>
    %mul3A_758 = arith.mulf %get3A_755, %mul3A_757 : vector<16xf32>
    %swap3A_759 = arith.constant 368 : index
    %swap3A_760 = tpu.vector_load %arg10[%swap3A_759] {strides = array<i32>} : memref<512xf32, #tpu.memory_space<vmem>>, vector<16xf32>,
    %swap3A_761 = vector.shape_cast %swap3A_760 : vector<16xf32> to vector<16xf32>
    %swap3A_762 = vector.shape_cast %mul3A_758 : vector<16xf32> to vector<16xf32>
    tpu.vector_store %arg10[%swap3A_759], %swap3A_762 {strides = array<i32>} : memref<512xf32, #tpu.memory_space<vmem>>, vector<16xf32>,
    %get3A_763 = arith.constant 368 : index
    %get3A_764 = tpu.vector_load %arg11[%get3A_763] {strides = array<i32>} : memref<512xf32, #tpu.memory_space<vmem>>, vector<16xf32>,
    %get3A_765 = vector.shape_cast %get3A_764 : vector<16xf32> to vector<16xf32>
    %mul3A_766 = arith.constant 2.000000e-02 : f32
    %mul3A_767 = vector.broadcast %mul3A_766 : f32 to vector<16xf32>
    %mul3A_768 = arith.mulf %get3A_765, %mul3A_767 : vector<16xf32>
    %swap3A_769 = arith.constant 368 : index
    %swap3A_770 = tpu.vector_load %arg11[%swap3A_769] {strides = array<i32>} : memref<512xf32, #tpu.memory_space<vmem>>, vector<16xf32>,
    %swap3A_771 = vector.shape_cast %swap3A_770 : vector<16xf32> to vector<16xf32>
    %swap3A_772 = vector.shape_cast %mul3A_768 : vector<16xf32> to vector<16xf32>
    tpu.vector_store %arg11[%swap3A_769], %swap3A_772 {strides = array<i32>} : memref<512xf32, #tpu.memory_space<vmem>>, vector<16xf32>,
    %get3A_773 = arith.constant 384 : index
    %get3A_774 = tpu.vector_load %arg10[%get3A_773] {strides = array<i32>} : memref<512xf32, #tpu.memory_space<vmem>>, vector<16xf32>,
    %get3A_775 = vector.shape_cast %get3A_774 : vector<16xf32> to vector<16xf32>
    %mul3A_776 = arith.constant 2.000000e-02 : f32
    %mul3A_777 = vector.broadcast %mul3A_776 : f32 to vector<16xf32>
    %mul3A_778 = arith.mulf %get3A_775, %mul3A_777 : vector<16xf32>
    %swap3A_779 = arith.constant 384 : index
    %swap3A_780 = tpu.vector_load %arg10[%swap3A_779] {strides = array<i32>} : memref<512xf32, #tpu.memory_space<vmem>>, vector<16xf32>,
    %swap3A_781 = vector.shape_cast %swap3A_780 : vector<16xf32> to vector<16xf32>
    %swap3A_782 = vector.shape_cast %mul3A_778 : vector<16xf32> to vector<16xf32>
    tpu.vector_store %arg10[%swap3A_779], %swap3A_782 {strides = array<i32>} : memref<512xf32, #tpu.memory_space<vmem>>, vector<16xf32>,
    %get3A_783 = arith.constant 384 : index
    %get3A_784 = tpu.vector_load %arg11[%get3A_783] {strides = array<i32>} : memref<512xf32, #tpu.memory_space<vmem>>, vector<16xf32>,
    %get3A_785 = vector.shape_cast %get3A_784 : vector<16xf32> to vector<16xf32>
    %mul3A_786 = arith.constant 2.000000e-02 : f32
    %mul3A_787 = vector.broadcast %mul3A_786 : f32 to vector<16xf32>
    %mul3A_788 = arith.mulf %get3A_785, %mul3A_787 : vector<16xf32>
    %swap3A_789 = arith.constant 384 : index
    %swap3A_790 = tpu.vector_load %arg11[%swap3A_789] {strides = array<i32>} : memref<512xf32, #tpu.memory_space<vmem>>, vector<16xf32>,
    %swap3A_791 = vector.shape_cast %swap3A_790 : vector<16xf32> to vector<16xf32>
    %swap3A_792 = vector.shape_cast %mul3A_788 : vector<16xf32> to vector<16xf32>
    tpu.vector_store %arg11[%swap3A_789], %swap3A_792 {strides = array<i32>} : memref<512xf32, #tpu.memory_space<vmem>>, vector<16xf32>,
    %get3A_793 = arith.constant 400 : index
    %get3A_794 = tpu.vector_load %arg10[%get3A_793] {strides = array<i32>} : memref<512xf32, #tpu.memory_space<vmem>>, vector<16xf32>,
    %get3A_795 = vector.shape_cast %get3A_794 : vector<16xf32> to vector<16xf32>
    %mul3A_796 = arith.constant 2.000000e-02 : f32
    %mul3A_797 = vector.broadcast %mul3A_796 : f32 to vector<16xf32>
    %mul3A_798 = arith.mulf %get3A_795, %mul3A_797 : vector<16xf32>
    %swap3A_799 = arith.constant 400 : index
    %swap3A_800 = tpu.vector_load %arg10[%swap3A_799] {strides = array<i32>} : memref<512xf32, #tpu.memory_space<vmem>>, vector<16xf32>,
    %swap3A_801 = vector.shape_cast %swap3A_800 : vector<16xf32> to vector<16xf32>
    %swap3A_802 = vector.shape_cast %mul3A_798 : vector<16xf32> to vector<16xf32>
    tpu.vector_store %arg10[%swap3A_799], %swap3A_802 {strides = array<i32>} : memref<512xf32, #tpu.memory_space<vmem>>, vector<16xf32>,
    %get3A_803 = arith.constant 400 : index
    %get3A_804 = tpu.vector_load %arg11[%get3A_803] {strides = array<i32>} : memref<512xf32, #tpu.memory_space<vmem>>, vector<16xf32>,
    %get3A_805 = vector.shape_cast %get3A_804 : vector<16xf32> to vector<16xf32>
    %mul3A_806 = arith.constant 2.000000e-02 : f32
    %mul3A_807 = vector.broadcast %mul3A_806 : f32 to vector<16xf32>
    %mul3A_808 = arith.mulf %get3A_805, %mul3A_807 : vector<16xf32>
    %swap3A_809 = arith.constant 400 : index
    %swap3A_810 = tpu.vector_load %arg11[%swap3A_809] {strides = array<i32>} : memref<512xf32, #tpu.memory_space<vmem>>, vector<16xf32>,
    %swap3A_811 = vector.shape_cast %swap3A_810 : vector<16xf32> to vector<16xf32>
    %swap3A_812 = vector.shape_cast %mul3A_808 : vector<16xf32> to vector<16xf32>
    tpu.vector_store %arg11[%swap3A_809], %swap3A_812 {strides = array<i32>} : memref<512xf32, #tpu.memory_space<vmem>>, vector<16xf32>,
    %get3A_813 = arith.constant 416 : index
    %get3A_814 = tpu.vector_load %arg10[%get3A_813] {strides = array<i32>} : memref<512xf32, #tpu.memory_space<vmem>>, vector<16xf32>,
    %get3A_815 = vector.shape_cast %get3A_814 : vector<16xf32> to vector<16xf32>
    %mul3A_816 = arith.constant 2.000000e-02 : f32
    %mul3A_817 = vector.broadcast %mul3A_816 : f32 to vector<16xf32>
    %mul3A_818 = arith.mulf %get3A_815, %mul3A_817 : vector<16xf32>
    %swap3A_819 = arith.constant 416 : index
    %swap3A_820 = tpu.vector_load %arg10[%swap3A_819] {strides = array<i32>} : memref<512xf32, #tpu.memory_space<vmem>>, vector<16xf32>,
    %swap3A_821 = vector.shape_cast %swap3A_820 : vector<16xf32> to vector<16xf32>
    %swap3A_822 = vector.shape_cast %mul3A_818 : vector<16xf32> to vector<16xf32>
    tpu.vector_store %arg10[%swap3A_819], %swap3A_822 {strides = array<i32>} : memref<512xf32, #tpu.memory_space<vmem>>, vector<16xf32>,
    %get3A_823 = arith.constant 416 : index
    %get3A_824 = tpu.vector_load %arg11[%get3A_823] {strides = array<i32>} : memref<512xf32, #tpu.memory_space<vmem>>, vector<16xf32>,
    %get3A_825 = vector.shape_cast %get3A_824 : vector<16xf32> to vector<16xf32>
    %mul3A_826 = arith.constant 2.000000e-02 : f32
    %mul3A_827 = vector.broadcast %mul3A_826 : f32 to vector<16xf32>
    %mul3A_828 = arith.mulf %get3A_825, %mul3A_827 : vector<16xf32>
    %swap3A_829 = arith.constant 416 : index
    %swap3A_830 = tpu.vector_load %arg11[%swap3A_829] {strides = array<i32>} : memref<512xf32, #tpu.memory_space<vmem>>, vector<16xf32>,
    %swap3A_831 = vector.shape_cast %swap3A_830 : vector<16xf32> to vector<16xf32>
    %swap3A_832 = vector.shape_cast %mul3A_828 : vector<16xf32> to vector<16xf32>
    tpu.vector_store %arg11[%swap3A_829], %swap3A_832 {strides = array<i32>} : memref<512xf32, #tpu.memory_space<vmem>>, vector<16xf32>,
    %get3A_833 = arith.constant 432 : index
    %get3A_834 = tpu.vector_load %arg10[%get3A_833] {strides = array<i32>} : memref<512xf32, #tpu.memory_space<vmem>>, vector<16xf32>,
    %get3A_835 = vector.shape_cast %get3A_834 : vector<16xf32> to vector<16xf32>
    %mul3A_836 = arith.constant 2.000000e-02 : f32
    %mul3A_837 = vector.broadcast %mul3A_836 : f32 to vector<16xf32>
    %mul3A_838 = arith.mulf %get3A_835, %mul3A_837 : vector<16xf32>
    %swap3A_839 = arith.constant 432 : index
    %swap3A_840 = tpu.vector_load %arg10[%swap3A_839] {strides = array<i32>} : memref<512xf32, #tpu.memory_space<vmem>>, vector<16xf32>,
    %swap3A_841 = vector.shape_cast %swap3A_840 : vector<16xf32> to vector<16xf32>
    %swap3A_842 = vector.shape_cast %mul3A_838 : vector<16xf32> to vector<16xf32>
    tpu.vector_store %arg10[%swap3A_839], %swap3A_842 {strides = array<i32>} : memref<512xf32, #tpu.memory_space<vmem>>, vector<16xf32>,
    %get3A_843 = arith.constant 432 : index
    %get3A_844 = tpu.vector_load %arg11[%get3A_843] {strides = array<i32>} : memref<512xf32, #tpu.memory_space<vmem>>, vector<16xf32>,
    %get3A_845 = vector.shape_cast %get3A_844 : vector<16xf32> to vector<16xf32>
    %mul3A_846 = arith.constant 2.000000e-02 : f32
    %mul3A_847 = vector.broadcast %mul3A_846 : f32 to vector<16xf32>
    %mul3A_848 = arith.mulf %get3A_845, %mul3A_847 : vector<16xf32>
    %swap3A_849 = arith.constant 432 : index
    %swap3A_850 = tpu.vector_load %arg11[%swap3A_849] {strides = array<i32>} : memref<512xf32, #tpu.memory_space<vmem>>, vector<16xf32>,
    %swap3A_851 = vector.shape_cast %swap3A_850 : vector<16xf32> to vector<16xf32>
    %swap3A_852 = vector.shape_cast %mul3A_848 : vector<16xf32> to vector<16xf32>
    tpu.vector_store %arg11[%swap3A_849], %swap3A_852 {strides = array<i32>} : memref<512xf32, #tpu.memory_space<vmem>>, vector<16xf32>,
    %get3A_853 = arith.constant 448 : index
    %get3A_854 = tpu.vector_load %arg10[%get3A_853] {strides = array<i32>} : memref<512xf32, #tpu.memory_space<vmem>>, vector<16xf32>,
    %get3A_855 = vector.shape_cast %get3A_854 : vector<16xf32> to vector<16xf32>
    %mul3A_856 = arith.constant 2.000000e-02 : f32
    %mul3A_857 = vector.broadcast %mul3A_856 : f32 to vector<16xf32>
    %mul3A_858 = arith.mulf %get3A_855, %mul3A_857 : vector<16xf32>
    %swap3A_859 = arith.constant 448 : index
    %swap3A_860 = tpu.vector_load %arg10[%swap3A_859] {strides = array<i32>} : memref<512xf32, #tpu.memory_space<vmem>>, vector<16xf32>,
    %swap3A_861 = vector.shape_cast %swap3A_860 : vector<16xf32> to vector<16xf32>
    %swap3A_862 = vector.shape_cast %mul3A_858 : vector<16xf32> to vector<16xf32>
    tpu.vector_store %arg10[%swap3A_859], %swap3A_862 {strides = array<i32>} : memref<512xf32, #tpu.memory_space<vmem>>, vector<16xf32>,
    %get3A_863 = arith.constant 448 : index
    %get3A_864 = tpu.vector_load %arg11[%get3A_863] {strides = array<i32>} : memref<512xf32, #tpu.memory_space<vmem>>, vector<16xf32>,
    %get3A_865 = vector.shape_cast %get3A_864 : vector<16xf32> to vector<16xf32>
    %mul3A_866 = arith.constant 2.000000e-02 : f32
    %mul3A_867 = vector.broadcast %mul3A_866 : f32 to vector<16xf32>
    %mul3A_868 = arith.mulf %get3A_865, %mul3A_867 : vector<16xf32>
    %swap3A_869 = arith.constant 448 : index
    %swap3A_870 = tpu.vector_load %arg11[%swap3A_869] {strides = array<i32>} : memref<512xf32, #tpu.memory_space<vmem>>, vector<16xf32>,
    %swap3A_871 = vector.shape_cast %swap3A_870 : vector<16xf32> to vector<16xf32>
    %swap3A_872 = vector.shape_cast %mul3A_868 : vector<16xf32> to vector<16xf32>
    tpu.vector_store %arg11[%swap3A_869], %swap3A_872 {strides = array<i32>} : memref<512xf32, #tpu.memory_space<vmem>>, vector<16xf32>,
    %get3A_873 = arith.constant 464 : index
    %get3A_874 = tpu.vector_load %arg10[%get3A_873] {strides = array<i32>} : memref<512xf32, #tpu.memory_space<vmem>>, vector<16xf32>,
    %get3A_875 = vector.shape_cast %get3A_874 : vector<16xf32> to vector<16xf32>
    %mul3A_876 = arith.constant 2.000000e-02 : f32
    %mul3A_877 = vector.broadcast %mul3A_876 : f32 to vector<16xf32>
    %mul3A_878 = arith.mulf %get3A_875, %mul3A_877 : vector<16xf32>
    %swap3A_879 = arith.constant 464 : index
    %swap3A_880 = tpu.vector_load %arg10[%swap3A_879] {strides = array<i32>} : memref<512xf32, #tpu.memory_space<vmem>>, vector<16xf32>,
    %swap3A_881 = vector.shape_cast %swap3A_880 : vector<16xf32> to vector<16xf32>
    %swap3A_882 = vector.shape_cast %mul3A_878 : vector<16xf32> to vector<16xf32>
    tpu.vector_store %arg10[%swap3A_879], %swap3A_882 {strides = array<i32>} : memref<512xf32, #tpu.memory_space<vmem>>, vector<16xf32>,
    %get3A_883 = arith.constant 464 : index
    %get3A_884 = tpu.vector_load %arg11[%get3A_883] {strides = array<i32>} : memref<512xf32, #tpu.memory_space<vmem>>, vector<16xf32>,
    %get3A_885 = vector.shape_cast %get3A_884 : vector<16xf32> to vector<16xf32>
    %mul3A_886 = arith.constant 2.000000e-02 : f32
    %mul3A_887 = vector.broadcast %mul3A_886 : f32 to vector<16xf32>
    %mul3A_888 = arith.mulf %get3A_885, %mul3A_887 : vector<16xf32>
    %swap3A_889 = arith.constant 464 : index
    %swap3A_890 = tpu.vector_load %arg11[%swap3A_889] {strides = array<i32>} : memref<512xf32, #tpu.memory_space<vmem>>, vector<16xf32>,
    %swap3A_891 = vector.shape_cast %swap3A_890 : vector<16xf32> to vector<16xf32>
    %swap3A_892 = vector.shape_cast %mul3A_888 : vector<16xf32> to vector<16xf32>
    tpu.vector_store %arg11[%swap3A_889], %swap3A_892 {strides = array<i32>} : memref<512xf32, #tpu.memory_space<vmem>>, vector<16xf32>,
    %get3A_893 = arith.constant 480 : index
    %get3A_894 = tpu.vector_load %arg10[%get3A_893] {strides = array<i32>} : memref<512xf32, #tpu.memory_space<vmem>>, vector<16xf32>,
    %get3A_895 = vector.shape_cast %get3A_894 : vector<16xf32> to vector<16xf32>
    %mul3A_896 = arith.constant 2.000000e-02 : f32
    %mul3A_897 = vector.broadcast %mul3A_896 : f32 to vector<16xf32>
    %mul3A_898 = arith.mulf %get3A_895, %mul3A_897 : vector<16xf32>
    %swap3A_899 = arith.constant 480 : index
    %swap3A_900 = tpu.vector_load %arg10[%swap3A_899] {strides = array<i32>} : memref<512xf32, #tpu.memory_space<vmem>>, vector<16xf32>,
    %swap3A_901 = vector.shape_cast %swap3A_900 : vector<16xf32> to vector<16xf32>
    %swap3A_902 = vector.shape_cast %mul3A_898 : vector<16xf32> to vector<16xf32>
    tpu.vector_store %arg10[%swap3A_899], %swap3A_902 {strides = array<i32>} : memref<512xf32, #tpu.memory_space<vmem>>, vector<16xf32>,
    %get3A_903 = arith.constant 480 : index
    %get3A_904 = tpu.vector_load %arg11[%get3A_903] {strides = array<i32>} : memref<512xf32, #tpu.memory_space<vmem>>, vector<16xf32>,
    %get3A_905 = vector.shape_cast %get3A_904 : vector<16xf32> to vector<16xf32>
    %mul3A_906 = arith.constant 2.000000e-02 : f32
    %mul3A_907 = vector.broadcast %mul3A_906 : f32 to vector<16xf32>
    %mul3A_908 = arith.mulf %get3A_905, %mul3A_907 : vector<16xf32>
    %swap3A_909 = arith.constant 480 : index
    %swap3A_910 = tpu.vector_load %arg11[%swap3A_909] {strides = array<i32>} : memref<512xf32, #tpu.memory_space<vmem>>, vector<16xf32>,
    %swap3A_911 = vector.shape_cast %swap3A_910 : vector<16xf32> to vector<16xf32>
    %swap3A_912 = vector.shape_cast %mul3A_908 : vector<16xf32> to vector<16xf32>
    tpu.vector_store %arg11[%swap3A_909], %swap3A_912 {strides = array<i32>} : memref<512xf32, #tpu.memory_space<vmem>>, vector<16xf32>,
    %get3A_913 = arith.constant 496 : index
    %get3A_914 = tpu.vector_load %arg10[%get3A_913] {strides = array<i32>} : memref<512xf32, #tpu.memory_space<vmem>>, vector<16xf32>,
    %get3A_915 = vector.shape_cast %get3A_914 : vector<16xf32> to vector<16xf32>
    %mul3A_916 = arith.constant 2.000000e-02 : f32
    %mul3A_917 = vector.broadcast %mul3A_916 : f32 to vector<16xf32>
    %mul3A_918 = arith.mulf %get3A_915, %mul3A_917 : vector<16xf32>
    %swap3A_919 = arith.constant 496 : index
    %swap3A_920 = tpu.vector_load %arg10[%swap3A_919] {strides = array<i32>} : memref<512xf32, #tpu.memory_space<vmem>>, vector<16xf32>,
    %swap3A_921 = vector.shape_cast %swap3A_920 : vector<16xf32> to vector<16xf32>
    %swap3A_922 = vector.shape_cast %mul3A_918 : vector<16xf32> to vector<16xf32>
    tpu.vector_store %arg10[%swap3A_919], %swap3A_922 {strides = array<i32>} : memref<512xf32, #tpu.memory_space<vmem>>, vector<16xf32>,
    %get3A_923 = arith.constant 496 : index
    %get3A_924 = tpu.vector_load %arg11[%get3A_923] {strides = array<i32>} : memref<512xf32, #tpu.memory_space<vmem>>, vector<16xf32>,
    %get3A_925 = vector.shape_cast %get3A_924 : vector<16xf32> to vector<16xf32>
    %mul3A_926 = arith.constant 2.000000e-02 : f32
    %mul3A_927 = vector.broadcast %mul3A_926 : f32 to vector<16xf32>
    %mul3A_928 = arith.mulf %get3A_925, %mul3A_927 : vector<16xf32>
    %swap3A_929 = arith.constant 496 : index
    %swap3A_930 = tpu.vector_load %arg11[%swap3A_929] {strides = array<i32>} : memref<512xf32, #tpu.memory_space<vmem>>, vector<16xf32>,
    %swap3A_931 = vector.shape_cast %swap3A_930 : vector<16xf32> to vector<16xf32>
    %swap3A_932 = vector.shape_cast %mul3A_928 : vector<16xf32> to vector<16xf32>
    tpu.vector_store %arg11[%swap3A_929], %swap3A_932 {strides = array<i32>} : memref<512xf32, #tpu.memory_space<vmem>>, vector<16xf32>,
    %run_scoped3A = arith.constant 0 : i32
    "tpu.region"() ({
      %run_scoped3A_934 = tpu.sem_alloc : memref<!tpu.dma_semaphore, #tpu.memory_space<semaphore_mem>>
      %dma_start3A_935 = tpu.memref_slice %arg4[%run_scoped3A, %mul3A_2] : memref<2x16384xf32, #tpu.memory_space<hbm>> -> memref<1x512xf32, #tpu.memory_space<hbm>>
      %dma_start3A_936 = tpu.memref_squeeze %dma_start3A_935 : memref<1x512xf32, #tpu.memory_space<hbm>> -> memref<512xf32, #tpu.memory_space<hbm>>
      %dma_start3A_937 = tpu.memref_slice %arg4[%run_scoped3A, %mul3A_2] : memref<2x16384xf32, #tpu.memory_space<hbm>> -> memref<1x512xf32, #tpu.memory_space<hbm>>
      %dma_start3A_938 = tpu.memref_squeeze %dma_start3A_937 : memref<1x512xf32, #tpu.memory_space<hbm>> -> memref<512xf32, #tpu.memory_space<hbm>>
      tpu.enqueue_dma source(%arg10 : memref<512xf32, #tpu.memory_space<vmem>>) target(%dma_start3A_938 : memref<512xf32, #tpu.memory_space<hbm>>) target_semaphore(%run_scoped3A_934 : memref<!tpu.dma_semaphore, #tpu.memory_space<semaphore_mem>>)
      %dma_wait3A = tpu.memref_slice %arg4[%run_scoped3A, %mul3A_2] : memref<2x16384xf32, #tpu.memory_space<hbm>> -> memref<1x512xf32, #tpu.memory_space<hbm>>
      %dma_wait3A_939 = tpu.memref_squeeze %dma_wait3A : memref<1x512xf32, #tpu.memory_space<hbm>> -> memref<512xf32, #tpu.memory_space<hbm>>
      %dma_wait3A_940 = tpu.memref_slice %arg4[%run_scoped3A, %mul3A_2] : memref<2x16384xf32, #tpu.memory_space<hbm>> -> memref<1x512xf32, #tpu.memory_space<hbm>>
      %dma_wait3A_941 = tpu.memref_squeeze %dma_wait3A_940 : memref<1x512xf32, #tpu.memory_space<hbm>> -> memref<512xf32, #tpu.memory_space<hbm>>
      tpu.wait_dma2 semaphore(%run_scoped3A_934 : memref<!tpu.dma_semaphore, #tpu.memory_space<semaphore_mem>>) src(%arg10 : memref<512xf32, #tpu.memory_space<vmem>>) dst(%dma_wait3A_941 : memref<512xf32, #tpu.memory_space<hbm>>)
      tpu.yield
    }) : () -> ()
    %run_scoped3A_933 = arith.constant 1 : i32
    "tpu.region"() ({
      %run_scoped3A_934 = tpu.sem_alloc : memref<!tpu.dma_semaphore, #tpu.memory_space<semaphore_mem>>
      %dma_start3A_935 = tpu.memref_slice %arg4[%run_scoped3A_933, %mul3A_2] : memref<2x16384xf32, #tpu.memory_space<hbm>> -> memref<1x512xf32, #tpu.memory_space<hbm>>
      %dma_start3A_936 = tpu.memref_squeeze %dma_start3A_935 : memref<1x512xf32, #tpu.memory_space<hbm>> -> memref<512xf32, #tpu.memory_space<hbm>>
      %dma_start3A_937 = tpu.memref_slice %arg4[%run_scoped3A_933, %mul3A_2] : memref<2x16384xf32, #tpu.memory_space<hbm>> -> memref<1x512xf32, #tpu.memory_space<hbm>>
      %dma_start3A_938 = tpu.memref_squeeze %dma_start3A_937 : memref<1x512xf32, #tpu.memory_space<hbm>> -> memref<512xf32, #tpu.memory_space<hbm>>
      tpu.enqueue_dma source(%arg11 : memref<512xf32, #tpu.memory_space<vmem>>) target(%dma_start3A_938 : memref<512xf32, #tpu.memory_space<hbm>>) target_semaphore(%run_scoped3A_934 : memref<!tpu.dma_semaphore, #tpu.memory_space<semaphore_mem>>)
      %dma_wait3A = tpu.memref_slice %arg4[%run_scoped3A_933, %mul3A_2] : memref<2x16384xf32, #tpu.memory_space<hbm>> -> memref<1x512xf32, #tpu.memory_space<hbm>>
      %dma_wait3A_939 = tpu.memref_squeeze %dma_wait3A : memref<1x512xf32, #tpu.memory_space<hbm>> -> memref<512xf32, #tpu.memory_space<hbm>>
      %dma_wait3A_940 = tpu.memref_slice %arg4[%run_scoped3A_933, %mul3A_2] : memref<2x16384xf32, #tpu.memory_space<hbm>> -> memref<1x512xf32, #tpu.memory_space<hbm>>
      %dma_wait3A_941 = tpu.memref_squeeze %dma_wait3A_940 : memref<1x512xf32, #tpu.memory_space<hbm>> -> memref<512xf32, #tpu.memory_space<hbm>>
      tpu.wait_dma2 semaphore(%run_scoped3A_934 : memref<!tpu.dma_semaphore, #tpu.memory_space<semaphore_mem>>) src(%arg11 : memref<512xf32, #tpu.memory_space<vmem>>) dst(%dma_wait3A_941 : memref<512xf32, #tpu.memory_space<hbm>>)
      tpu.yield
    }) : () -> ()
    return
  }
}

module attributes {stable_mosaic.version = 14 : i64} {
  func.func @_proj_body(%arg0: i32, %arg1: memref<64x32768xf32, #tpu.memory_space<vmem>>, %arg2: memref<2x64xf32, #tpu.memory_space<vmem>>, %arg3: memref<2x1xf32, #tpu.memory_space<vmem>>, %arg4: memref<256x128xi32, #tpu.memory_space<vmem>>) attributes {dimension_semantics = [#tpu.dimension_semantics<arbitrary>], iteration_bounds = array<i64: 31>, scalar_prefetch = 0 : i64, scratch_operands = 0 : i64, tpu.core_type = #tpu.core_type<tc>, window_params = [{transform_indices = @transform_0, window_bounds = array<i64: 64, 32768>}, {pipeline_mode = #tpu.pipeline_mode<synchronous>, transform_indices = @transform_1, window_bounds = array<i64: 2, 64>}, {pipeline_mode = #tpu.pipeline_mode<synchronous>, transform_indices = @transform_2, window_bounds = array<i64: 2, 1>}, {transform_indices = @transform_3, window_bounds = array<i64: 256, 128>}]} {
    %get3A = arith.constant 0 : index
    %get3A_0 = arith.constant 0 : index
    %get3A_1 = vector.load %arg2[%get3A, %get3A_0] : memref<2x64xf32, #tpu.memory_space<vmem>>, vector<2x64xf32>
    %get3A_2 = arith.constant 0 : index
    %get3A_3 = arith.constant 0 : index
    %get3A_4 = vector.load %arg1[%get3A_2, %get3A_3] : memref<64x32768xf32, #tpu.memory_space<vmem>>, vector<64x32768xf32>
    %dot_general3A = arith.constant dense<0.000000e+00> : vector<2x32768xf32>
    %dot_general3A_5 = tpu.matmul %get3A_1, %get3A_4, %dot_general3A {dimension_numbers = #tpu.dot_dimension_numbers<[1], [0], [0], [1], [0, 0, 1, 1], [], []>, transpose_lhs_hint = false} : vector<2x64xf32>, vector<64x32768xf32>, vector<2x32768xf32> -> vector<2x32768xf32>
    %get3A_6 = arith.constant 0 : index
    %get3A_7 = arith.constant 0 : index
    %get3A_8 = vector.load %arg3[%get3A_6, %get3A_7] : memref<2x1xf32, #tpu.memory_space<vmem>>, vector<2x1xf32>
    %add3A = vector.broadcast %get3A_8 : vector<2x1xf32> to vector<2x32768xf32>
    %add3A_9 = arith.addf %dot_general3A_5, %add3A : vector<2x32768xf32>
    %convert_element_type3A = arith.truncf %add3A_9 : vector<2x32768xf32> to vector<2x32768xbf16>
    %bitcast_convert_type3A = tpu.bitcast %convert_element_type3A : vector<2x32768xbf16> -> vector<2x32768xi16>
    %convert_element_type3A_10 = arith.extui %bitcast_convert_type3A : vector<2x32768xi16> to vector<2x32768xi32>
    %slice3A = vector.extract_strided_slice %convert_element_type3A_10 {offsets = [1, 0], sizes = [1, 32768], strides = [1, 1]} : vector<2x32768xi32> to vector<1x32768xi32>
    %shift_left3A = arith.constant 16 : i32
    %shift_left3A_11 = vector.broadcast %shift_left3A : i32 to vector<1x32768xi32>
    %shift_left3A_12 = arith.shli %slice3A, %shift_left3A_11 : vector<1x32768xi32>
    %slice3A_13 = vector.extract_strided_slice %convert_element_type3A_10 {offsets = [0, 0], sizes = [1, 32768], strides = [1, 1]} : vector<2x32768xi32> to vector<1x32768xi32>
    %or3A = arith.ori %shift_left3A_12, %slice3A_13 : vector<1x32768xi32>
    %reshape3A = vector.shape_cast %or3A : vector<1x32768xi32> to vector<256x128xi32>
    %swap3A = arith.constant 0 : index
    %swap3A_14 = arith.constant 0 : index
    %swap3A_15 = vector.load %arg4[%swap3A, %swap3A_14] : memref<256x128xi32, #tpu.memory_space<vmem>>, vector<256x128xi32>
    tpu.vector_store %arg4[%swap3A, %swap3A_14], %reshape3A {strides = array<i32>} : memref<256x128xi32, #tpu.memory_space<vmem>>, vector<256x128xi32>,
    return
  }
  func.func @transform_0(%arg0: i32) -> (i32, i32) {
    %c0_i32 = arith.constant 0 : i32
    %c0_i32_0 = arith.constant 0 : i32
    return %c0_i32, %arg0 : i32, i32
  }
  func.func @transform_1(%arg0: i32) -> (i32, i32) {
    %c0_i32 = arith.constant 0 : i32
    %c0_i32_0 = arith.constant 0 : i32
    %c0_i32_1 = arith.constant 0 : i32
    return %c0_i32, %c0_i32_0 : i32, i32
  }
  func.func @transform_2(%arg0: i32) -> (i32, i32) {
    %c0_i32 = arith.constant 0 : i32
    %c0_i32_0 = arith.constant 0 : i32
    %c0_i32_1 = arith.constant 0 : i32
    return %c0_i32, %c0_i32_0 : i32, i32
  }
  func.func @transform_3(%arg0: i32) -> (i32, i32) {
    %c0_i32 = arith.constant 0 : i32
    %c0_i32_0 = arith.constant 0 : i32
    return %arg0, %c0_i32 : i32, i32
  }
}

</mosaic_0001>

<sc_bundles>
// kernel: kernel.4.cloned.1.call-start
scs
__scs_entry_jumppad:
0x0: {  	(pc) =	sbr.rel $0x88, $3  }
0x1: {  	(tag) =	ssettag $0x0;
	lr =	simm.s32 $0x1  }
0x2: {  	[smem:$0x3F9D] =	sst lr;
	_ =	strace $0xD0000000  }
0x3: {  	_ = 	snop  }
0x4: {  	_ = 	snop  }
0x5: {  	_ = 	snop  }
0x6: {  	_ = 	snop  }
0x7: {  	_ = 	snop  }
__scs_overlays_trampoline_lowered:
0x8: {  	[smem:$0x3FAC] =	sst s0  }
0x9: {  	[smem:$0x3FAD] =	sst s1  }
0xa: {  	[smem:$0x3FAE] =	sst s2  }
0xb: {  	[smem:$0x3FAF] =	sst s3  }
0xc: {  	[smem:$0x3FB0] =	sst s4  }
0xd: {  	[smem:$0x3FB1] =	sst s5  }
0xe: {  	[smem:$0x3FB2] =	sst s6  }
0xf: {  	[smem:$0x3FB3] =	sst s7  }
0x10: {  	[smem:$0x3FB4] =	sst s8  }
0x11: {  	[smem:$0x3FB5] =	sst s9;
	s0 =	simm.s32 @!p0 $0x0  }
0x12: {  	s1 =	sld [smem:$0x3F9B];
	s0 =	simm.s32 @p0 $0x1  }
0x13: {  	[smem:$0x3FB6] =	sst s0;
	s0 =	simm.s32 @!p1 $0x0  }
0x14: {  	s2 =	sld [smem:$0x3F9A];
	s0 =	simm.s32 @p1 $0x1  }
0x15: {  	[smem:$0x3FB7] =	sst s0;
	s0 =	simm.s32 @!p2 $0x0  }
0x16: {  	s3 =	sld [smem:$0x3FDB];
	s0 =	simm.s32 @p2 $0x1  }
0x17: {  	s4 =	simm.s32 $0x1BF5;
	[smem:$0x3FB9] =	sst s0  }
0x18: {  	s0 =	sld [smem:$0x3F9C];
	_ =	swait.ge [sflag:s4], $0x0  }
0x19: {  	s7 =	sld [smem:$0x3F9D]  }
0x1a: {  	s8 =	sadd.s32 $0xFFFFE003, lr  }
0x1b: {  	s9 =	sadd.s32 $0xFFFFFEF7, lr;
	s5 =	simm.s32 $0xFFFFFFFF;
	p2 =	slt.u32 s8, $0xFFFFF086  }
0x1c: {  	p1 =	slt.u32 s9, $0xF7A;
	s5 =	simm.s32 @!p2 $0x0  }
0x1d: {  	s5 =	simm.s32 @p1 $0x1;
	p0 =	seq.s32 s7, s2  }
0x1e: {  	s7 =	smul.u32 @!p0 $0xF7A, s2;
	p2 =	seq.s32 @!p0 s5, $0x0  }
0x1f: {  	s9 =	smul.u32 $0xF7A, s1;
	s8 =	simm.s32 @!p0 $0x1BF5;
	p2 =	por !p2, p0  }
0x20: {  	[sflag:s8] =	ssyncset.s32 @!p0 $0xFFFFF086;
	s6 =	sadd.s32 @!p0 s3, s7;
	s7 =	simm.s32 @!p0 $0x108  }
0x21: {  	s3 =	sadd.s32 s3, s9;
	s6 =	sadd.s32 @!p0 $0x88, s6;
	s7 =	simm.s32 @p2 $0x1082  }
0x22: {  	[simem:s7], [sflag:s8] =	dma.local @!p0 [hbm:s6], $0xF7A  }
0x23: {  	s9 =	sor.u32 $0xD0000000, s2;
	s6 =	simm.s32 $0x108;
	_ =	swait.ge @!p0 [sflag:s8], $0x0  }
0x24: {  	s3 =	sadd.s32 $0x88, s3;
	s6 =	simm.s32 @!p1 $0x1082;
	[sflag:s4] =	ssyncset.s32 $0xFFFFF086  }
0x25: {  	[simem:s6], [sflag:s4] =	dma.local [hbm:s3], $0xF7A  }
0x26: {  	[smem:$0x3F9D] =	sst s1;
	(tag) =	ssettag s2;
	_ =	strace s9  }
0x27: {  	s1 =	sld [smem:$0x3FAD]  }
0x28: {  	s2 =	sld [smem:$0x3FAE]  }
0x29: {  	s4 =	sld [smem:$0x3FB0]  }
0x2a: {  	p0 =	seq.s32 s5, $0x0;
	s5 =	sld [smem:$0x3FB1]  }
0x2b: {  	s6 =	sld [smem:$0x3FB2]  }
0x2c: {  	s7 =	sld [smem:$0x3FB3]  }
0x2d: {  	s3 =	simm.s32 $0x108;
	s8 =	sld [smem:$0x3FB4]  }
0x2e: {  	s3 =	simm.s32 @!p0 $0x1082;
	s9 =	sld [smem:$0x3FB5]  }
0x2f: {  	lr =	sadd.s32 s0, s3;
	s0 =	sld [smem:$0x3FAC]  }
0x30: {  	s3 =	sld [smem:$0x3FAF]  }
0x31: {  	[smem:$0x3FB8] =	sst s10  }
0x32: {  	s10 =	sld [smem:$0x3FB6];
	_ =	sdelay $0x3  }
0x33: {  	p0 =	seq.s32 s10, $0x1;
	s10 =	sld [smem:$0x3FB8];
	_ =	sdelay $0x3  }
0x34: {  	[smem:$0x3FB8] =	sst s10  }
0x35: {  	s10 =	sld [smem:$0x3FB7];
	_ =	sdelay $0x3  }
0x36: {  	p1 =	seq.s32 s10, $0x1;
	s10 =	sld [smem:$0x3FB8];
	_ =	sdelay $0x3  }
0x37: {  	[smem:$0x3FB8] =	sst s10  }
0x38: {  	s10 =	sld [smem:$0x3FB9]  }
0x39: {  	_ = 	snop;
	(pc) =	sbr.ind lr, $3  }
0x3a: {  	_ = 	snop  }
0x3b: {  	_ = 	snop  }
0x3c: {  	p2 =	seq.s32 s10, $0x1;
	s10 =	sld [smem:$0x3FB8]  }
0x3d: {  	_ =	shalt  }
0x3e: {  	_ =	shalt  }
0x3f: {  	_ =	shalt  }
0x40: {  	_ =	shalt  }
0x41: {  	_ =	shalt  }
0x42: {  	_ =	shalt  }
0x43: {  	_ =	shalt  }
0x44: {  	_ =	shalt  }
0x45: {  	_ =	shalt  }
0x46: {  	_ =	shalt  }
0x47: {  	_ =	shalt  }
0x48: {  	_ =	shalt  }
0x49: {  	_ =	shalt  }
0x4a: {  	_ =	shalt  }
0x4b: {  	_ =	shalt  }
0x4c: {  	_ =	shalt  }
0x4d: {  	_ =	shalt  }
0x4e: {  	_ =	shalt  }
0x4f: {  	_ =	shalt  }
0x50: {  	_ =	shalt  }
0x51: {  	_ =	shalt  }
0x52: {  	_ =	shalt  }
0x53: {  	_ =	shalt  }
0x54: {  	_ =	shalt  }
0x55: {  	_ =	shalt  }
0x56: {  	_ =	shalt  }
0x57: {  	_ =	shalt  }
0x58: {  	_ =	shalt  }
0x59: {  	_ =	shalt  }
0x5a: {  	_ =	shalt  }
0x5b: {  	_ =	shalt  }
0x5c: {  	_ =	shalt  }
0x5d: {  	_ =	shalt  }
0x5e: {  	_ =	shalt  }
0x5f: {  	_ =	shalt  }
0x60: {  	_ =	shalt  }
0x61: {  	_ =	shalt  }
0x62: {  	_ =	shalt  }
0x63: {  	_ =	shalt  }
0x64: {  	_ =	shalt  }
0x65: {  	_ =	shalt  }
0x66: {  	_ =	shalt  }
0x67: {  	_ =	shalt  }
0x68: {  	_ =	shalt  }
0x69: {  	_ =	shalt  }
0x6a: {  	_ =	shalt  }
0x6b: {  	_ =	shalt  }
0x6c: {  	_ =	shalt  }
0x6d: {  	_ =	shalt  }
0x6e: {  	_ =	shalt  }
0x6f: {  	_ =	shalt  }
0x70: {  	_ =	shalt  }
0x71: {  	_ =	shalt  }
0x72: {  	_ =	shalt  }
0x73: {  	_ =	shalt  }
0x74: {  	_ =	shalt  }
0x75: {  	_ =	shalt  }
0x76: {  	_ =	shalt  }
0x77: {  	_ =	shalt  }
0x78: {  	_ =	shalt  }
0x79: {  	_ =	shalt  }
0x7a: {  	_ =	shalt  }
0x7b: {  	_ =	shalt  }
0x7c: {  	_ =	shalt  }
0x7d: {  	_ =	shalt  }
0x7e: {  	_ =	shalt  }
0x7f: {  	_ =	shalt  }
0x80: {  	_ =	shalt  }
0x81: {  	_ =	shalt  }
0x82: {  	_ =	shalt  }
0x83: {  	_ =	shalt  }
0x84: {  	_ =	shalt  }
0x85: {  	_ =	shalt  }
0x86: {  	_ =	shalt  }
0x87: {  	_ =	shalt  }
.Lfunc_end0:
.L_simem_size_0:
called_computation_lowered:
.L_overlay_start_0:
0x88: {  	s2 =	sld [smem:$0x3FD9]  }
0x89: {  	s3 =	sld [smem:$0x3FFE];
	_ =	sdelay $0x1  }
0x8a: {  	s1 =	srdreg.scid  }
0x8b: {  	s0 =	sand.u32 $0x1, s1  }
0x8c: {  	s16 =	sshll.u32 s0, $0xA;
	s2 =	sadd.s32 s3, s2  }
0x8d: {  	s2 =	sadd.s32 s2, s16  }
0x8e: {  	[smem:$0x3FC4] =	sst s2  }
0x8f: {  	_ = 	snop  }
0x90: {  	(tm) =	ssettm $0x1  }
0x91: {  	s17 =	sld [smem:$0x3FFB];
	_ =	sdelay $0x3  }
0x92: {  	_ =	strace s17  }
0x93: {  	s2 =	sld [smem:$0x3FFC];
	_ =	sdelay $0x3  }
0x94: {  	_ =	strace s2  }
0x95: {  	s2 =	sld [smem:$0x3FFD];
	_ =	sdelay $0x3  }
0x96: {  	_ =	strace s2  }
0x97: {  	_ =	strace $0x8FFFFFFF  }
0x98: {  	s18 =	sld [smem:$0x3FDB];
	_ =	sdelay $0x1  }
0x99: {  	s19 =	simm.s32 $_scs_section_size  }
0x9a: {  	s4 =	simm.s32 $_size__tile_overlayer_lowered;
	s5 =	simm.s32 $_tile_overlayer_lowered  }
0x9b: {  	s22 =	simm.s32 $0x1BFF;
	s21 =	sshll.u32 s5, $0x1;
	s2 =	sadd.s32 s19, s18  }
0x9c: {  	s6 =	simm.s32 $0x0;
	s20 =	sshll.u32 s4, $0x1;
	s4 =	sadd.s32 s21, s2  }
0x9d: {  	[timem:s6], [sflag:s22] =	dma.local [hbm:s4], s20  }
0x9e: {  	_ =	swait.ge [sflag:s22], s20  }
0x9f: {  	s3 =	ssub.s32 $0x0, s20;
	[sflag:s22] =	ssyncset.done $0x0  }
0xa0: {  	[sflag:s22] =	ssyncadd.s32 s3;
	_ =	sdelay $0x1  }
0xa1: {  	s23 =	simm.s32 $0x1B8B  }
0xa2: {  	_ =	swait.ge [sflag:s23], $0x1  }
0xa3: {  	[sflag:s23] =	ssyncset.done $0x0  }
0xa4: {  	s25 =	simm.s32 $0x1B8E;
	s24 =	sld [smem:$0x3FFE];
	[sflag:s23] =	ssyncadd.s32 $0xFFFFFFFF  }
0xa5: {  	s26 =	simm.s32 $execute0_lowered;
	[smem:$0x3FD2] =	sst s25  }
0xa6: {  	s4 =	sshll.u32 s26, $0x1;
	_ =	strace $0x80000046;
	[dreg:$0x1] =	wrdreg $0xFFFFFFFF  }
0xa7: {  	s28 =	simm.s32 $_size_execute0_lowered;
	s2 =	sadd.s32 s2, s4;
	[dreg:$0x0] =	wrdreg $0x0  }
0xa8: {  	s4 =	sshll.u32 s28, $0x1;
	[dreg:$0x2] =	wrdreg s2  }
0xa9: {  	[dreg:$0x3] =	wrdreg s4  }
0xaa: {  	[dreg:$0x4] =	wrdreg $0xC0  }
0xab: {  	_ =	task [dreg:s6], $0x5FFFF  }
0xac: {  	[dreg:$0x1] =	wrdreg $0xFFFFFFFF  }
0xad: {  	[dreg:$0x0] =	wrdreg $0x60  }
0xae: {  	[dreg:$0x2] =	wrdreg s24  }
0xaf: {  	[dreg:$0x3] =	wrdreg $0x6A000  }
0xb0: {  	[dreg:$0x4] =	wrdreg $0x9  }
0xb1: {  	_ =	task.clear_ibuf [dreg:s6], $0x5FFFF;
	_ =	strace $0x90000046  }
0xb2: {  	s29 =	simm.s32 $0x9;
	_ =	strace $0x80000048  }
0xb3: {  	_ =	swait.ge [sflag:s29], $0x1  }
0xb4: {  	[sflag:s29] =	ssyncadd.s32 $0xFFFFFFFF  }
0xb5: {  	_ =	strace $0x90000048  }
0xb6: {  	_ =	sfence  }
0xb7: {  	s30 =	sld [smem:$0x0];
	_ =	sdelay $0x2  }
0xb8: {  	s31 =	sshll.u32 s1, $0xD;
	s1 =	sshrl.u32 s1, $0x2  }
0xb9: {  	s3 =	sand.u32 $0x4000, s31;
	s1 =	sadd.s32 s1, s30  }
0xba: {  	s0 =	sor.u32 s3, s0;
	s1 =	sshll.u32 s1, $0x11  }
0xbb: {  	s0 =	sor.u32 s1, s0  }
0xbc: {  	s0 =	sadd.s32 $0x8F2B, s0  }
0xbd: {  	[sflag:s0] =	ssyncadd.remote.s32 $0x1  }
0xbe: {  	_ =	sfence.sel $0xFFFF  }
0xbf: {  	[dreg:$0x0] =	wrdreg $0xFFFFFFFF;
	(pc) =	sbr.abs _section_cstart, $3  }
0xc0: {  	[dreg:$0x1] =	wrdreg $0xFFFFFFFF  }
0xc1: {  	_ =	task.clear_ibuf [dreg:s6], $0x2FFFF;
	_ =	strace $0x9FFFFFFF  }
0xc2: {  	(tm) =	ssettm $0x7FFFFFFF  }
0xc3: {  	_ =	shalt  }
tec
execute0_lowered:
.L_overlay_start_1:
0x0: {  	(tag) =	ssettag $0x1  }
0x1: {  	s0 =	rddreg [dreg:$0x0]  }
0x2: {  	s2 =	rddreg [dreg:$0x1];
	s20 =	simm.s32 $0x0  }
0x3: {  	s7 =	stileid.u32;
	s1 =	srdreg.scid;
	s31 =	simm.s32 $0x3  }
0x4: {  	s9 =	simm.s32 $0x4;
	s8 =	simm.s32 $0x6770;
	s10 =	simm.s32 $0x6970  }
0x5: {  	s11 =	simm.s32 $0x6780;
	s12 =	simm.s32 $0x6980;
	s16 =	simm.s32 $0x6990  }
0x6: {  	s15 =	simm.s32 $0x67A0;
	s28 =	simm.s32 $0x67B0;
	s29 =	simm.s32 $0x69B0  }
0x7: {  	s30 =	simm.s32 $0x67C0;
	s13 =	simm.s32 $0x69D0;
	s14 =	simm.s32 $0x67E0  }
0x8: {  	s17 =	simm.s32 $0x69E0;
	s18 =	simm.s32 $0x67F0;
	[smem:$0x7FF] =	sst s20  }
0x9: {  	s3 =	smul.u32 $0xF480, s7;
	s1 =	sand.u32 $0x1, s1;
	s5 =	sshll.u32 s7, $0x6  }
0xa: {  	p0 =	seq.s32 s7, $0xF;
	_ =	strace $0x80000047;
	s4 =	sshll.u32 s1, $0xA  }
0xb: {  	s1 =	ssub.s32 $0x2, s1;
	s6 =	sshrl.u32 s3, $0x3;
	s4 =	sor.u32 s5, s4  }
0xc: {  	s21 =	sadd.s32 s6, s0;
	s4 =	sadd.s32 s4, s0;
	s0 =	sadd.s32 $0x36270, s0  }
0xd: {  	s22 =	sshrl.u32 s1, $0x1;
	s5 =	sadd.s32 $0x19800, s21;
	[dreg:$0x4] =	wrdreg s0  }
0xe: {  	s3 =	sadd.s32 s3, s2;
	s23 =	sadd.s32 $0x800, s4;
	[dreg:$0x3] =	wrdreg s5  }
0xf: {  	s1 =	ssub.s32 s1, s22;
	s24 =	sadd.s32 $0x38200, s4;
	[dreg:$0x5] =	wrdreg s23  }
0x10: {  	s22 =	simm.s32 $0x2;
	s25 =	sadd.s32 $0x38A00, s4;
	[dreg:$0x6] =	wrdreg s24  }
0x11: {  	s6 =	simm.s32 $0x6760;
	s26 =	smax.u32 s1, $0x1;
	[dreg:$0x7] =	wrdreg s25  }
0x12: {  	s1 =	simm.s32 $0x67D0;
	s5 =	sadd.s32 $0xE5380, s2;
	[dreg:$0x8] =	wrdreg s26  }
0x13: {  	s24 =	simm.s32 $0x5;
	s23 =	simm.s32 $0x1;
	s0 =	sshrl.u32 @p0 s5, $0x3  }
0x14: {  	s26 =	simm.s32 $0x69A0;
	[dreg:$0x9] =	wrdreg s0;
	s0 =	sshll.u32 @!p0 s7, $0x6  }
0x15: {  	s25 =	simm.s32 $0x69F0;
	s5 =	simm.s32 $0x6950;
	s0 =	sor.u32 @!p0 $0x1C05, s0  }
0x16: {  	s7 =	simm.s32 $0x6960;
	[dreg:$0xa] =	wrdreg s0;
	s0 =	sshrl.u32 @!p0 s3, $0x3  }
0x17: {  	v0 =	vimm.f32 $0.0e+00;
	s3 =	simm.s32 $0x6790;
	[dreg:$0xb] =	wrdreg s0;
	s0 =	simm.s32 $0x0  }
.LBB2_1:
0x18: {  	[dreg:$0xc] =	wrdreg s0  }
0x19: {  	s4 =	rddreg [dreg:$0x4]  }
0x1a: {  	s19 =	simm.s32 @p0 $0x1FC5;
	s21 =	rddreg [dreg:$0x9]  }
0x1b: {  	[spmem:s21], [sflag:s19] =	dma.local @p0 [hbm:s4], $0x1DE0  }
0x1c: {  	s19 =	simm.s32 @p0 $0x5  }
0x1d: {  	_ =	swait.ge @p0 [sflag:s19], $0x1DE0  }
0x1e: {  	s4 =	rddreg [dreg:$0x3]  }
0x1f: {  	[sflag:s19] =	ssyncset.done @p0 $0x0;
	s21 =	rddreg [dreg:$0xb]  }
0x20: {  	[sflag:s19] =	ssyncadd.s32 @p0 $0xFFFFE220;
	s19 =	rddreg [dreg:$0xa]  }
0x21: {  	[spmem:s21], [sflag:s19] =	dma.local @!p0 [hbm:s4], $0x1E90  }
0x22: {  	s19 =	simm.s32 @!p0 $0x5  }
0x23: {  	_ =	swait.ge @!p0 [sflag:s19], $0x1E90  }
0x24: {  	s0 =	simm.s32 $0x4000;
	[sflag:s19] =	ssyncset.done @!p0 $0x0  }
0x25: {  	s21 =	simm.s32 $0x200;
	[sflag:s19] =	ssyncadd.s32 @!p0 $0xFFFFE170;
	s19 =	rddreg [dreg:$0x5]  }
0x26: {  	[tilespmem:s20], [sflag:$0x5] =	stream.strided.gather [hbm4b:s19+s21], $0x6400, s0, s21, $0x38;
	[tilespmem:$0x15E28] =	vst v63  }
0x27: {  	_ =	swait.ge [sflag:s24], $0x6400  }
0x28: {  	[sflag:s24] =	ssyncset.done $0x0  }
0x29: {  	[sflag:s24] =	ssyncadd.s32 $0xFFFF9C00  }
0x2a: {  	[tilespmem:$0x6600] =	vst v0  }
0x2b: {  	[tilespmem:$0x6800] =	vst v0  }
0x2c: {  	[tilespmem:$0x6610] =	vst v0  }
0x2d: {  	[tilespmem:$0x6810] =	vst v0  }
0x2e: {  	[tilespmem:$0x6620] =	vst v0  }
0x2f: {  	[tilespmem:$0x6820] =	vst v0  }
0x30: {  	[tilespmem:$0x6630] =	vst v0  }
0x31: {  	[tilespmem:$0x6830] =	vst v0  }
0x32: {  	[tilespmem:$0x6640] =	vst v0  }
0x33: {  	[tilespmem:$0x6840] =	vst v0  }
0x34: {  	[tilespmem:$0x6650] =	vst v0  }
0x35: {  	[tilespmem:$0x6850] =	vst v0  }
0x36: {  	[tilespmem:$0x6660] =	vst v0  }
0x37: {  	[tilespmem:$0x6860] =	vst v0  }
0x38: {  	[tilespmem:$0x6670] =	vst v0  }
0x39: {  	[tilespmem:$0x6870] =	vst v0  }
0x3a: {  	[tilespmem:$0x6680] =	vst v0  }
0x3b: {  	[tilespmem:$0x6880] =	vst v0  }
0x3c: {  	[tilespmem:$0x6690] =	vst v0  }
0x3d: {  	[tilespmem:$0x6890] =	vst v0  }
0x3e: {  	[tilespmem:$0x66A0] =	vst v0  }
0x3f: {  	[tilespmem:$0x68A0] =	vst v0  }
0x40: {  	[tilespmem:$0x66B0] =	vst v0  }
0x41: {  	[tilespmem:$0x68B0] =	vst v0  }
0x42: {  	[tilespmem:$0x66C0] =	vst v0  }
0x43: {  	[tilespmem:$0x68C0] =	vst v0  }
0x44: {  	[tilespmem:$0x66D0] =	vst v0  }
0x45: {  	[tilespmem:$0x68D0] =	vst v0  }
0x46: {  	[tilespmem:$0x66E0] =	vst v0  }
0x47: {  	[tilespmem:$0x68E0] =	vst v0  }
0x48: {  	[tilespmem:$0x66F0] =	vst v0  }
0x49: {  	[tilespmem:$0x68F0] =	vst v0  }
0x4a: {  	[tilespmem:$0x6700] =	vst v0  }
0x4b: {  	[tilespmem:$0x6900] =	vst v0  }
0x4c: {  	[tilespmem:$0x6710] =	vst v0  }
0x4d: {  	[tilespmem:$0x6910] =	vst v0  }
0x4e: {  	[tilespmem:$0x6720] =	vst v0  }
0x4f: {  	[tilespmem:$0x6920] =	vst v0  }
0x50: {  	[tilespmem:$0x6730] =	vst v0  }
0x51: {  	[tilespmem:$0x6930] =	vst v0  }
0x52: {  	[tilespmem:$0x6740] =	vst v0  }
0x53: {  	[tilespmem:$0x6940] =	vst v0  }
0x54: {  	[tilespmem:$0x6750] =	vst v0  }
0x55: {  	[tilespmem:$0x6950] =	vst v0  }
0x56: {  	[tilespmem:$0x6760] =	vst v0  }
0x57: {  	[tilespmem:$0x6960] =	vst v0  }
0x58: {  	[tilespmem:$0x6770] =	vst v0  }
0x59: {  	[tilespmem:$0x6970] =	vst v0  }
0x5a: {  	[tilespmem:$0x6780] =	vst v0  }
0x5b: {  	[tilespmem:$0x6980] =	vst v0  }
0x5c: {  	[tilespmem:$0x6790] =	vst v0  }
0x5d: {  	[tilespmem:$0x6990] =	vst v0  }
0x5e: {  	[tilespmem:$0x67A0] =	vst v0  }
0x5f: {  	[tilespmem:$0x69A0] =	vst v0  }
0x60: {  	[tilespmem:$0x67B0] =	vst v0  }
0x61: {  	[tilespmem:$0x69B0] =	vst v0  }
0x62: {  	[tilespmem:$0x67C0] =	vst v0  }
0x63: {  	[tilespmem:$0x69C0] =	vst v0  }
0x64: {  	[tilespmem:$0x67D0] =	vst v0  }
0x65: {  	[tilespmem:$0x69D0] =	vst v0  }
0x66: {  	[tilespmem:$0x67E0] =	vst v0  }
0x67: {  	[tilespmem:$0x69E0] =	vst v0  }
0x68: {  	[tilespmem:$0x67F0] =	vst v0  }
0x69: {  	[tilespmem:$0x69F0] =	vst v0  }
0x6a: {  	s4 =	simm.s32 $0x80;
	s0 =	simm.s32 $0x6400;
	[bflag:$0x0] =	sbarrier.arrive $0xFFFF  }
0x6b: {  	[tilespmem:s0], [sflag:$0x1] =	stream.indirect.gather [spmem:s2], $0x1, s20, s4, $0xb8;
	[tilespmem:$0x15E28] =	vst v63  }
0x6c: {  	s21 =	simm.s32 $0x6480  }
0x6d: {  	[tilespmem:s21], [sflag:$0x2] =	stream.indirect.gather [spmem:s2], $0x1, s4, s4, $0xb8;
	[tilespmem:$0x15E28] =	vst v63  }
0x6e: {  	s19 =	simm.s32 $0x0;
	s24 =	simm.s32 $0x100;
	s0 =	simm.s32 $0x6500  }
0x6f: {  	[tilespmem:s0], [sflag:$0x3] =	stream.indirect.gather [spmem:s2], $0x1, s24, s4, $0xb8;
	[tilespmem:$0x15E28] =	vst v63  }
0x70: {  	s21 =	simm.s32 $0x180;
	s24 =	simm.s32 $0x6580;
	s0 =	simm.s32 $0x69C0  }
0x71: {  	[tilespmem:s24], [sflag:$0x4] =	stream.indirect.gather [spmem:s2], $0x1, s21, s4, $0xb8;
	[tilespmem:$0x15E28] =	vst v63  }
.LBB2_2:
0x72: {  	_ =	swait.ge [sflag:s23], $0x80  }
0x73: {  	[sflag:s23] =	ssyncset.done $0x0  }
0x74: {  	[sflag:s23] =	ssyncadd.s32 $0xFFFFFF80  }
0x75: {  	v1 =	vld [tilespmem:$0x6400];
	_ =	sdelay $0x4  }
0x76: {  	s4 =	simm.s32 $0x6600;
	v2 =	vshll.u32 v1, $0x10  }
0x77: {  	s24 =	simm.s32 $0x6800;
	v1 =	vand.u32 $0xFFFF0000, v1;
	[tilespmem:s4+$0x0] =	vst.add.f32.msk $0xffff, v2  }
0x78: {  	[tilespmem:s24+$0x0] =	vst.add.f32.msk $0xffff, v1  }
0x79: {  	v1 =	vld [tilespmem:$0x6410];
	_ =	sdelay $0x4  }
0x7a: {  	s20 =	simm.s32 $0x6610;
	v2 =	vshll.u32 v1, $0x10  }
0x7b: {  	s21 =	simm.s32 $0x6810;
	v1 =	vand.u32 $0xFFFF0000, v1;
	[tilespmem:s20+$0x0] =	vst.add.f32.msk $0xffff, v2  }
0x7c: {  	[tilespmem:s21+$0x0] =	vst.add.f32.msk $0xffff, v1  }
0x7d: {  	v1 =	vld [tilespmem:$0x6420];
	_ =	sdelay $0x4  }
0x7e: {  	s24 =	simm.s32 $0x6620;
	v2 =	vshll.u32 v1, $0x10  }
0x7f: {  	s20 =	simm.s32 $0x6820;
	v1 =	vand.u32 $0xFFFF0000, v1;
	[tilespmem:s24+$0x0] =	vst.add.f32.msk $0xffff, v2  }
0x80: {  	[tilespmem:s20+$0x0] =	vst.add.f32.msk $0xffff, v1  }
0x81: {  	v1 =	vld [tilespmem:$0x6430];
	_ =	sdelay $0x4  }
0x82: {  	s21 =	simm.s32 $0x6630;
	v2 =	vshll.u32 v1, $0x10  }
0x83: {  	s24 =	simm.s32 $0x6830;
	v1 =	vand.u32 $0xFFFF0000, v1;
	[tilespmem:s21+$0x0] =	vst.add.f32.msk $0xffff, v2  }
0x84: {  	[tilespmem:s24+$0x0] =	vst.add.f32.msk $0xffff, v1  }
0x85: {  	v1 =	vld [tilespmem:$0x6440];
	_ =	sdelay $0x4  }
0x86: {  	s20 =	simm.s32 $0x6640;
	v2 =	vshll.u32 v1, $0x10  }
0x87: {  	s21 =	simm.s32 $0x6840;
	v1 =	vand.u32 $0xFFFF0000, v1;
	[tilespmem:s20+$0x0] =	vst.add.f32.msk $0xffff, v2  }
0x88: {  	[tilespmem:s21+$0x0] =	vst.add.f32.msk $0xffff, v1  }
0x89: {  	v1 =	vld [tilespmem:$0x6450];
	_ =	sdelay $0x4  }
0x8a: {  	s24 =	simm.s32 $0x6650;
	v2 =	vshll.u32 v1, $0x10  }
0x8b: {  	s20 =	simm.s32 $0x6850;
	v1 =	vand.u32 $0xFFFF0000, v1;
	[tilespmem:s24+$0x0] =	vst.add.f32.msk $0xffff, v2  }
0x8c: {  	[tilespmem:s20+$0x0] =	vst.add.f32.msk $0xffff, v1  }
0x8d: {  	v1 =	vld [tilespmem:$0x6460];
	_ =	sdelay $0x4  }
0x8e: {  	s21 =	simm.s32 $0x6660;
	v2 =	vshll.u32 v1, $0x10  }
0x8f: {  	s24 =	simm.s32 $0x6860;
	v1 =	vand.u32 $0xFFFF0000, v1;
	[tilespmem:s21+$0x0] =	vst.add.f32.msk $0xffff, v2  }
0x90: {  	[tilespmem:s24+$0x0] =	vst.add.f32.msk $0xffff, v1  }
0x91: {  	v1 =	vld [tilespmem:$0x6470];
	_ =	sdelay $0x4  }
0x92: {  	p1 =	seq.s32 s19, $0x18800;
	s20 =	simm.s32 $0x6670;
	v2 =	vshll.u32 v1, $0x10  }
0x93: {  	s21 =	simm.s32 $0x6870;
	v1 =	vand.u32 $0xFFFF0000, v1;
	[tilespmem:s20+$0x0] =	vst.add.f32.msk $0xffff, v2;
	s20 =	sshra.s32 @!p1 s19, $0x2  }
0x94: {  	s24 =	simm.s32 @!p1 $0x6400;
	[tilespmem:s21+$0x0] =	vst.add.f32.msk $0xffff, v1;
	s4 =	sadd.s32 @!p1 $0x200, s20;
	s21 =	simm.s32 @!p1 $0x80  }
0x95: {  	[tilespmem:s24], [sflag:$0x1] =	stream.indirect.gather @!p1 [spmem:s2], $0x1, s4, s21, $0xb8;
	[tilespmem:$0x15E28] =	vst v63  }
0x96: {  	_ =	swait.ge [sflag:s22], $0x80  }
0x97: {  	[sflag:s22] =	ssyncset.done $0x0  }
0x98: {  	[sflag:s22] =	ssyncadd.s32 $0xFFFFFF80  }
0x99: {  	v1 =	vld [tilespmem:$0x6480];
	_ =	sdelay $0x4  }
0x9a: {  	s24 =	simm.s32 $0x6680;
	v2 =	vshll.u32 v1, $0x10  }
0x9b: {  	v1 =	vand.u32 $0xFFFF0000, v1;
	[tilespmem:s24+$0x0] =	vst.add.f32.msk $0xffff, v2;
	s24 =	simm.s32 $0x6880  }
0x9c: {  	[tilespmem:s24+$0x0] =	vst.add.f32.msk $0xffff, v1  }
0x9d: {  	v1 =	vld [tilespmem:$0x6490];
	_ =	sdelay $0x4  }
0x9e: {  	s24 =	simm.s32 $0x6690;
	v2 =	vshll.u32 v1, $0x10  }
0x9f: {  	v1 =	vand.u32 $0xFFFF0000, v1;
	[tilespmem:s24+$0x0] =	vst.add.f32.msk $0xffff, v2;
	s24 =	simm.s32 $0x6890  }
0xa0: {  	[tilespmem:s24+$0x0] =	vst.add.f32.msk $0xffff, v1  }
0xa1: {  	v1 =	vld [tilespmem:$0x64A0];
	_ =	sdelay $0x4  }
0xa2: {  	s24 =	simm.s32 $0x66A0;
	v2 =	vshll.u32 v1, $0x10  }
0xa3: {  	v1 =	vand.u32 $0xFFFF0000, v1;
	[tilespmem:s24+$0x0] =	vst.add.f32.msk $0xffff, v2;
	s24 =	simm.s32 $0x68A0  }
0xa4: {  	[tilespmem:s24+$0x0] =	vst.add.f32.msk $0xffff, v1  }
0xa5: {  	v1 =	vld [tilespmem:$0x64B0];
	_ =	sdelay $0x4  }
0xa6: {  	s24 =	simm.s32 $0x66B0;
	v2 =	vshll.u32 v1, $0x10  }
0xa7: {  	v1 =	vand.u32 $0xFFFF0000, v1;
	[tilespmem:s24+$0x0] =	vst.add.f32.msk $0xffff, v2;
	s24 =	simm.s32 $0x68B0  }
0xa8: {  	[tilespmem:s24+$0x0] =	vst.add.f32.msk $0xffff, v1  }
0xa9: {  	v1 =	vld [tilespmem:$0x64C0];
	_ =	sdelay $0x4  }
0xaa: {  	s24 =	simm.s32 $0x66C0;
	v2 =	vshll.u32 v1, $0x10  }
0xab: {  	v1 =	vand.u32 $0xFFFF0000, v1;
	[tilespmem:s24+$0x0] =	vst.add.f32.msk $0xffff, v2;
	s24 =	simm.s32 $0x68C0  }
0xac: {  	[tilespmem:s24+$0x0] =	vst.add.f32.msk $0xffff, v1  }
0xad: {  	v1 =	vld [tilespmem:$0x64D0];
	_ =	sdelay $0x4  }
0xae: {  	s24 =	simm.s32 $0x66D0;
	v2 =	vshll.u32 v1, $0x10  }
0xaf: {  	v1 =	vand.u32 $0xFFFF0000, v1;
	[tilespmem:s24+$0x0] =	vst.add.f32.msk $0xffff, v2;
	s24 =	simm.s32 $0x68D0  }
0xb0: {  	[tilespmem:s24+$0x0] =	vst.add.f32.msk $0xffff, v1  }
0xb1: {  	v1 =	vld [tilespmem:$0x64E0];
	_ =	sdelay $0x4  }
0xb2: {  	s24 =	simm.s32 $0x66E0;
	v2 =	vshll.u32 v1, $0x10  }
0xb3: {  	v1 =	vand.u32 $0xFFFF0000, v1;
	[tilespmem:s24+$0x0] =	vst.add.f32.msk $0xffff, v2;
	s24 =	simm.s32 $0x68E0  }
0xb4: {  	[tilespmem:s24+$0x0] =	vst.add.f32.msk $0xffff, v1  }
0xb5: {  	v1 =	vld [tilespmem:$0x64F0];
	_ =	sdelay $0x4  }
0xb6: {  	s24 =	simm.s32 $0x66F0;
	v2 =	vshll.u32 v1, $0x10  }
0xb7: {  	v1 =	vand.u32 $0xFFFF0000, v1;
	[tilespmem:s24+$0x0] =	vst.add.f32.msk $0xffff, v2;
	s24 =	simm.s32 $0x68F0  }
0xb8: {  	s4 =	sadd.s32 @!p1 $0x280, s20;
	[tilespmem:s24+$0x0] =	vst.add.f32.msk $0xffff, v1;
	s24 =	simm.s32 @!p1 $0x6480  }
0xb9: {  	[tilespmem:s24], [sflag:$0x2] =	stream.indirect.gather @!p1 [spmem:s2], $0x1, s4, s21, $0xb8;
	[tilespmem:$0x15E28] =	vst v63  }
0xba: {  	_ =	swait.ge [sflag:s31], $0x80  }
0xbb: {  	[sflag:s31] =	ssyncset.done $0x0  }
0xbc: {  	[sflag:s31] =	ssyncadd.s32 $0xFFFFFF80  }
0xbd: {  	v1 =	vld [tilespmem:$0x6500];
	_ =	sdelay $0x4  }
0xbe: {  	s24 =	simm.s32 $0x6700;
	v2 =	vshll.u32 v1, $0x10  }
0xbf: {  	v1 =	vand.u32 $0xFFFF0000, v1;
	[tilespmem:s24+$0x0] =	vst.add.f32.msk $0xffff, v2;
	s24 =	simm.s32 $0x6900  }
0xc0: {  	[tilespmem:s24+$0x0] =	vst.add.f32.msk $0xffff, v1  }
0xc1: {  	v1 =	vld [tilespmem:$0x6510];
	_ =	sdelay $0x4  }
0xc2: {  	s24 =	simm.s32 $0x6710;
	v2 =	vshll.u32 v1, $0x10  }
0xc3: {  	v1 =	vand.u32 $0xFFFF0000, v1;
	[tilespmem:s24+$0x0] =	vst.add.f32.msk $0xffff, v2;
	s24 =	simm.s32 $0x6910  }
0xc4: {  	[tilespmem:s24+$0x0] =	vst.add.f32.msk $0xffff, v1  }
0xc5: {  	v1 =	vld [tilespmem:$0x6520];
	_ =	sdelay $0x4  }
0xc6: {  	s24 =	simm.s32 $0x6720;
	v2 =	vshll.u32 v1, $0x10  }
0xc7: {  	v1 =	vand.u32 $0xFFFF0000, v1;
	[tilespmem:s24+$0x0] =	vst.add.f32.msk $0xffff, v2;
	s24 =	simm.s32 $0x6920  }
0xc8: {  	[tilespmem:s24+$0x0] =	vst.add.f32.msk $0xffff, v1  }
0xc9: {  	v1 =	vld [tilespmem:$0x6530];
	_ =	sdelay $0x4  }
0xca: {  	s24 =	simm.s32 $0x6730;
	v2 =	vshll.u32 v1, $0x10  }
0xcb: {  	v1 =	vand.u32 $0xFFFF0000, v1;
	[tilespmem:s24+$0x0] =	vst.add.f32.msk $0xffff, v2;
	s24 =	simm.s32 $0x6930  }
0xcc: {  	[tilespmem:s24+$0x0] =	vst.add.f32.msk $0xffff, v1  }
0xcd: {  	v1 =	vld [tilespmem:$0x6540];
	_ =	sdelay $0x4  }
0xce: {  	s24 =	simm.s32 $0x6740;
	v2 =	vshll.u32 v1, $0x10  }
0xcf: {  	v1 =	vand.u32 $0xFFFF0000, v1;
	[tilespmem:s24+$0x0] =	vst.add.f32.msk $0xffff, v2;
	s24 =	simm.s32 $0x6940  }
0xd0: {  	[tilespmem:s24+$0x0] =	vst.add.f32.msk $0xffff, v1  }
0xd1: {  	v1 =	vld [tilespmem:$0x6550];
	_ =	sdelay $0x4  }
0xd2: {  	s24 =	simm.s32 $0x6750;
	v2 =	vshll.u32 v1, $0x10  }
0xd3: {  	v1 =	vand.u32 $0xFFFF0000, v1;
	[tilespmem:s24+$0x0] =	vst.add.f32.msk $0xffff, v2  }
0xd4: {  	[tilespmem:s5+$0x0] =	vst.add.f32.msk $0xffff, v1  }
0xd5: {  	v1 =	vld [tilespmem:$0x6560];
	_ =	sdelay $0x4  }
0xd6: {  	v2 =	vshll.u32 v1, $0x10  }
0xd7: {  	v1 =	vand.u32 $0xFFFF0000, v1;
	[tilespmem:s6+$0x0] =	vst.add.f32.msk $0xffff, v2  }
0xd8: {  	[tilespmem:s7+$0x0] =	vst.add.f32.msk $0xffff, v1  }
0xd9: {  	v1 =	vld [tilespmem:$0x6570];
	_ =	sdelay $0x4  }
0xda: {  	v2 =	vshll.u32 v1, $0x10  }
0xdb: {  	v1 =	vand.u32 $0xFFFF0000, v1;
	[tilespmem:s8+$0x0] =	vst.add.f32.msk $0xffff, v2  }
0xdc: {  	s4 =	sadd.s32 @!p1 $0x300, s20;
	s24 =	simm.s32 @!p1 $0x6500;
	[tilespmem:s10+$0x0] =	vst.add.f32.msk $0xffff, v1  }
0xdd: {  	[tilespmem:s24], [sflag:$0x3] =	stream.indirect.gather @!p1 [spmem:s2], $0x1, s4, s21, $0xb8;
	[tilespmem:$0x15E28] =	vst v63  }
0xde: {  	_ =	swait.ge [sflag:s9], $0x80  }
0xdf: {  	[sflag:s9] =	ssyncset.done $0x0  }
0xe0: {  	[sflag:s9] =	ssyncadd.s32 $0xFFFFFF80  }
0xe1: {  	v1 =	vld [tilespmem:$0x6580];
	_ =	sdelay $0x4  }
0xe2: {  	v2 =	vshll.u32 v1, $0x10  }
0xe3: {  	v1 =	vand.u32 $0xFFFF0000, v1;
	[tilespmem:s11+$0x0] =	vst.add.f32.msk $0xffff, v2  }
0xe4: {  	[tilespmem:s12+$0x0] =	vst.add.f32.msk $0xffff, v1  }
0xe5: {  	v1 =	vld [tilespmem:$0x6590];
	_ =	sdelay $0x4  }
0xe6: {  	v2 =	vshll.u32 v1, $0x10  }
0xe7: {  	v1 =	vand.u32 $0xFFFF0000, v1;
	[tilespmem:s3+$0x0] =	vst.add.f32.msk $0xffff, v2  }
0xe8: {  	[tilespmem:s16+$0x0] =	vst.add.f32.msk $0xffff, v1  }
0xe9: {  	v1 =	vld [tilespmem:$0x65A0];
	_ =	sdelay $0x4  }
0xea: {  	v2 =	vshll.u32 v1, $0x10  }
0xeb: {  	v1 =	vand.u32 $0xFFFF0000, v1;
	[tilespmem:s15+$0x0] =	vst.add.f32.msk $0xffff, v2  }
0xec: {  	[tilespmem:s26+$0x0] =	vst.add.f32.msk $0xffff, v1  }
0xed: {  	v1 =	vld [tilespmem:$0x65B0];
	_ =	sdelay $0x4  }
0xee: {  	v2 =	vshll.u32 v1, $0x10  }
0xef: {  	v1 =	vand.u32 $0xFFFF0000, v1;
	[tilespmem:s28+$0x0] =	vst.add.f32.msk $0xffff, v2  }
0xf0: {  	[tilespmem:s29+$0x0] =	vst.add.f32.msk $0xffff, v1  }
0xf1: {  	v1 =	vld [tilespmem:$0x65C0];
	_ =	sdelay $0x4  }
0xf2: {  	v2 =	vshll.u32 v1, $0x10  }
0xf3: {  	v1 =	vand.u32 $0xFFFF0000, v1;
	[tilespmem:s30+$0x0] =	vst.add.f32.msk $0xffff, v2  }
0xf4: {  	[tilespmem:s0+$0x0] =	vst.add.f32.msk $0xffff, v1  }
0xf5: {  	v1 =	vld [tilespmem:$0x65D0];
	_ =	sdelay $0x4  }
0xf6: {  	v2 =	vshll.u32 v1, $0x10  }
0xf7: {  	v1 =	vand.u32 $0xFFFF0000, v1;
	[tilespmem:s1+$0x0] =	vst.add.f32.msk $0xffff, v2  }
0xf8: {  	[tilespmem:s13+$0x0] =	vst.add.f32.msk $0xffff, v1  }
0xf9: {  	v1 =	vld [tilespmem:$0x65E0];
	_ =	sdelay $0x4  }
0xfa: {  	v2 =	vshll.u32 v1, $0x10  }
0xfb: {  	v1 =	vand.u32 $0xFFFF0000, v1;
	[tilespmem:s14+$0x0] =	vst.add.f32.msk $0xffff, v2  }
0xfc: {  	[tilespmem:s17+$0x0] =	vst.add.f32.msk $0xffff, v1  }
0xfd: {  	v1 =	vld [tilespmem:$0x65F0];
	_ =	sdelay $0x4  }
0xfe: {  	v2 =	vshll.u32 v1, $0x10  }
0xff: {  	s19 =	sadd.s32 @!p1 $0x800, s19;
	v1 =	vand.u32 $0xFFFF0000, v1;
	[tilespmem:s18+$0x0] =	vst.add.f32.msk $0xffff, v2  }
0x100: {  	p2 =	sne.s32 @!p1 s19, $0x19000;
	s4 =	sadd.s32 @!p1 $0x380, s20;
	s20 =	simm.s32 @!p1 $0x6580;
	[tilespmem:s25+$0x0] =	vst.add.f32.msk $0xffff, v1  }
0x101: {  	[tilespmem:s20], [sflag:$0x4] =	stream.indirect.gather @!p1 [spmem:s2], $0x1, s4, s21, $0xb8;
	[tilespmem:$0x15E28] =	vst v63  }
0x102: {  	p1 =	por p1, !p2  }
.Ltmp0:
0x103: {  	_ = 	snop;
	(pc) =	sbr.rel @!p1 .LBB2_2-.Ltmp0, $1  }
0x104: {  	_ =	sdelay $0x3  }
0x105: {  	v1 =	vld [tilespmem:$0x6600]  }
0x106: {  	v2 =	vld [tilespmem:$0x6800]  }
0x107: {  	v3 =	vld [tilespmem:$0x6610]  }
0x108: {  	v4 =	vld [tilespmem:$0x6810]  }
0x109: {  	v5 =	vld [tilespmem:$0x6620]  }
0x10a: {  	v6 =	vld [tilespmem:$0x6820];
	v1 =	vmul.f32 $1.999999960e-02, v1  }
0x10b: {  	v7 =	vld [tilespmem:$0x6630];
	v2 =	vmul.f32 $1.999999960e-02, v2  }
0x10c: {  	[tilespmem:$0x6600] =	vst v1;
	v1 =	vmul.f32 $1.999999960e-02, v3;
	v3 =	vld [tilespmem:$0x6830]  }
0x10d: {  	v19 =	vld [tilespmem:$0x6640];
	[tilespmem:$0x6800] =	vst v2;
	v2 =	vmul.f32 $1.999999960e-02, v4  }
0x10e: {  	v20 =	vld [tilespmem:$0x6840];
	[tilespmem:$0x6610] =	vst v1;
	v1 =	vmul.f32 $1.999999960e-02, v5  }
0x10f: {  	v21 =	vld [tilespmem:$0x6650];
	[tilespmem:$0x6810] =	vst v2;
	v2 =	vmul.f32 $1.999999960e-02, v6  }
0x110: {  	v22 =	vld [tilespmem:$0x6850];
	[tilespmem:$0x6620] =	vst v1;
	v1 =	vmul.f32 $1.999999960e-02, v7  }
0x111: {  	[tilespmem:$0x6820] =	vst v2;
	v2 =	vmul.f32 $1.999999960e-02, v3;
	v3 =	vld [tilespmem:$0x6660]  }
0x112: {  	v23 =	vld [tilespmem:$0x6860];
	[tilespmem:$0x6630] =	vst v1;
	v1 =	vmul.f32 $1.999999960e-02, v19  }
0x113: {  	v24 =	vld [tilespmem:$0x6670];
	[tilespmem:$0x6830] =	vst v2;
	v2 =	vmul.f32 $1.999999960e-02, v20  }
0x114: {  	v25 =	vld [tilespmem:$0x6870];
	[tilespmem:$0x6640] =	vst v1;
	v1 =	vmul.f32 $1.999999960e-02, v21  }
0x115: {  	v26 =	vld [tilespmem:$0x6680];
	[tilespmem:$0x6840] =	vst v2;
	v2 =	vmul.f32 $1.999999960e-02, v22  }
0x116: {  	[tilespmem:$0x6650] =	vst v1;
	v1 =	vmul.f32 $1.999999960e-02, v3;
	v3 =	vld [tilespmem:$0x6880]  }
0x117: {  	v27 =	vld [tilespmem:$0x6690];
	[tilespmem:$0x6850] =	vst v2;
	v2 =	vmul.f32 $1.999999960e-02, v23  }
0x118: {  	v28 =	vld [tilespmem:$0x6890];
	[tilespmem:$0x6660] =	vst v1;
	v1 =	vmul.f32 $1.999999960e-02, v24  }
0x119: {  	v29 =	vld [tilespmem:$0x66A0];
	[tilespmem:$0x6860] =	vst v2;
	v2 =	vmul.f32 $1.999999960e-02, v25  }
0x11a: {  	v30 =	vld [tilespmem:$0x68A0];
	[tilespmem:$0x6670] =	vst v1;
	v1 =	vmul.f32 $1.999999960e-02, v26  }
0x11b: {  	[tilespmem:$0x6870] =	vst v2;
	v2 =	vmul.f32 $1.999999960e-02, v3;
	v3 =	vld [tilespmem:$0x66B0]  }
0x11c: {  	v31 =	vld [tilespmem:$0x68B0];
	[tilespmem:$0x6680] =	vst v1;
	v1 =	vmul.f32 $1.999999960e-02, v27  }
0x11d: {  	v32 =	vld [tilespmem:$0x66C0];
	[tilespmem:$0x6880] =	vst v2;
	v2 =	vmul.f32 $1.999999960e-02, v28  }
0x11e: {  	v33 =	vld [tilespmem:$0x68C0];
	[tilespmem:$0x6690] =	vst v1;
	v1 =	vmul.f32 $1.999999960e-02, v29  }
0x11f: {  	v34 =	vld [tilespmem:$0x66D0];
	[tilespmem:$0x6890] =	vst v2;
	v2 =	vmul.f32 $1.999999960e-02, v30  }
0x120: {  	[tilespmem:$0x66A0] =	vst v1;
	v1 =	vmul.f32 $1.999999960e-02, v3;
	v3 =	vld [tilespmem:$0x68D0]  }
0x121: {  	v35 =	vld [tilespmem:$0x66E0];
	[tilespmem:$0x68A0] =	vst v2;
	v2 =	vmul.f32 $1.999999960e-02, v31  }
0x122: {  	v36 =	vld [tilespmem:$0x68E0];
	[tilespmem:$0x66B0] =	vst v1;
	v1 =	vmul.f32 $1.999999960e-02, v32  }
0x123: {  	v37 =	vld [tilespmem:$0x66F0];
	[tilespmem:$0x68B0] =	vst v2;
	v2 =	vmul.f32 $1.999999960e-02, v33  }
0x124: {  	v38 =	vld [tilespmem:$0x68F0];
	[tilespmem:$0x66C0] =	vst v1;
	v1 =	vmul.f32 $1.999999960e-02, v34  }
0x125: {  	[tilespmem:$0x68C0] =	vst v2;
	v2 =	vmul.f32 $1.999999960e-02, v3;
	v3 =	vld [tilespmem:$0x6700]  }
0x126: {  	v39 =	vld [tilespmem:$0x6900];
	[tilespmem:$0x66D0] =	vst v1;
	v1 =	vmul.f32 $1.999999960e-02, v35  }
0x127: {  	v40 =	vld [tilespmem:$0x6710];
	[tilespmem:$0x68D0] =	vst v2;
	v2 =	vmul.f32 $1.999999960e-02, v36  }
0x128: {  	v41 =	vld [tilespmem:$0x6910];
	[tilespmem:$0x66E0] =	vst v1;
	v1 =	vmul.f32 $1.999999960e-02, v37  }
0x129: {  	v42 =	vld [tilespmem:$0x6720];
	[tilespmem:$0x68E0] =	vst v2;
	v2 =	vmul.f32 $1.999999960e-02, v38  }
0x12a: {  	[tilespmem:$0x66F0] =	vst v1;
	v1 =	vmul.f32 $1.999999960e-02, v3;
	v3 =	vld [tilespmem:$0x6920]  }
0x12b: {  	v43 =	vld [tilespmem:$0x6730];
	[tilespmem:$0x68F0] =	vst v2;
	v2 =	vmul.f32 $1.999999960e-02, v39  }
0x12c: {  	v44 =	vld [tilespmem:$0x6930];
	[tilespmem:$0x6700] =	vst v1;
	v1 =	vmul.f32 $1.999999960e-02, v40  }
0x12d: {  	v45 =	vld [tilespmem:$0x6740];
	[tilespmem:$0x6900] =	vst v2;
	v2 =	vmul.f32 $1.999999960e-02, v41  }
0x12e: {  	v46 =	vld [tilespmem:$0x6940];
	[tilespmem:$0x6710] =	vst v1;
	v1 =	vmul.f32 $1.999999960e-02, v42  }
0x12f: {  	[tilespmem:$0x6910] =	vst v2;
	v2 =	vmul.f32 $1.999999960e-02, v3;
	v3 =	vld [tilespmem:$0x6750]  }
0x130: {  	v47 =	vld [tilespmem:$0x6950];
	[tilespmem:$0x6720] =	vst v1;
	v1 =	vmul.f32 $1.999999960e-02, v43  }
0x131: {  	v48 =	vld [tilespmem:$0x6760];
	[tilespmem:$0x6920] =	vst v2;
	v2 =	vmul.f32 $1.999999960e-02, v44  }
0x132: {  	v49 =	vld [tilespmem:$0x6960];
	[tilespmem:$0x6730] =	vst v1;
	v1 =	vmul.f32 $1.999999960e-02, v45  }
0x133: {  	v50 =	vld [tilespmem:$0x6770];
	[tilespmem:$0x6930] =	vst v2;
	v2 =	vmul.f32 $1.999999960e-02, v46  }
0x134: {  	[tilespmem:$0x6740] =	vst v1;
	v1 =	vmul.f32 $1.999999960e-02, v3;
	v3 =	vld [tilespmem:$0x6970]  }
0x135: {  	v51 =	vld [tilespmem:$0x6780];
	[tilespmem:$0x6940] =	vst v2;
	v2 =	vmul.f32 $1.999999960e-02, v47  }
0x136: {  	v52 =	vld [tilespmem:$0x6980];
	[tilespmem:$0x6750] =	vst v1;
	v1 =	vmul.f32 $1.999999960e-02, v48  }
0x137: {  	v53 =	vld [tilespmem:$0x6790];
	[tilespmem:$0x6950] =	vst v2;
	v2 =	vmul.f32 $1.999999960e-02, v49  }
0x138: {  	v54 =	vld [tilespmem:$0x6990];
	[tilespmem:$0x6760] =	vst v1;
	v1 =	vmul.f32 $1.999999960e-02, v50  }
0x139: {  	[tilespmem:$0x6960] =	vst v2;
	v2 =	vmul.f32 $1.999999960e-02, v3;
	v3 =	vld [tilespmem:$0x67A0]  }
0x13a: {  	v55 =	vld [tilespmem:$0x69A0];
	[tilespmem:$0x6770] =	vst v1;
	v1 =	vmul.f32 $1.999999960e-02, v51  }
0x13b: {  	v56 =	vld [tilespmem:$0x67B0];
	[tilespmem:$0x6970] =	vst v2;
	v2 =	vmul.f32 $1.999999960e-02, v52  }
0x13c: {  	v57 =	vld [tilespmem:$0x69B0];
	[tilespmem:$0x6780] =	vst v1;
	v1 =	vmul.f32 $1.999999960e-02, v53  }
0x13d: {  	v58 =	vld [tilespmem:$0x67C0];
	[tilespmem:$0x6980] =	vst v2;
	v2 =	vmul.f32 $1.999999960e-02, v54  }
0x13e: {  	[tilespmem:$0x6790] =	vst v1;
	v1 =	vmul.f32 $1.999999960e-02, v3;
	v3 =	vld [tilespmem:$0x69C0]  }
0x13f: {  	v59 =	vld [tilespmem:$0x67D0];
	[tilespmem:$0x6990] =	vst v2;
	v2 =	vmul.f32 $1.999999960e-02, v55  }
0x140: {  	v60 =	vld [tilespmem:$0x69D0];
	[tilespmem:$0x67A0] =	vst v1;
	v1 =	vmul.f32 $1.999999960e-02, v56  }
0x141: {  	v61 =	vld [tilespmem:$0x67E0];
	[tilespmem:$0x69A0] =	vst v2;
	v2 =	vmul.f32 $1.999999960e-02, v57  }
0x142: {  	v62 =	vld [tilespmem:$0x69E0];
	[tilespmem:$0x67B0] =	vst v1;
	v1 =	vmul.f32 $1.999999960e-02, v58  }
0x143: {  	[tilespmem:$0x69B0] =	vst v2;
	v2 =	vmul.f32 $1.999999960e-02, v3;
	v3 =	vld [tilespmem:$0x67F0]  }
0x144: {  	v63 =	vld [tilespmem:$0x69F0];
	[tilespmem:$0x67C0] =	vst v1;
	v1 =	vmul.f32 $1.999999960e-02, v59  }
0x145: {  	[tilespmem:$0x69C0] =	vst v2;
	v2 =	vmul.f32 $1.999999960e-02, v60  }
0x146: {  	[tilespmem:$0x67D0] =	vst v1;
	v1 =	vmul.f32 $1.999999960e-02, v61  }
0x147: {  	[tilespmem:$0x69D0] =	vst v2;
	v2 =	vmul.f32 $1.999999960e-02, v62  }
0x148: {  	[tilespmem:$0x67E0] =	vst v1;
	v1 =	vmul.f32 $1.999999960e-02, v3  }
0x149: {  	[tilespmem:$0x69E0] =	vst v2;
	v2 =	vmul.f32 $1.999999960e-02, v63  }
0x14a: {  	s20 =	simm.s32 $0x0;
	[tilespmem:$0x67F0] =	vst v1  }
0x14b: {  	s4 =	rddreg [dreg:$0x6];
	s0 =	simm.s32 $0x6600;
	s24 =	simm.s32 $0x5;
	[tilespmem:$0x69F0] =	vst v2  }
0x14c: {  	[hbm4b:s4+s20] =	stream.linear.scatter [tilespmem:s0], [sflag:$0x5], $0x200, $0x38;
	[tilespmem:$0x15E28] =	vst v63  }
0x14d: {  	_ =	swait.ge [sflag:s24], $0x200  }
0x14e: {  	[sflag:s24] =	ssyncset.done $0x0  }
0x14f: {  	s21 =	simm.s32 $0x6800;
	s19 =	rddreg [dreg:$0x7];
	[sflag:s24] =	ssyncadd.s32 $0xFFFFFE00  }
0x150: {  	[hbm4b:s19+s20] =	stream.linear.scatter [tilespmem:s21], [sflag:$0x5], $0x200, $0x38;
	[tilespmem:$0x15E28] =	vst v63  }
0x151: {  	_ =	swait.ge [sflag:s24], $0x200  }
0x152: {  	s19 =	rddreg [dreg:$0xc]  }
0x153: {  	s21 =	rddreg [dreg:$0x8];
	s0 =	sadd.s32 $0x1, s19  }
0x154: {  	p1 =	sne.s32 s0, s21  }
.Ltmp1:
0x155: {  	_ = 	snop;
	(pc) =	sbr.rel @p1 .LBB2_1-.Ltmp1, $3  }
0x156: {  	_ =	sdelay $0x1  }
0x157: {  	[sflag:s24] =	ssyncset.done $0x0  }
0x158: {  	[sflag:s24] =	ssyncadd.s32 $0xFFFFFE00  }
0x159: {  	_ =	sfence.sel $0x180000  }
0x15a: {  	[bflag:$0x0] =	sbarrier.arrive $0xFFFF  }
0x15b: {  	_ =	strace $0x90000047  }
0x15c: {  	s0 =	stileid.u32;
	[bflag:$0x2] =	sbarrier.arrive $0xFFFF  }
0x15d: {  	p0 =	sne.s32 s0, $0x0;
	s0 =	rddreg [dreg:$0x2]  }
0x15e: {  	s0 =	sadd.s32 @!p0 $0x100000, s0  }
0x15f: {  	[sflag:s0] =	ssyncadd.tile.s32 @!p0 $0x1;
	_ =	shalt  }
.Lfunc_end2:
_tile_overlayer_lowered:
.L_overlay_start_2:
0x160: {  	(tag) =	ssettag $0x2  }
0x161: {  	s0 =	rddreg [dreg:$0x0];
	s2 =	stileid.u32  }
0x162: {  	s1 =	rddreg [dreg:$0x1];
	p0 =	sne.s32 s2, $0x0  }
0x163: {  	s3 =	rddreg [dreg:$0x2];
	[bflag:$0x3] =	sbarrier.arrive $0xFFFF;
	s2 =	simm.s32 @!p0 $0x1C05  }
0x164: {  	[timem:s3], [sflag:s2] =	dma.local @!p0 [hbm:s0], s1  }
0x165: {  	s0 =	simm.s32 @!p0 $0x5  }
0x166: {  	_ =	swait.ge @!p0 [sflag:s0], s1  }
0x167: {  	s1 =	ssub.s32 @!p0 $0x0, s1;
	[sflag:s0] =	ssyncset.done @!p0 $0x0  }
0x168: {  	[sflag:s0] =	ssyncadd.s32 @!p0 s1  }
0x169: {  	[bflag:$0x3] =	sbarrier.arrive $0xFFFF  }
0x16a: {  	_ =	shalt  }

</sc_bundles>
